<compile_context>
chip_gen: v7x
topology: tpu7x:2x2x1
jax: 0.10.2.dev20260603
libtpu: 0.0.44.dev20260713+nightly
codegen_flags: <defaults>
</compile_context>

<pallas_src>
import functools

import jax
import jax.numpy as jnp
from jax import lax
from jax.experimental import pallas as pl
from jax.experimental.pallas import tpu as pltpu
from jax.experimental.pallas import tpu_sc as plsc

N = 10000
E = 160000
D = 256
DH = 128
NC = 2
NS = 16
NPAD = 10240
HS = 12800
DW = 16

_MESH = plsc.VectorSubcoreMesh(
    core_axis_name="c", subcore_axis_name="s", num_cores=NC, num_subcores=NS
)


DEG_B = 125
DEG_NB = 40


@functools.partial(
    pl.kernel,
    out_type=jax.ShapeDtypeStruct((NC, NPAD, DW), jnp.float32),
    mesh=_MESH,
    scratch_types=[
        pltpu.VMEM((DEG_NB, DEG_B), jnp.int32),
        pltpu.VMEM((DEG_B, DW), jnp.float32),
        pltpu.VMEM((16, DW), jnp.float32),
        pltpu.VMEM_SHARED((NPAD, DW), jnp.float32),
        pltpu.SemaphoreType.DMA,
    ],
)
def _deg_kernel(row_hbm, degp_hbm, ridx, ones_v, zbuf, acc, sem):
    cid = lax.axis_index("c")
    sid = lax.axis_index("s")
    wid = cid * NS + sid

    pltpu.async_copy(row_hbm.at[wid], ridx, sem)

    def fill_ones(i, _):
        ones_v[i, :] = jnp.ones((DW,), jnp.float32)
        return 0

    lax.fori_loop(0, DEG_B, fill_ones, 0)

    def fill_zero(i, _):
        zbuf[i, :] = jnp.zeros((DW,), jnp.float32)
        return 0

    lax.fori_loop(0, 16, fill_zero, 0)

    def zero_acc(t, _):
        pltpu.sync_copy(zbuf, acc.at[pl.ds(sid * 640 + t * 16, 16)])
        return 0

    lax.fori_loop(0, 40, zero_acc, 0)
    pltpu.make_async_copy(row_hbm.at[0], ridx, sem).wait()
    plsc.subcore_barrier()

    def body(k, _):
        pltpu.sync_copy(ones_v, acc.at[ridx.at[k]], add=True)
        return 0

    lax.fori_loop(0, DEG_NB, body, 0)
    plsc.subcore_barrier()

    pltpu.sync_copy(
        acc.at[pl.ds(sid * 640, 640)], degp_hbm.at[cid, pl.ds(sid * 640, 640)]
    )



AGG_B = 80
AGG_NB = 125


@functools.partial(
    pl.kernel,
    out_type=jax.ShapeDtypeStruct((NC * HS, DH), jnp.float32),
    mesh=_MESH,
    scratch_types=[
        pltpu.VMEM((AGG_B, DH), jnp.float32),
        pltpu.VMEM((AGG_B, DH), jnp.float32),
        pltpu.VMEM((AGG_B, DH), jnp.float32),
        pltpu.VMEM((AGG_B,), jnp.int32),
        pltpu.VMEM((AGG_B,), jnp.int32),
        pltpu.VMEM((AGG_B,), jnp.int32),
        pltpu.VMEM((AGG_NB, AGG_B), jnp.int32),
        pltpu.VMEM((8, DH), jnp.float32),
        pltpu.VMEM_SHARED((NS * 632, DH), jnp.float32),
        pltpu.SemaphoreType.DMA,
        pltpu.SemaphoreType.DMA,
        pltpu.SemaphoreType.DMA,
        pltpu.SemaphoreType.DMA,
        pltpu.SemaphoreType.DMA,
        pltpu.SemaphoreType.DMA,
        pltpu.SemaphoreType.DMA,
        pltpu.SemaphoreType.DMA,
        pltpu.SemaphoreType.DMA,
    ],
)
def _agg_kernel(
    row_hbm, col_hbm, g_hbm, s_hbm,
    buf0, buf1, buf2, r0, r1, r2, cidx, zbuf, acc,
    sg0, sg1, sg2, ss0, ss1, ss2, si0, si1, si2,
):
    cid = lax.axis_index("c")
    sid = lax.axis_index("s")
    goff = cid * HS
    ebase = sid * AGG_NB * AGG_B

    pltpu.async_copy(col_hbm.at[sid], cidx, si0)

    def fill_zero(i, _):
        def inner(j, _):
            zbuf[i, pl.ds(j * 16, 16)] = jnp.zeros((16,), jnp.float32)
            return 0

        lax.fori_loop(0, DH // 16, inner, 0)
        return 0

    lax.fori_loop(0, 8, fill_zero, 0)

    def zero_acc(t, _):
        pltpu.sync_copy(zbuf, acc.at[pl.ds(sid * 632 + t * 8, 8)])
        return 0

    lax.fori_loop(0, 79, zero_acc, 0)
    pltpu.make_async_copy(col_hbm.at[0], cidx, si0).wait()
    plsc.subcore_barrier()

    bufs = (buf0, buf1, buf2)
    ridxs = (r0, r1, r2)
    sgs = (sg0, sg1, sg2)
    sss = (ss0, ss1, ss2)
    sis = (si0, si1, si2)

    def start_idx(k, r, sem):
        pltpu.async_copy(row_hbm.at[pl.ds(ebase + k * AGG_B, AGG_B)], r, sem)

    def adjust(r):
        def adj(i, _):
            r[pl.ds(i * 16, 16)] = r[pl.ds(i * 16, 16)] + goff
            return 0

        lax.fori_loop(0, AGG_B // 16, adj, 0)

    def start_gather(r, buf, sem):
        pltpu.async_copy(g_hbm.at[r], buf, sem)

    def gdrain(buf, sem):
        pltpu.make_async_copy(g_hbm.at[pl.ds(0, AGG_B)], buf, sem).wait()

    def idrain(r, sem):
        pltpu.make_async_copy(row_hbm.at[pl.ds(0, AGG_B)], r, sem).wait()

    for j in range(2):
        start_idx(j, ridxs[j], sis[j])
        idrain(ridxs[j], sis[j])
        adjust(ridxs[j])
        start_gather(ridxs[j], bufs[j], sgs[j])
    start_idx(2, r2, si2)

    def step(k, p):
        q = (p + 2) % 3
        gdrain(bufs[p], sgs[p])
        pltpu.async_copy(bufs[p], acc.at[cidx.at[k]], sss[p], add=True)

        @pl.when(k + 3 < AGG_NB)
        def _():
            start_idx(k + 3, ridxs[p], sis[p])

        @pl.when(k + 2 < AGG_NB)
        def _():
            idrain(ridxs[q], sis[q])
            adjust(ridxs[q])

            @pl.when(k >= 1)
            def _():
                gdrain(bufs[q], sss[q])

            start_gather(ridxs[q], bufs[q], sgs[q])

    def body(k, _):
        for p in range(3):
            @pl.when(k % 3 == p)
            def _(p=p):
                step(k, p)

        return 0

    lax.fori_loop(0, AGG_NB, body, 0)
    for p in range(3):
        gdrain(bufs[p], sss[p])
    plsc.subcore_barrier()

    pltpu.sync_copy(
        acc.at[pl.ds(sid * 632, 632)],
        s_hbm.at[pl.ds(goff + sid * 632, 632)],
    )



RBLK = 400
NRB = N // RBLK
_DN = (((1,), (1,)), ((), ()))


def _dis(d_ref):
    deg = d_ref[0, :, 0:1] + d_ref[1, :, 0:1] + 1.0
    return lax.rsqrt(deg)


def _k1_body(x_ref, w_ref, b_ref, d_ref, o_ref):
    h = lax.dot_general(
        x_ref[...], w_ref[...], _DN, preferred_element_type=jnp.float32
    )
    dis = _dis(d_ref)
    o_ref[0] = dis * (h[:, :DH] + b_ref[0])
    o_ref[1] = dis * (h[:, DH:] + b_ref[1])


def _k1(x, W1, b1r, degp):
    return pl.pallas_call(
        _k1_body,
        grid=(NRB,),
        in_specs=[
            pl.BlockSpec((RBLK, D), lambda i: (i, 0)),
            pl.BlockSpec((D, D), lambda i: (0, 0)),
            pl.BlockSpec((NC, 1, DH), lambda i: (0, 0, 0)),
            pl.BlockSpec((NC, RBLK, DW), lambda i: (0, i, 0)),
        ],
        out_specs=pl.BlockSpec((NC, RBLK, DH), lambda i: (0, i, 0)),
        out_shape=jax.ShapeDtypeStruct((NC, HS, DH), jnp.float32),
    )(x, W1, b1r, degp)


def _k2_body(s_ref, g_ref, d_ref, w_ref, b_ref, o_ref):
    dis = _dis(d_ref)
    tlo = jnp.maximum(dis * (s_ref[0] + g_ref[0]), 0.0)
    thi = jnp.maximum(dis * (s_ref[1] + g_ref[1]), 0.0)
    t = jnp.concatenate([tlo, thi], axis=1)
    h = lax.dot_general(t, w_ref[...], _DN, preferred_element_type=jnp.float32)
    o_ref[0] = dis * (h[:, :DH] + b_ref[0])
    o_ref[1] = dis * (h[:, DH:] + b_ref[1])


def _k2(s1, g1, degp, W2, b2r):
    half = pl.BlockSpec((NC, RBLK, DH), lambda i: (0, i, 0))
    return pl.pallas_call(
        _k2_body,
        grid=(NRB,),
        in_specs=[
            half, half,
            pl.BlockSpec((NC, RBLK, DW), lambda i: (0, i, 0)),
            pl.BlockSpec((D, D), lambda i: (0, 0)),
            pl.BlockSpec((NC, 1, DH), lambda i: (0, 0, 0)),
        ],
        out_specs=pl.BlockSpec((NC, RBLK, DH), lambda i: (0, i, 0)),
        out_shape=jax.ShapeDtypeStruct((NC, HS, DH), jnp.float32),
    )(s1, g1, degp, W2, b2r)


def _k3_body(s_ref, g_ref, d_ref, o_ref):
    dis = _dis(d_ref)
    lo = s_ref[0] + g_ref[0]
    hi = s_ref[1] + g_ref[1]
    o_ref[...] = dis * jnp.concatenate([lo, hi], axis=1)


def _k3(s2, g2, degp):
    half = pl.BlockSpec((NC, RBLK, DH), lambda i: (0, i, 0))
    return pl.pallas_call(
        _k3_body,
        grid=(NRB,),
        in_specs=[
            half, half,
            pl.BlockSpec((NC, RBLK, DW), lambda i: (0, i, 0)),
        ],
        out_specs=pl.BlockSpec((RBLK, D), lambda i: (i, 0)),
        out_shape=jax.ShapeDtypeStruct((N, D), jnp.float32),
    )(s2, g2, degp)




def kernel(x, edge_index, W1, b1, W2, b2):
    row = edge_index[:, 0].astype(jnp.int32)
    col = edge_index[:, 1].astype(jnp.int32)
    row_a = row
    col_a = col.reshape(NS, AGG_NB, AGG_B)
    degp = _deg_kernel(row.reshape(NC * NS, DEG_NB, DEG_B))
    g1 = _k1(x, W1, b1.reshape(NC, 1, DH), degp)
    s1 = _agg_kernel(row_a, col_a, g1.reshape(NC * HS, DH)).reshape(NC, HS, DH)
    g2 = _k2(s1, g1, degp, W2, b2.reshape(NC, 1, DH))
    s2 = _agg_kernel(row_a, col_a, g2.reshape(NC * HS, DH)).reshape(NC, HS, DH)
    return _k3(s2, g2, degp)

# --- scband reference (transcript-rebuilt; emitter-appended) ---
"""Pipeline reference for scband-graph-net-29703993819984 (READ-ONLY COPY).

The authoritative reference and input builder live on the scoring server;
editing this copy changes nothing except your own understanding.
"""

import jax, jax.numpy as jnp
import numpy as np

N_NODES = 10000
N_EDGES = 160000
D_IN = 256
D_HID = 256
D_OUT = 256


def _linear_init(key, out_f, in_f):
    k1, k2 = jax.random.split(key)
    bound = 1.0 / np.sqrt(in_f)
    W = jax.random.uniform(k1, (out_f, in_f), minval=-bound, maxval=bound, dtype=jnp.float32)
    b = jax.random.uniform(k2, (out_f,), minval=-bound, maxval=bound, dtype=jnp.float32)
    return W, b


def setup_inputs(seed: int = 0) -> dict:
    key = jax.random.key(seed)
    k_x, k_e, k_w1, k_w2 = jax.random.split(key, 4)
    x = jax.random.normal(k_x, (N_NODES, D_IN), dtype=jnp.float32)
    edge_index = jax.random.randint(k_e, (N_EDGES, 2), 0, N_NODES, dtype=jnp.int64)
    W1, b1 = _linear_init(k_w1, D_HID, D_IN)
    W2, b2 = _linear_init(k_w2, D_OUT, D_HID)
    return {"x": x, "edge_index": edge_index, "W1": W1, "b1": b1, "W2": W2, "b2": b2}


def _gcn_conv(x, row, col, W, b):
    # x: [N, d_in]; row/col: [E+N] (with self loops already appended)
    N = x.shape[0]
    h = x @ W.T + b
    deg = jnp.zeros((N,), dtype=h.dtype).at[row].add(1.0)
    deg_inv_sqrt = deg ** -0.5
    norm = deg_inv_sqrt[row] * deg_inv_sqrt[col]
    msg = norm[:, None] * h[row]
    out = jax.ops.segment_sum(msg, col, num_segments=N)
    return out


def reference(x, edge_index, W1, b1, W2, b2):
    N = x.shape[0]
    ei = edge_index.T  # [2, E]
    loops = jnp.arange(N, dtype=ei.dtype)
    row = jnp.concatenate([ei[0], loops])
    col = jnp.concatenate([ei[1], loops])
    h = jax.nn.relu(_gcn_conv(x, row, col, W1, b1))
    out = _gcn_conv(h, row, col, W2, b2)
    return out

if __name__ == "__main__":
    import jax
    _d = setup_inputs()
    print(jax.jit(kernel)(*tuple(_d.values())))

</pallas_src>

<mosaic_0001>
#map = affine_map<(d0, d1) -> (0)>
#map1 = affine_map<(d0, d1) -> (0, 0, 0)>
#map2 = affine_map<(d0, d1) -> (0, 0)>
module attributes {stable_mosaic.version = 14 : i64} {
  func.func @_agg_kernel(%arg0: i32, %arg1: i32, %arg2: memref<160000xi32, #tpu.memory_space<hbm>>, %arg3: memref<16x125x80xi32, #tpu.memory_space<hbm>>, %arg4: memref<25600x128xf32, #tpu.memory_space<hbm>>, %arg5: memref<25600x128xf32, #tpu.memory_space<hbm>>, %arg6: memref<80x128xf32, #tpu.memory_space<vmem>>, %arg7: memref<80x128xf32, #tpu.memory_space<vmem>>, %arg8: memref<80x128xf32, #tpu.memory_space<vmem>>, %arg9: memref<80xi32, #tpu.memory_space<vmem>>, %arg10: memref<80xi32, #tpu.memory_space<vmem>>, %arg11: memref<80xi32, #tpu.memory_space<vmem>>, %arg12: memref<125x80xi32, #tpu.memory_space<vmem>>, %arg13: memref<8x128xf32, #tpu.memory_space<vmem>>, %arg14: memref<10112x128xf32, #tpu.memory_space<vmem_shared>>, %arg15: memref<!tpu.dma_semaphore, #tpu.memory_space<semaphore_mem>>, %arg16: memref<!tpu.dma_semaphore, #tpu.memory_space<semaphore_mem>>, %arg17: memref<!tpu.dma_semaphore, #tpu.memory_space<semaphore_mem>>, %arg18: memref<!tpu.dma_semaphore, #tpu.memory_space<semaphore_mem>>, %arg19: memref<!tpu.dma_semaphore, #tpu.memory_space<semaphore_mem>>, %arg20: memref<!tpu.dma_semaphore, #tpu.memory_space<semaphore_mem>>, %arg21: memref<!tpu.dma_semaphore, #tpu.memory_space<semaphore_mem>>, %arg22: memref<!tpu.dma_semaphore, #tpu.memory_space<semaphore_mem>>, %arg23: memref<!tpu.dma_semaphore, #tpu.memory_space<semaphore_mem>>) attributes {dimension_semantics = [#tpu.dimension_semantics<core_parallel>, #tpu.dimension_semantics<subcore_parallel>], iteration_bounds = array<i64: 2, 16>, scalar_prefetch = 0 : i64, scratch_operands = 18 : i64, tpu.core_type = #tpu.core_type<sc_vector_subcore>, window_params = [{transform_indices = #map}, {transform_indices = #map1}, {transform_indices = #map2}, {transform_indices = #map2}]} {
    %mul3A = arith.constant 12800 : i32
    %mul3A_0 = arith.muli %arg0, %mul3A : i32
    %mul3A_1 = arith.constant 125 : i32
    %mul3A_2 = arith.muli %arg1, %mul3A_1 : i32
    %mul3A_3 = arith.constant 80 : i32
    %mul3A_4 = arith.muli %mul3A_2, %mul3A_3 : i32
    %dma_start3A = arith.constant 0 : i32
    %dma_start3A_5 = arith.constant 0 : i32
    %dma_start3A_6 = tpu.memref_slice %arg3[%arg1, %dma_start3A, %dma_start3A_5] : memref<16x125x80xi32, #tpu.memory_space<hbm>> -> memref<1x125x80xi32, #tpu.memory_space<hbm>>
    %dma_start3A_7 = tpu.memref_squeeze %dma_start3A_6 : memref<1x125x80xi32, #tpu.memory_space<hbm>> -> memref<125x80xi32, #tpu.memory_space<hbm>>
    %dma_start3A_8 = arith.constant 0 : i32
    %dma_start3A_9 = arith.constant 0 : i32
    %dma_start3A_10 = tpu.memref_slice %arg3[%arg1, %dma_start3A_8, %dma_start3A_9] : memref<16x125x80xi32, #tpu.memory_space<hbm>> -> memref<1x125x80xi32, #tpu.memory_space<hbm>>
    %dma_start3A_11 = tpu.memref_squeeze %dma_start3A_10 : memref<1x125x80xi32, #tpu.memory_space<hbm>> -> memref<125x80xi32, #tpu.memory_space<hbm>>
    tpu.enqueue_dma source(%dma_start3A_11 : memref<125x80xi32, #tpu.memory_space<hbm>>) target(%arg12 : memref<125x80xi32, #tpu.memory_space<vmem>>) target_semaphore(%arg21 : memref<!tpu.dma_semaphore, #tpu.memory_space<semaphore_mem>>)
    %scan3A = arith.constant 0 : i32
    %scan3A_12 = arith.constant 0 : i32
    %scan3A_13 = arith.constant 8 : i32
    %scan3A_14 = arith.addi %scan3A_12, %scan3A_13 : i32
    %scan3A_15 = arith.constant 1 : i32
    %scan3A_16 = scf.for %scan3A_103 = %scan3A_12 to %scan3A_14 step %scan3A_15 iter_args(%scan3A_104 = %scan3A) -> (i32)  : i32 {
      %scan3A_105 = arith.constant 0 : i32
      %scan3A_106 = arith.constant 0 : i32
      %scan3A_107 = arith.constant 8 : i32
      %scan3A_108 = arith.addi %scan3A_106, %scan3A_107 : i32
      %scan3A_109 = arith.constant 1 : i32
      %scan3A_110 = scf.for %scan3A_113 = %scan3A_106 to %scan3A_108 step %scan3A_109 iter_args(%scan3A_114 = %scan3A_105) -> (i32)  : i32 {
        %broadcast_in_dim3A = arith.constant 0.000000e+00 : f32
        %broadcast_in_dim3A_115 = vector.broadcast %broadcast_in_dim3A : f32 to vector<16xf32>
        %mul3A_116 = arith.constant 16 : i32
        %mul3A_117 = arith.muli %scan3A_113, %mul3A_116 : i32
        %swap3A = arith.index_cast %scan3A_103 : i32 to index
        %swap3A_118 = arith.index_cast %mul3A_117 : i32 to index
        %swap3A_119 = tpu.vector_load %arg13[%swap3A, %swap3A_118] {strides = array<i32>} : memref<8x128xf32, #tpu.memory_space<vmem>>, vector<1x16xf32>,
        %swap3A_120 = vector.shape_cast %swap3A_119 : vector<1x16xf32> to vector<16xf32>
        %swap3A_121 = vector.shape_cast %broadcast_in_dim3A_115 : vector<16xf32> to vector<1x16xf32>
        tpu.vector_store %arg13[%swap3A, %swap3A_118], %swap3A_121 {strides = array<i32>} : memref<8x128xf32, #tpu.memory_space<vmem>>, vector<1x16xf32>,
        %scan3A_122 = arith.constant 0 : i32
        scf.yield %scan3A_122 : i32
      }
      %scan3A_111 = arith.constant 8 : i32
      %scan3A_112 = arith.constant 0 : i32
      scf.yield %scan3A_112 : i32
    }
    %scan3A_17 = arith.constant 8 : i32
    %scan3A_18 = arith.constant 0 : i32
    %scan3A_19 = arith.constant 0 : i32
    %scan3A_20 = arith.constant 79 : i32
    %scan3A_21 = arith.addi %scan3A_19, %scan3A_20 : i32
    %scan3A_22 = arith.constant 1 : i32
    %scan3A_23 = scf.for %scan3A_103 = %scan3A_19 to %scan3A_21 step %scan3A_22 iter_args(%scan3A_104 = %scan3A_18) -> (i32)  : i32 {
      %mul3A_105 = arith.constant 632 : i32
      %mul3A_106 = arith.muli %arg1, %mul3A_105 : i32
      %mul3A_107 = arith.constant 8 : i32
      %mul3A_108 = arith.muli %scan3A_103, %mul3A_107 : i32
      %add3A_109 = arith.addi %mul3A_106, %mul3A_108 : i32
      "tpu.region"() ({
        %run_scoped3A = tpu.sem_alloc : memref<!tpu.dma_semaphore, #tpu.memory_space<semaphore_mem>>
        %dma_start3A_111 = arith.constant 0 : i32
        %dma_start3A_112 = tpu.memref_slice %arg14[%add3A_109, %dma_start3A_111] : memref<10112x128xf32, #tpu.memory_space<vmem_shared>> -> memref<8x128xf32, #tpu.memory_space<vmem_shared>>
        %dma_start3A_113 = arith.constant 0 : i32
        %dma_start3A_114 = tpu.memref_slice %arg14[%add3A_109, %dma_start3A_113] : memref<10112x128xf32, #tpu.memory_space<vmem_shared>> -> memref<8x128xf32, #tpu.memory_space<vmem_shared>>
        tpu.enqueue_dma source(%arg13 : memref<8x128xf32, #tpu.memory_space<vmem>>) target(%dma_start3A_114 : memref<8x128xf32, #tpu.memory_space<vmem_shared>>) target_semaphore(%run_scoped3A : memref<!tpu.dma_semaphore, #tpu.memory_space<semaphore_mem>>)
        %dma_wait3A_115 = arith.constant 0 : i32
        %dma_wait3A_116 = tpu.memref_slice %arg14[%add3A_109, %dma_wait3A_115] : memref<10112x128xf32, #tpu.memory_space<vmem_shared>> -> memref<8x128xf32, #tpu.memory_space<vmem_shared>>
        %dma_wait3A_117 = arith.constant 0 : i32
        %dma_wait3A_118 = tpu.memref_slice %arg14[%add3A_109, %dma_wait3A_117] : memref<10112x128xf32, #tpu.memory_space<vmem_shared>> -> memref<8x128xf32, #tpu.memory_space<vmem_shared>>
        tpu.wait_dma2 semaphore(%run_scoped3A : memref<!tpu.dma_semaphore, #tpu.memory_space<semaphore_mem>>) src(%arg13 : memref<8x128xf32, #tpu.memory_space<vmem>>) dst(%dma_wait3A_118 : memref<8x128xf32, #tpu.memory_space<vmem_shared>>)
        tpu.yield
      }) : () -> ()
      %scan3A_110 = arith.constant 0 : i32
      scf.yield %scan3A_110 : i32
    }
    %scan3A_24 = arith.constant 79 : i32
    %dma_wait3A = arith.constant 0 : i32
    %dma_wait3A_25 = arith.constant 0 : i32
    %dma_wait3A_26 = arith.constant 0 : i32
    %dma_wait3A_27 = tpu.memref_slice %arg3[%dma_wait3A, %dma_wait3A_25, %dma_wait3A_26] : memref<16x125x80xi32, #tpu.memory_space<hbm>> -> memref<1x125x80xi32, #tpu.memory_space<hbm>>
    %dma_wait3A_28 = tpu.memref_squeeze %dma_wait3A_27 : memref<1x125x80xi32, #tpu.memory_space<hbm>> -> memref<125x80xi32, #tpu.memory_space<hbm>>
    %dma_wait3A_29 = arith.constant 0 : i32
    %dma_wait3A_30 = arith.constant 0 : i32
    %dma_wait3A_31 = tpu.memref_slice %arg3[%dma_wait3A, %dma_wait3A_29, %dma_wait3A_30] : memref<16x125x80xi32, #tpu.memory_space<hbm>> -> memref<1x125x80xi32, #tpu.memory_space<hbm>>
    %dma_wait3A_32 = tpu.memref_squeeze %dma_wait3A_31 : memref<1x125x80xi32, #tpu.memory_space<hbm>> -> memref<125x80xi32, #tpu.memory_space<hbm>>
    tpu.wait_dma2 semaphore(%arg21 : memref<!tpu.dma_semaphore, #tpu.memory_space<semaphore_mem>>) src(%dma_wait3A_32 : memref<125x80xi32, #tpu.memory_space<hbm>>) dst(%arg12 : memref<125x80xi32, #tpu.memory_space<vmem>>)
    %barrier3A = arith.constant 0 : index
    tpu.barrier barrier_id(%barrier3A)
    %add3A = arith.constant 0 : i32
    %add3A_33 = arith.addi %mul3A_4, %add3A : i32
    %dma_start3A_34 = tpu.memref_slice %arg2[%add3A_33] : memref<160000xi32, #tpu.memory_space<hbm>> -> memref<80xi32, #tpu.memory_space<hbm>>
    %dma_start3A_35 = tpu.memref_slice %arg2[%add3A_33] : memref<160000xi32, #tpu.memory_space<hbm>> -> memref<80xi32, #tpu.memory_space<hbm>>
    tpu.enqueue_dma source(%dma_start3A_35 : memref<80xi32, #tpu.memory_space<hbm>>) target(%arg9 : memref<80xi32, #tpu.memory_space<vmem>>) target_semaphore(%arg21 : memref<!tpu.dma_semaphore, #tpu.memory_space<semaphore_mem>>)
    %dma_wait3A_36 = arith.constant 0 : i32
    %dma_wait3A_37 = tpu.memref_slice %arg2[%dma_wait3A_36] : memref<160000xi32, #tpu.memory_space<hbm>> -> memref<80xi32, #tpu.memory_space<hbm>>
    %dma_wait3A_38 = arith.constant 0 : i32
    %dma_wait3A_39 = tpu.memref_slice %arg2[%dma_wait3A_38] : memref<160000xi32, #tpu.memory_space<hbm>> -> memref<80xi32, #tpu.memory_space<hbm>>
    tpu.wait_dma2 semaphore(%arg21 : memref<!tpu.dma_semaphore, #tpu.memory_space<semaphore_mem>>) src(%dma_wait3A_39 : memref<80xi32, #tpu.memory_space<hbm>>) dst(%arg9 : memref<80xi32, #tpu.memory_space<vmem>>)
    %scan3A_40 = arith.constant 0 : i32
    %scan3A_41 = arith.constant 0 : i32
    %scan3A_42 = arith.constant 5 : i32
    %scan3A_43 = arith.addi %scan3A_41, %scan3A_42 : i32
    %scan3A_44 = arith.constant 1 : i32
    %scan3A_45 = scf.for %scan3A_103 = %scan3A_41 to %scan3A_43 step %scan3A_44 iter_args(%scan3A_104 = %scan3A_40) -> (i32)  : i32 {
      %mul3A_105 = arith.constant 16 : i32
      %mul3A_106 = arith.muli %scan3A_103, %mul3A_105 : i32
      %get3A = arith.index_cast %mul3A_106 : i32 to index
      %get3A_107 = tpu.vector_load %arg9[%get3A] {strides = array<i32>} : memref<80xi32, #tpu.memory_space<vmem>>, vector<16xi32>,
      %get3A_108 = vector.shape_cast %get3A_107 : vector<16xi32> to vector<16xi32>
      %add3A_109 = vector.broadcast %mul3A_0 : i32 to vector<16xi32>
      %add3A_110 = arith.addi %get3A_108, %add3A_109 : vector<16xi32>
      %mul3A_111 = arith.constant 16 : i32
      %mul3A_112 = arith.muli %scan3A_103, %mul3A_111 : i32
      %swap3A = arith.index_cast %mul3A_112 : i32 to index
      %swap3A_113 = tpu.vector_load %arg9[%swap3A] {strides = array<i32>} : memref<80xi32, #tpu.memory_space<vmem>>, vector<16xi32>,
      %swap3A_114 = vector.shape_cast %swap3A_113 : vector<16xi32> to vector<16xi32>
      %swap3A_115 = vector.shape_cast %add3A_110 : vector<16xi32> to vector<16xi32>
      tpu.vector_store %arg9[%swap3A], %swap3A_115 {strides = array<i32>} : memref<80xi32, #tpu.memory_space<vmem>>, vector<16xi32>,
      %scan3A_116 = arith.constant 0 : i32
      scf.yield %scan3A_116 : i32
    }
    %scan3A_46 = arith.constant 5 : i32
    %dma_start3A_47 = arith.constant 0 : i32
    %dma_start3A_48 = arith.constant 0 : i32
    %dma_start3A_49 = tpu.memref_slice %arg4[%dma_start3A_47, %dma_start3A_48] : memref<25600x128xf32, #tpu.memory_space<hbm>> -> memref<25600x128xf32, #tpu.memory_space<hbm>>
    tpu.enqueue_indirect_dma source(%dma_start3A_49 : memref<25600x128xf32, #tpu.memory_space<hbm>>) target(%arg6 : memref<80x128xf32, #tpu.memory_space<vmem>>) offsets(%arg9 : memref<80xi32, #tpu.memory_space<vmem>>) semaphore(%arg15 : memref<!tpu.dma_semaphore, #tpu.memory_space<semaphore_mem>>)
    %add3A_50 = arith.constant 80 : i32
    %add3A_51 = arith.addi %mul3A_4, %add3A_50 : i32
    %dma_start3A_52 = tpu.memref_slice %arg2[%add3A_51] : memref<160000xi32, #tpu.memory_space<hbm>> -> memref<80xi32, #tpu.memory_space<hbm>>
    %dma_start3A_53 = tpu.memref_slice %arg2[%add3A_51] : memref<160000xi32, #tpu.memory_space<hbm>> -> memref<80xi32, #tpu.memory_space<hbm>>
    tpu.enqueue_dma source(%dma_start3A_53 : memref<80xi32, #tpu.memory_space<hbm>>) target(%arg10 : memref<80xi32, #tpu.memory_space<vmem>>) target_semaphore(%arg22 : memref<!tpu.dma_semaphore, #tpu.memory_space<semaphore_mem>>)
    %dma_wait3A_54 = arith.constant 0 : i32
    %dma_wait3A_55 = tpu.memref_slice %arg2[%dma_wait3A_54] : memref<160000xi32, #tpu.memory_space<hbm>> -> memref<80xi32, #tpu.memory_space<hbm>>
    %dma_wait3A_56 = arith.constant 0 : i32
    %dma_wait3A_57 = tpu.memref_slice %arg2[%dma_wait3A_56] : memref<160000xi32, #tpu.memory_space<hbm>> -> memref<80xi32, #tpu.memory_space<hbm>>
    tpu.wait_dma2 semaphore(%arg22 : memref<!tpu.dma_semaphore, #tpu.memory_space<semaphore_mem>>) src(%dma_wait3A_57 : memref<80xi32, #tpu.memory_space<hbm>>) dst(%arg10 : memref<80xi32, #tpu.memory_space<vmem>>)
    %scan3A_58 = arith.constant 0 : i32
    %scan3A_59 = arith.constant 0 : i32
    %scan3A_60 = arith.constant 5 : i32
    %scan3A_61 = arith.addi %scan3A_59, %scan3A_60 : i32
    %scan3A_62 = arith.constant 1 : i32
    %scan3A_63 = scf.for %scan3A_103 = %scan3A_59 to %scan3A_61 step %scan3A_62 iter_args(%scan3A_104 = %scan3A_58) -> (i32)  : i32 {
      %mul3A_105 = arith.constant 16 : i32
      %mul3A_106 = arith.muli %scan3A_103, %mul3A_105 : i32
      %get3A = arith.index_cast %mul3A_106 : i32 to index
      %get3A_107 = tpu.vector_load %arg10[%get3A] {strides = array<i32>} : memref<80xi32, #tpu.memory_space<vmem>>, vector<16xi32>,
      %get3A_108 = vector.shape_cast %get3A_107 : vector<16xi32> to vector<16xi32>
      %add3A_109 = vector.broadcast %mul3A_0 : i32 to vector<16xi32>
      %add3A_110 = arith.addi %get3A_108, %add3A_109 : vector<16xi32>
      %mul3A_111 = arith.constant 16 : i32
      %mul3A_112 = arith.muli %scan3A_103, %mul3A_111 : i32
      %swap3A = arith.index_cast %mul3A_112 : i32 to index
      %swap3A_113 = tpu.vector_load %arg10[%swap3A] {strides = array<i32>} : memref<80xi32, #tpu.memory_space<vmem>>, vector<16xi32>,
      %swap3A_114 = vector.shape_cast %swap3A_113 : vector<16xi32> to vector<16xi32>
      %swap3A_115 = vector.shape_cast %add3A_110 : vector<16xi32> to vector<16xi32>
      tpu.vector_store %arg10[%swap3A], %swap3A_115 {strides = array<i32>} : memref<80xi32, #tpu.memory_space<vmem>>, vector<16xi32>,
      %scan3A_116 = arith.constant 0 : i32
      scf.yield %scan3A_116 : i32
    }
    %scan3A_64 = arith.constant 5 : i32
    %dma_start3A_65 = arith.constant 0 : i32
    %dma_start3A_66 = arith.constant 0 : i32
    %dma_start3A_67 = tpu.memref_slice %arg4[%dma_start3A_65, %dma_start3A_66] : memref<25600x128xf32, #tpu.memory_space<hbm>> -> memref<25600x128xf32, #tpu.memory_space<hbm>>
    tpu.enqueue_indirect_dma source(%dma_start3A_67 : memref<25600x128xf32, #tpu.memory_space<hbm>>) target(%arg7 : memref<80x128xf32, #tpu.memory_space<vmem>>) offsets(%arg10 : memref<80xi32, #tpu.memory_space<vmem>>) semaphore(%arg16 : memref<!tpu.dma_semaphore, #tpu.memory_space<semaphore_mem>>)
    %add3A_68 = arith.constant 160 : i32
    %add3A_69 = arith.addi %mul3A_4, %add3A_68 : i32
    %dma_start3A_70 = tpu.memref_slice %arg2[%add3A_69] : memref<160000xi32, #tpu.memory_space<hbm>> -> memref<80xi32, #tpu.memory_space<hbm>>
    %dma_start3A_71 = tpu.memref_slice %arg2[%add3A_69] : memref<160000xi32, #tpu.memory_space<hbm>> -> memref<80xi32, #tpu.memory_space<hbm>>
    tpu.enqueue_dma source(%dma_start3A_71 : memref<80xi32, #tpu.memory_space<hbm>>) target(%arg11 : memref<80xi32, #tpu.memory_space<vmem>>) target_semaphore(%arg23 : memref<!tpu.dma_semaphore, #tpu.memory_space<semaphore_mem>>)
    %scan3A_72 = arith.constant 0 : i32
    %scan3A_73 = arith.constant 0 : i32
    %scan3A_74 = arith.constant 125 : i32
    %scan3A_75 = arith.addi %scan3A_73, %scan3A_74 : i32
    %scan3A_76 = arith.constant 1 : i32
    %scan3A_77 = scf.for %scan3A_103 = %scan3A_73 to %scan3A_75 step %scan3A_76 iter_args(%scan3A_104 = %scan3A_72) -> (i32)  : i32 {
      %jit3A = arith.constant 3 : i32
      %eq3A = arith.constant 0 : i32
      %eq3A_105 = arith.cmpi eq, %jit3A, %eq3A : i32
      %jit3A_106 = arith.constant 1 : i32
      %select_n3A = arith.select %eq3A_105, %jit3A_106, %jit3A : i32
      %rem3A = arith.remsi %scan3A_103, %select_n3A : i32
      %ne3A = arith.constant 0 : i32
      %ne3A_107 = arith.cmpi ne, %rem3A, %ne3A : i32
      %lt3A = arith.constant 0 : i32
      %lt3A_108 = arith.cmpi slt, %rem3A, %lt3A : i32
      %lt3A_109 = arith.constant 0 : i32
      %lt3A_110 = arith.cmpi slt, %select_n3A, %lt3A_109 : i32
      %ne3A_111 = arith.xori %lt3A_108, %lt3A_110 : i1
      %and3A = arith.andi %ne3A_111, %ne3A_107 : i1
      %add3A_112 = arith.addi %rem3A, %select_n3A : i32
      %select_n3A_113 = arith.select %and3A, %add3A_112, %rem3A : i32
      %eq3A_114 = arith.constant 0 : i32
      %eq3A_115 = arith.cmpi eq, %select_n3A_113, %eq3A_114 : i32
      %convert_element_type3A = arith.extui %eq3A_115 : i1 to i32
      %cond3A = arith.constant 0 : i32
      %cond3A_116 = arith.cmpi ne, %convert_element_type3A, %cond3A : i32
      scf.if %cond3A_116 {
        %dma_wait3A_160 = arith.constant 0 : i32
        %dma_wait3A_161 = arith.constant 0 : i32
        %dma_wait3A_162 = tpu.memref_slice %arg4[%dma_wait3A_160, %dma_wait3A_161] : memref<25600x128xf32, #tpu.memory_space<hbm>> -> memref<80x128xf32, #tpu.memory_space<hbm>>
        %dma_wait3A_163 = arith.constant 0 : i32
        %dma_wait3A_164 = arith.constant 0 : i32
        %dma_wait3A_165 = tpu.memref_slice %arg4[%dma_wait3A_163, %dma_wait3A_164] : memref<25600x128xf32, #tpu.memory_space<hbm>> -> memref<80x128xf32, #tpu.memory_space<hbm>>
        tpu.wait_dma2 semaphore(%arg15 : memref<!tpu.dma_semaphore, #tpu.memory_space<semaphore_mem>>) src(%dma_wait3A_165 : memref<80x128xf32, #tpu.memory_space<hbm>>) dst(%arg6 : memref<80x128xf32, #tpu.memory_space<vmem>>)
        %dma_start3A_166 = arith.constant 0 : i32
        %dma_start3A_167 = tpu.memref_slice %arg12[%scan3A_103, %dma_start3A_166] : memref<125x80xi32, #tpu.memory_space<vmem>> -> memref<1x80xi32, #tpu.memory_space<vmem>>
        %dma_start3A_168 = tpu.memref_squeeze %dma_start3A_167 : memref<1x80xi32, #tpu.memory_space<vmem>> -> memref<80xi32, #tpu.memory_space<vmem>>
        %dma_start3A_169 = arith.constant 0 : i32
        %dma_start3A_170 = arith.constant 0 : i32
        %dma_start3A_171 = tpu.memref_slice %arg14[%dma_start3A_169, %dma_start3A_170] : memref<10112x128xf32, #tpu.memory_space<vmem_shared>> -> memref<10112x128xf32, #tpu.memory_space<vmem_shared>>
        tpu.enqueue_indirect_dma source(%arg6 : memref<80x128xf32, #tpu.memory_space<vmem>>) target(%dma_start3A_171 : memref<10112x128xf32, #tpu.memory_space<vmem_shared>>) offsets(%dma_start3A_168 : memref<80xi32, #tpu.memory_space<vmem>>) semaphore(%arg18 : memref<!tpu.dma_semaphore, #tpu.memory_space<semaphore_mem>>) {add = true}
        %add3A_172 = arith.constant 3 : i32
        %add3A_173 = arith.addi %scan3A_103, %add3A_172 : i32
        %lt3A_174 = arith.constant 125 : i32
        %lt3A_175 = arith.cmpi slt, %add3A_173, %lt3A_174 : i32
        %convert_element_type3A_176 = arith.extui %lt3A_175 : i1 to i32
        %cond3A_177 = arith.constant 0 : i32
        %cond3A_178 = arith.cmpi ne, %convert_element_type3A_176, %cond3A_177 : i32
        scf.if %cond3A_178 {
          %add3A_186 = arith.constant 3 : i32
          %add3A_187 = arith.addi %scan3A_103, %add3A_186 : i32
          %mul3A_188 = arith.constant 80 : i32
          %mul3A_189 = arith.muli %add3A_187, %mul3A_188 : i32
          %add3A_190 = arith.addi %mul3A_4, %mul3A_189 : i32
          %dma_start3A_191 = tpu.memref_slice %arg2[%add3A_190] : memref<160000xi32, #tpu.memory_space<hbm>> -> memref<80xi32, #tpu.memory_space<hbm>>
          %dma_start3A_192 = tpu.memref_slice %arg2[%add3A_190] : memref<160000xi32, #tpu.memory_space<hbm>> -> memref<80xi32, #tpu.memory_space<hbm>>
          tpu.enqueue_dma source(%dma_start3A_192 : memref<80xi32, #tpu.memory_space<hbm>>) target(%arg9 : memref<80xi32, #tpu.memory_space<vmem>>) target_semaphore(%arg21 : memref<!tpu.dma_semaphore, #tpu.memory_space<semaphore_mem>>)
        } else {
        }
        %add3A_179 = arith.constant 2 : i32
        %add3A_180 = arith.addi %scan3A_103, %add3A_179 : i32
        %lt3A_181 = arith.constant 125 : i32
        %lt3A_182 = arith.cmpi slt, %add3A_180, %lt3A_181 : i32
        %convert_element_type3A_183 = arith.extui %lt3A_182 : i1 to i32
        %cond3A_184 = arith.constant 0 : i32
        %cond3A_185 = arith.cmpi ne, %convert_element_type3A_183, %cond3A_184 : i32
        scf.if %cond3A_185 {
          %dma_wait3A_186 = arith.constant 0 : i32
          %dma_wait3A_187 = tpu.memref_slice %arg2[%dma_wait3A_186] : memref<160000xi32, #tpu.memory_space<hbm>> -> memref<80xi32, #tpu.memory_space<hbm>>
          %dma_wait3A_188 = arith.constant 0 : i32
          %dma_wait3A_189 = tpu.memref_slice %arg2[%dma_wait3A_188] : memref<160000xi32, #tpu.memory_space<hbm>> -> memref<80xi32, #tpu.memory_space<hbm>>
          tpu.wait_dma2 semaphore(%arg23 : memref<!tpu.dma_semaphore, #tpu.memory_space<semaphore_mem>>) src(%dma_wait3A_189 : memref<80xi32, #tpu.memory_space<hbm>>) dst(%arg11 : memref<80xi32, #tpu.memory_space<vmem>>)
          %scan3A_190 = arith.constant 0 : i32
          %scan3A_191 = arith.constant 0 : i32
          %scan3A_192 = arith.constant 5 : i32
          %scan3A_193 = arith.addi %scan3A_191, %scan3A_192 : i32
          %scan3A_194 = arith.constant 1 : i32
          %scan3A_195 = scf.for %scan3A_204 = %scan3A_191 to %scan3A_193 step %scan3A_194 iter_args(%scan3A_205 = %scan3A_190) -> (i32)  : i32 {
            %mul3A_206 = arith.constant 16 : i32
            %mul3A_207 = arith.muli %scan3A_204, %mul3A_206 : i32
            %get3A = arith.index_cast %mul3A_207 : i32 to index
            %get3A_208 = tpu.vector_load %arg11[%get3A] {strides = array<i32>} : memref<80xi32, #tpu.memory_space<vmem>>, vector<16xi32>,
            %get3A_209 = vector.shape_cast %get3A_208 : vector<16xi32> to vector<16xi32>
            %add3A_210 = vector.broadcast %mul3A_0 : i32 to vector<16xi32>
            %add3A_211 = arith.addi %get3A_209, %add3A_210 : vector<16xi32>
            %mul3A_212 = arith.constant 16 : i32
            %mul3A_213 = arith.muli %scan3A_204, %mul3A_212 : i32
            %swap3A = arith.index_cast %mul3A_213 : i32 to index
            %swap3A_214 = tpu.vector_load %arg11[%swap3A] {strides = array<i32>} : memref<80xi32, #tpu.memory_space<vmem>>, vector<16xi32>,
            %swap3A_215 = vector.shape_cast %swap3A_214 : vector<16xi32> to vector<16xi32>
            %swap3A_216 = vector.shape_cast %add3A_211 : vector<16xi32> to vector<16xi32>
            tpu.vector_store %arg11[%swap3A], %swap3A_216 {strides = array<i32>} : memref<80xi32, #tpu.memory_space<vmem>>, vector<16xi32>,
            %scan3A_217 = arith.constant 0 : i32
            scf.yield %scan3A_217 : i32
          }
          %scan3A_196 = arith.constant 5 : i32
          %ge3A = arith.constant 1 : i32
          %ge3A_197 = arith.cmpi sge, %scan3A_103, %ge3A : i32
          %convert_element_type3A_198 = arith.extui %ge3A_197 : i1 to i32
          %cond3A_199 = arith.constant 0 : i32
          %cond3A_200 = arith.cmpi ne, %convert_element_type3A_198, %cond3A_199 : i32
          scf.if %cond3A_200 {
            %dma_wait3A_204 = arith.constant 0 : i32
            %dma_wait3A_205 = arith.constant 0 : i32
            %dma_wait3A_206 = tpu.memref_slice %arg4[%dma_wait3A_204, %dma_wait3A_205] : memref<25600x128xf32, #tpu.memory_space<hbm>> -> memref<80x128xf32, #tpu.memory_space<hbm>>
            %dma_wait3A_207 = arith.constant 0 : i32
            %dma_wait3A_208 = arith.constant 0 : i32
            %dma_wait3A_209 = tpu.memref_slice %arg4[%dma_wait3A_207, %dma_wait3A_208] : memref<25600x128xf32, #tpu.memory_space<hbm>> -> memref<80x128xf32, #tpu.memory_space<hbm>>
            tpu.wait_dma2 semaphore(%arg20 : memref<!tpu.dma_semaphore, #tpu.memory_space<semaphore_mem>>) src(%dma_wait3A_209 : memref<80x128xf32, #tpu.memory_space<hbm>>) dst(%arg8 : memref<80x128xf32, #tpu.memory_space<vmem>>)
          } else {
          }
          %dma_start3A_201 = arith.constant 0 : i32
          %dma_start3A_202 = arith.constant 0 : i32
          %dma_start3A_203 = tpu.memref_slice %arg4[%dma_start3A_201, %dma_start3A_202] : memref<25600x128xf32, #tpu.memory_space<hbm>> -> memref<25600x128xf32, #tpu.memory_space<hbm>>
          tpu.enqueue_indirect_dma source(%dma_start3A_203 : memref<25600x128xf32, #tpu.memory_space<hbm>>) target(%arg8 : memref<80x128xf32, #tpu.memory_space<vmem>>) offsets(%arg11 : memref<80xi32, #tpu.memory_space<vmem>>) semaphore(%arg17 : memref<!tpu.dma_semaphore, #tpu.memory_space<semaphore_mem>>)
        } else {
        }
      } else {
      }
      %jit3A_117 = arith.constant 3 : i32
      %eq3A_118 = arith.constant 0 : i32
      %eq3A_119 = arith.cmpi eq, %jit3A_117, %eq3A_118 : i32
      %jit3A_120 = arith.constant 1 : i32
      %select_n3A_121 = arith.select %eq3A_119, %jit3A_120, %jit3A_117 : i32
      %rem3A_122 = arith.remsi %scan3A_103, %select_n3A_121 : i32
      %ne3A_123 = arith.constant 0 : i32
      %ne3A_124 = arith.cmpi ne, %rem3A_122, %ne3A_123 : i32
      %lt3A_125 = arith.constant 0 : i32
      %lt3A_126 = arith.cmpi slt, %rem3A_122, %lt3A_125 : i32
      %lt3A_127 = arith.constant 0 : i32
      %lt3A_128 = arith.cmpi slt, %select_n3A_121, %lt3A_127 : i32
      %ne3A_129 = arith.xori %lt3A_126, %lt3A_128 : i1
      %and3A_130 = arith.andi %ne3A_129, %ne3A_124 : i1
      %add3A_131 = arith.addi %rem3A_122, %select_n3A_121 : i32
      %select_n3A_132 = arith.select %and3A_130, %add3A_131, %rem3A_122 : i32
      %eq3A_133 = arith.constant 1 : i32
      %eq3A_134 = arith.cmpi eq, %select_n3A_132, %eq3A_133 : i32
      %convert_element_type3A_135 = arith.extui %eq3A_134 : i1 to i32
      %cond3A_136 = arith.constant 0 : i32
      %cond3A_137 = arith.cmpi ne, %convert_element_type3A_135, %cond3A_136 : i32
      scf.if %cond3A_137 {
        %dma_wait3A_160 = arith.constant 0 : i32
        %dma_wait3A_161 = arith.constant 0 : i32
        %dma_wait3A_162 = tpu.memref_slice %arg4[%dma_wait3A_160, %dma_wait3A_161] : memref<25600x128xf32, #tpu.memory_space<hbm>> -> memref<80x128xf32, #tpu.memory_space<hbm>>
        %dma_wait3A_163 = arith.constant 0 : i32
        %dma_wait3A_164 = arith.constant 0 : i32
        %dma_wait3A_165 = tpu.memref_slice %arg4[%dma_wait3A_163, %dma_wait3A_164] : memref<25600x128xf32, #tpu.memory_space<hbm>> -> memref<80x128xf32, #tpu.memory_space<hbm>>
        tpu.wait_dma2 semaphore(%arg16 : memref<!tpu.dma_semaphore, #tpu.memory_space<semaphore_mem>>) src(%dma_wait3A_165 : memref<80x128xf32, #tpu.memory_space<hbm>>) dst(%arg7 : memref<80x128xf32, #tpu.memory_space<vmem>>)
        %dma_start3A_166 = arith.constant 0 : i32
        %dma_start3A_167 = tpu.memref_slice %arg12[%scan3A_103, %dma_start3A_166] : memref<125x80xi32, #tpu.memory_space<vmem>> -> memref<1x80xi32, #tpu.memory_space<vmem>>
        %dma_start3A_168 = tpu.memref_squeeze %dma_start3A_167 : memref<1x80xi32, #tpu.memory_space<vmem>> -> memref<80xi32, #tpu.memory_space<vmem>>
        %dma_start3A_169 = arith.constant 0 : i32
        %dma_start3A_170 = arith.constant 0 : i32
        %dma_start3A_171 = tpu.memref_slice %arg14[%dma_start3A_169, %dma_start3A_170] : memref<10112x128xf32, #tpu.memory_space<vmem_shared>> -> memref<10112x128xf32, #tpu.memory_space<vmem_shared>>
        tpu.enqueue_indirect_dma source(%arg7 : memref<80x128xf32, #tpu.memory_space<vmem>>) target(%dma_start3A_171 : memref<10112x128xf32, #tpu.memory_space<vmem_shared>>) offsets(%dma_start3A_168 : memref<80xi32, #tpu.memory_space<vmem>>) semaphore(%arg19 : memref<!tpu.dma_semaphore, #tpu.memory_space<semaphore_mem>>) {add = true}
        %add3A_172 = arith.constant 3 : i32
        %add3A_173 = arith.addi %scan3A_103, %add3A_172 : i32
        %lt3A_174 = arith.constant 125 : i32
        %lt3A_175 = arith.cmpi slt, %add3A_173, %lt3A_174 : i32
        %convert_element_type3A_176 = arith.extui %lt3A_175 : i1 to i32
        %cond3A_177 = arith.constant 0 : i32
        %cond3A_178 = arith.cmpi ne, %convert_element_type3A_176, %cond3A_177 : i32
        scf.if %cond3A_178 {
          %add3A_186 = arith.constant 3 : i32
          %add3A_187 = arith.addi %scan3A_103, %add3A_186 : i32
          %mul3A_188 = arith.constant 80 : i32
          %mul3A_189 = arith.muli %add3A_187, %mul3A_188 : i32
          %add3A_190 = arith.addi %mul3A_4, %mul3A_189 : i32
          %dma_start3A_191 = tpu.memref_slice %arg2[%add3A_190] : memref<160000xi32, #tpu.memory_space<hbm>> -> memref<80xi32, #tpu.memory_space<hbm>>
          %dma_start3A_192 = tpu.memref_slice %arg2[%add3A_190] : memref<160000xi32, #tpu.memory_space<hbm>> -> memref<80xi32, #tpu.memory_space<hbm>>
          tpu.enqueue_dma source(%dma_start3A_192 : memref<80xi32, #tpu.memory_space<hbm>>) target(%arg10 : memref<80xi32, #tpu.memory_space<vmem>>) target_semaphore(%arg22 : memref<!tpu.dma_semaphore, #tpu.memory_space<semaphore_mem>>)
        } else {
        }
        %add3A_179 = arith.constant 2 : i32
        %add3A_180 = arith.addi %scan3A_103, %add3A_179 : i32
        %lt3A_181 = arith.constant 125 : i32
        %lt3A_182 = arith.cmpi slt, %add3A_180, %lt3A_181 : i32
        %convert_element_type3A_183 = arith.extui %lt3A_182 : i1 to i32
        %cond3A_184 = arith.constant 0 : i32
        %cond3A_185 = arith.cmpi ne, %convert_element_type3A_183, %cond3A_184 : i32
        scf.if %cond3A_185 {
          %dma_wait3A_186 = arith.constant 0 : i32
          %dma_wait3A_187 = tpu.memref_slice %arg2[%dma_wait3A_186] : memref<160000xi32, #tpu.memory_space<hbm>> -> memref<80xi32, #tpu.memory_space<hbm>>
          %dma_wait3A_188 = arith.constant 0 : i32
          %dma_wait3A_189 = tpu.memref_slice %arg2[%dma_wait3A_188] : memref<160000xi32, #tpu.memory_space<hbm>> -> memref<80xi32, #tpu.memory_space<hbm>>
          tpu.wait_dma2 semaphore(%arg21 : memref<!tpu.dma_semaphore, #tpu.memory_space<semaphore_mem>>) src(%dma_wait3A_189 : memref<80xi32, #tpu.memory_space<hbm>>) dst(%arg9 : memref<80xi32, #tpu.memory_space<vmem>>)
          %scan3A_190 = arith.constant 0 : i32
          %scan3A_191 = arith.constant 0 : i32
          %scan3A_192 = arith.constant 5 : i32
          %scan3A_193 = arith.addi %scan3A_191, %scan3A_192 : i32
          %scan3A_194 = arith.constant 1 : i32
          %scan3A_195 = scf.for %scan3A_204 = %scan3A_191 to %scan3A_193 step %scan3A_194 iter_args(%scan3A_205 = %scan3A_190) -> (i32)  : i32 {
            %mul3A_206 = arith.constant 16 : i32
            %mul3A_207 = arith.muli %scan3A_204, %mul3A_206 : i32
            %get3A = arith.index_cast %mul3A_207 : i32 to index
            %get3A_208 = tpu.vector_load %arg9[%get3A] {strides = array<i32>} : memref<80xi32, #tpu.memory_space<vmem>>, vector<16xi32>,
            %get3A_209 = vector.shape_cast %get3A_208 : vector<16xi32> to vector<16xi32>
            %add3A_210 = vector.broadcast %mul3A_0 : i32 to vector<16xi32>
            %add3A_211 = arith.addi %get3A_209, %add3A_210 : vector<16xi32>
            %mul3A_212 = arith.constant 16 : i32
            %mul3A_213 = arith.muli %scan3A_204, %mul3A_212 : i32
            %swap3A = arith.index_cast %mul3A_213 : i32 to index
            %swap3A_214 = tpu.vector_load %arg9[%swap3A] {strides = array<i32>} : memref<80xi32, #tpu.memory_space<vmem>>, vector<16xi32>,
            %swap3A_215 = vector.shape_cast %swap3A_214 : vector<16xi32> to vector<16xi32>
            %swap3A_216 = vector.shape_cast %add3A_211 : vector<16xi32> to vector<16xi32>
            tpu.vector_store %arg9[%swap3A], %swap3A_216 {strides = array<i32>} : memref<80xi32, #tpu.memory_space<vmem>>, vector<16xi32>,
            %scan3A_217 = arith.constant 0 : i32
            scf.yield %scan3A_217 : i32
          }
          %scan3A_196 = arith.constant 5 : i32
          %ge3A = arith.constant 1 : i32
          %ge3A_197 = arith.cmpi sge, %scan3A_103, %ge3A : i32
          %convert_element_type3A_198 = arith.extui %ge3A_197 : i1 to i32
          %cond3A_199 = arith.constant 0 : i32
          %cond3A_200 = arith.cmpi ne, %convert_element_type3A_198, %cond3A_199 : i32
          scf.if %cond3A_200 {
            %dma_wait3A_204 = arith.constant 0 : i32
            %dma_wait3A_205 = arith.constant 0 : i32
            %dma_wait3A_206 = tpu.memref_slice %arg4[%dma_wait3A_204, %dma_wait3A_205] : memref<25600x128xf32, #tpu.memory_space<hbm>> -> memref<80x128xf32, #tpu.memory_space<hbm>>
            %dma_wait3A_207 = arith.constant 0 : i32
            %dma_wait3A_208 = arith.constant 0 : i32
            %dma_wait3A_209 = tpu.memref_slice %arg4[%dma_wait3A_207, %dma_wait3A_208] : memref<25600x128xf32, #tpu.memory_space<hbm>> -> memref<80x128xf32, #tpu.memory_space<hbm>>
            tpu.wait_dma2 semaphore(%arg18 : memref<!tpu.dma_semaphore, #tpu.memory_space<semaphore_mem>>) src(%dma_wait3A_209 : memref<80x128xf32, #tpu.memory_space<hbm>>) dst(%arg6 : memref<80x128xf32, #tpu.memory_space<vmem>>)
          } else {
          }
          %dma_start3A_201 = arith.constant 0 : i32
          %dma_start3A_202 = arith.constant 0 : i32
          %dma_start3A_203 = tpu.memref_slice %arg4[%dma_start3A_201, %dma_start3A_202] : memref<25600x128xf32, #tpu.memory_space<hbm>> -> memref<25600x128xf32, #tpu.memory_space<hbm>>
          tpu.enqueue_indirect_dma source(%dma_start3A_203 : memref<25600x128xf32, #tpu.memory_space<hbm>>) target(%arg6 : memref<80x128xf32, #tpu.memory_space<vmem>>) offsets(%arg9 : memref<80xi32, #tpu.memory_space<vmem>>) semaphore(%arg15 : memref<!tpu.dma_semaphore, #tpu.memory_space<semaphore_mem>>)
        } else {
        }
      } else {
      }
      %jit3A_138 = arith.constant 3 : i32
      %eq3A_139 = arith.constant 0 : i32
      %eq3A_140 = arith.cmpi eq, %jit3A_138, %eq3A_139 : i32
      %jit3A_141 = arith.constant 1 : i32
      %select_n3A_142 = arith.select %eq3A_140, %jit3A_141, %jit3A_138 : i32
      %rem3A_143 = arith.remsi %scan3A_103, %select_n3A_142 : i32
      %ne3A_144 = arith.constant 0 : i32
      %ne3A_145 = arith.cmpi ne, %rem3A_143, %ne3A_144 : i32
      %lt3A_146 = arith.constant 0 : i32
      %lt3A_147 = arith.cmpi slt, %rem3A_143, %lt3A_146 : i32
      %lt3A_148 = arith.constant 0 : i32
      %lt3A_149 = arith.cmpi slt, %select_n3A_142, %lt3A_148 : i32
      %ne3A_150 = arith.xori %lt3A_147, %lt3A_149 : i1
      %and3A_151 = arith.andi %ne3A_150, %ne3A_145 : i1
      %add3A_152 = arith.addi %rem3A_143, %select_n3A_142 : i32
      %select_n3A_153 = arith.select %and3A_151, %add3A_152, %rem3A_143 : i32
      %eq3A_154 = arith.constant 2 : i32
      %eq3A_155 = arith.cmpi eq, %select_n3A_153, %eq3A_154 : i32
      %convert_element_type3A_156 = arith.extui %eq3A_155 : i1 to i32
      %cond3A_157 = arith.constant 0 : i32
      %cond3A_158 = arith.cmpi ne, %convert_element_type3A_156, %cond3A_157 : i32
      scf.if %cond3A_158 {
        %dma_wait3A_160 = arith.constant 0 : i32
        %dma_wait3A_161 = arith.constant 0 : i32
        %dma_wait3A_162 = tpu.memref_slice %arg4[%dma_wait3A_160, %dma_wait3A_161] : memref<25600x128xf32, #tpu.memory_space<hbm>> -> memref<80x128xf32, #tpu.memory_space<hbm>>
        %dma_wait3A_163 = arith.constant 0 : i32
        %dma_wait3A_164 = arith.constant 0 : i32
        %dma_wait3A_165 = tpu.memref_slice %arg4[%dma_wait3A_163, %dma_wait3A_164] : memref<25600x128xf32, #tpu.memory_space<hbm>> -> memref<80x128xf32, #tpu.memory_space<hbm>>
        tpu.wait_dma2 semaphore(%arg17 : memref<!tpu.dma_semaphore, #tpu.memory_space<semaphore_mem>>) src(%dma_wait3A_165 : memref<80x128xf32, #tpu.memory_space<hbm>>) dst(%arg8 : memref<80x128xf32, #tpu.memory_space<vmem>>)
        %dma_start3A_166 = arith.constant 0 : i32
        %dma_start3A_167 = tpu.memref_slice %arg12[%scan3A_103, %dma_start3A_166] : memref<125x80xi32, #tpu.memory_space<vmem>> -> memref<1x80xi32, #tpu.memory_space<vmem>>
        %dma_start3A_168 = tpu.memref_squeeze %dma_start3A_167 : memref<1x80xi32, #tpu.memory_space<vmem>> -> memref<80xi32, #tpu.memory_space<vmem>>
        %dma_start3A_169 = arith.constant 0 : i32
        %dma_start3A_170 = arith.constant 0 : i32
        %dma_start3A_171 = tpu.memref_slice %arg14[%dma_start3A_169, %dma_start3A_170] : memref<10112x128xf32, #tpu.memory_space<vmem_shared>> -> memref<10112x128xf32, #tpu.memory_space<vmem_shared>>
        tpu.enqueue_indirect_dma source(%arg8 : memref<80x128xf32, #tpu.memory_space<vmem>>) target(%dma_start3A_171 : memref<10112x128xf32, #tpu.memory_space<vmem_shared>>) offsets(%dma_start3A_168 : memref<80xi32, #tpu.memory_space<vmem>>) semaphore(%arg20 : memref<!tpu.dma_semaphore, #tpu.memory_space<semaphore_mem>>) {add = true}
        %add3A_172 = arith.constant 3 : i32
        %add3A_173 = arith.addi %scan3A_103, %add3A_172 : i32
        %lt3A_174 = arith.constant 125 : i32
        %lt3A_175 = arith.cmpi slt, %add3A_173, %lt3A_174 : i32
        %convert_element_type3A_176 = arith.extui %lt3A_175 : i1 to i32
        %cond3A_177 = arith.constant 0 : i32
        %cond3A_178 = arith.cmpi ne, %convert_element_type3A_176, %cond3A_177 : i32
        scf.if %cond3A_178 {
          %add3A_186 = arith.constant 3 : i32
          %add3A_187 = arith.addi %scan3A_103, %add3A_186 : i32
          %mul3A_188 = arith.constant 80 : i32
          %mul3A_189 = arith.muli %add3A_187, %mul3A_188 : i32
          %add3A_190 = arith.addi %mul3A_4, %mul3A_189 : i32
          %dma_start3A_191 = tpu.memref_slice %arg2[%add3A_190] : memref<160000xi32, #tpu.memory_space<hbm>> -> memref<80xi32, #tpu.memory_space<hbm>>
          %dma_start3A_192 = tpu.memref_slice %arg2[%add3A_190] : memref<160000xi32, #tpu.memory_space<hbm>> -> memref<80xi32, #tpu.memory_space<hbm>>
          tpu.enqueue_dma source(%dma_start3A_192 : memref<80xi32, #tpu.memory_space<hbm>>) target(%arg11 : memref<80xi32, #tpu.memory_space<vmem>>) target_semaphore(%arg23 : memref<!tpu.dma_semaphore, #tpu.memory_space<semaphore_mem>>)
        } else {
        }
        %add3A_179 = arith.constant 2 : i32
        %add3A_180 = arith.addi %scan3A_103, %add3A_179 : i32
        %lt3A_181 = arith.constant 125 : i32
        %lt3A_182 = arith.cmpi slt, %add3A_180, %lt3A_181 : i32
        %convert_element_type3A_183 = arith.extui %lt3A_182 : i1 to i32
        %cond3A_184 = arith.constant 0 : i32
        %cond3A_185 = arith.cmpi ne, %convert_element_type3A_183, %cond3A_184 : i32
        scf.if %cond3A_185 {
          %dma_wait3A_186 = arith.constant 0 : i32
          %dma_wait3A_187 = tpu.memref_slice %arg2[%dma_wait3A_186] : memref<160000xi32, #tpu.memory_space<hbm>> -> memref<80xi32, #tpu.memory_space<hbm>>
          %dma_wait3A_188 = arith.constant 0 : i32
          %dma_wait3A_189 = tpu.memref_slice %arg2[%dma_wait3A_188] : memref<160000xi32, #tpu.memory_space<hbm>> -> memref<80xi32, #tpu.memory_space<hbm>>
          tpu.wait_dma2 semaphore(%arg22 : memref<!tpu.dma_semaphore, #tpu.memory_space<semaphore_mem>>) src(%dma_wait3A_189 : memref<80xi32, #tpu.memory_space<hbm>>) dst(%arg10 : memref<80xi32, #tpu.memory_space<vmem>>)
          %scan3A_190 = arith.constant 0 : i32
          %scan3A_191 = arith.constant 0 : i32
          %scan3A_192 = arith.constant 5 : i32
          %scan3A_193 = arith.addi %scan3A_191, %scan3A_192 : i32
          %scan3A_194 = arith.constant 1 : i32
          %scan3A_195 = scf.for %scan3A_204 = %scan3A_191 to %scan3A_193 step %scan3A_194 iter_args(%scan3A_205 = %scan3A_190) -> (i32)  : i32 {
            %mul3A_206 = arith.constant 16 : i32
            %mul3A_207 = arith.muli %scan3A_204, %mul3A_206 : i32
            %get3A = arith.index_cast %mul3A_207 : i32 to index
            %get3A_208 = tpu.vector_load %arg10[%get3A] {strides = array<i32>} : memref<80xi32, #tpu.memory_space<vmem>>, vector<16xi32>,
            %get3A_209 = vector.shape_cast %get3A_208 : vector<16xi32> to vector<16xi32>
            %add3A_210 = vector.broadcast %mul3A_0 : i32 to vector<16xi32>
            %add3A_211 = arith.addi %get3A_209, %add3A_210 : vector<16xi32>
            %mul3A_212 = arith.constant 16 : i32
            %mul3A_213 = arith.muli %scan3A_204, %mul3A_212 : i32
            %swap3A = arith.index_cast %mul3A_213 : i32 to index
            %swap3A_214 = tpu.vector_load %arg10[%swap3A] {strides = array<i32>} : memref<80xi32, #tpu.memory_space<vmem>>, vector<16xi32>,
            %swap3A_215 = vector.shape_cast %swap3A_214 : vector<16xi32> to vector<16xi32>
            %swap3A_216 = vector.shape_cast %add3A_211 : vector<16xi32> to vector<16xi32>
            tpu.vector_store %arg10[%swap3A], %swap3A_216 {strides = array<i32>} : memref<80xi32, #tpu.memory_space<vmem>>, vector<16xi32>,
            %scan3A_217 = arith.constant 0 : i32
            scf.yield %scan3A_217 : i32
          }
          %scan3A_196 = arith.constant 5 : i32
          %ge3A = arith.constant 1 : i32
          %ge3A_197 = arith.cmpi sge, %scan3A_103, %ge3A : i32
          %convert_element_type3A_198 = arith.extui %ge3A_197 : i1 to i32
          %cond3A_199 = arith.constant 0 : i32
          %cond3A_200 = arith.cmpi ne, %convert_element_type3A_198, %cond3A_199 : i32
          scf.if %cond3A_200 {
            %dma_wait3A_204 = arith.constant 0 : i32
            %dma_wait3A_205 = arith.constant 0 : i32
            %dma_wait3A_206 = tpu.memref_slice %arg4[%dma_wait3A_204, %dma_wait3A_205] : memref<25600x128xf32, #tpu.memory_space<hbm>> -> memref<80x128xf32, #tpu.memory_space<hbm>>
            %dma_wait3A_207 = arith.constant 0 : i32
            %dma_wait3A_208 = arith.constant 0 : i32
            %dma_wait3A_209 = tpu.memref_slice %arg4[%dma_wait3A_207, %dma_wait3A_208] : memref<25600x128xf32, #tpu.memory_space<hbm>> -> memref<80x128xf32, #tpu.memory_space<hbm>>
            tpu.wait_dma2 semaphore(%arg19 : memref<!tpu.dma_semaphore, #tpu.memory_space<semaphore_mem>>) src(%dma_wait3A_209 : memref<80x128xf32, #tpu.memory_space<hbm>>) dst(%arg7 : memref<80x128xf32, #tpu.memory_space<vmem>>)
          } else {
          }
          %dma_start3A_201 = arith.constant 0 : i32
          %dma_start3A_202 = arith.constant 0 : i32
          %dma_start3A_203 = tpu.memref_slice %arg4[%dma_start3A_201, %dma_start3A_202] : memref<25600x128xf32, #tpu.memory_space<hbm>> -> memref<25600x128xf32, #tpu.memory_space<hbm>>
          tpu.enqueue_indirect_dma source(%dma_start3A_203 : memref<25600x128xf32, #tpu.memory_space<hbm>>) target(%arg7 : memref<80x128xf32, #tpu.memory_space<vmem>>) offsets(%arg10 : memref<80xi32, #tpu.memory_space<vmem>>) semaphore(%arg16 : memref<!tpu.dma_semaphore, #tpu.memory_space<semaphore_mem>>)
        } else {
        }
      } else {
      }
      %scan3A_159 = arith.constant 0 : i32
      scf.yield %scan3A_159 : i32
    }
    %scan3A_78 = arith.constant 125 : i32
    %dma_wait3A_79 = arith.constant 0 : i32
    %dma_wait3A_80 = arith.constant 0 : i32
    %dma_wait3A_81 = tpu.memref_slice %arg4[%dma_wait3A_79, %dma_wait3A_80] : memref<25600x128xf32, #tpu.memory_space<hbm>> -> memref<80x128xf32, #tpu.memory_space<hbm>>
    %dma_wait3A_82 = arith.constant 0 : i32
    %dma_wait3A_83 = arith.constant 0 : i32
    %dma_wait3A_84 = tpu.memref_slice %arg4[%dma_wait3A_82, %dma_wait3A_83] : memref<25600x128xf32, #tpu.memory_space<hbm>> -> memref<80x128xf32, #tpu.memory_space<hbm>>
    tpu.wait_dma2 semaphore(%arg18 : memref<!tpu.dma_semaphore, #tpu.memory_space<semaphore_mem>>) src(%dma_wait3A_84 : memref<80x128xf32, #tpu.memory_space<hbm>>) dst(%arg6 : memref<80x128xf32, #tpu.memory_space<vmem>>)
    %dma_wait3A_85 = arith.constant 0 : i32
    %dma_wait3A_86 = arith.constant 0 : i32
    %dma_wait3A_87 = tpu.memref_slice %arg4[%dma_wait3A_85, %dma_wait3A_86] : memref<25600x128xf32, #tpu.memory_space<hbm>> -> memref<80x128xf32, #tpu.memory_space<hbm>>
    %dma_wait3A_88 = arith.constant 0 : i32
    %dma_wait3A_89 = arith.constant 0 : i32
    %dma_wait3A_90 = tpu.memref_slice %arg4[%dma_wait3A_88, %dma_wait3A_89] : memref<25600x128xf32, #tpu.memory_space<hbm>> -> memref<80x128xf32, #tpu.memory_space<hbm>>
    tpu.wait_dma2 semaphore(%arg19 : memref<!tpu.dma_semaphore, #tpu.memory_space<semaphore_mem>>) src(%dma_wait3A_90 : memref<80x128xf32, #tpu.memory_space<hbm>>) dst(%arg7 : memref<80x128xf32, #tpu.memory_space<vmem>>)
    %dma_wait3A_91 = arith.constant 0 : i32
    %dma_wait3A_92 = arith.constant 0 : i32
    %dma_wait3A_93 = tpu.memref_slice %arg4[%dma_wait3A_91, %dma_wait3A_92] : memref<25600x128xf32, #tpu.memory_space<hbm>> -> memref<80x128xf32, #tpu.memory_space<hbm>>
    %dma_wait3A_94 = arith.constant 0 : i32
    %dma_wait3A_95 = arith.constant 0 : i32
    %dma_wait3A_96 = tpu.memref_slice %arg4[%dma_wait3A_94, %dma_wait3A_95] : memref<25600x128xf32, #tpu.memory_space<hbm>> -> memref<80x128xf32, #tpu.memory_space<hbm>>
    tpu.wait_dma2 semaphore(%arg20 : memref<!tpu.dma_semaphore, #tpu.memory_space<semaphore_mem>>) src(%dma_wait3A_96 : memref<80x128xf32, #tpu.memory_space<hbm>>) dst(%arg8 : memref<80x128xf32, #tpu.memory_space<vmem>>)
    %barrier3A_97 = arith.constant 0 : index
    tpu.barrier barrier_id(%barrier3A_97)
    %mul3A_98 = arith.constant 632 : i32
    %mul3A_99 = arith.muli %arg1, %mul3A_98 : i32
    %mul3A_100 = arith.constant 632 : i32
    %mul3A_101 = arith.muli %arg1, %mul3A_100 : i32
    %add3A_102 = arith.addi %mul3A_0, %mul3A_101 : i32
    "tpu.region"() ({
      %run_scoped3A = tpu.sem_alloc : memref<!tpu.dma_semaphore, #tpu.memory_space<semaphore_mem>>
      %dma_start3A_103 = arith.constant 0 : i32
      %dma_start3A_104 = tpu.memref_slice %arg5[%add3A_102, %dma_start3A_103] : memref<25600x128xf32, #tpu.memory_space<hbm>> -> memref<632x128xf32, #tpu.memory_space<hbm>>
      %dma_start3A_105 = arith.constant 0 : i32
      %dma_start3A_106 = tpu.memref_slice %arg14[%mul3A_99, %dma_start3A_105] : memref<10112x128xf32, #tpu.memory_space<vmem_shared>> -> memref<632x128xf32, #tpu.memory_space<vmem_shared>>
      tpu.enqueue_dma source(%dma_start3A_106 : memref<632x128xf32, #tpu.memory_space<vmem_shared>>) target(%dma_start3A_104 : memref<632x128xf32, #tpu.memory_space<hbm>>) target_semaphore(%run_scoped3A : memref<!tpu.dma_semaphore, #tpu.memory_space<semaphore_mem>>)
      %dma_wait3A_107 = arith.constant 0 : i32
      %dma_wait3A_108 = tpu.memref_slice %arg5[%add3A_102, %dma_wait3A_107] : memref<25600x128xf32, #tpu.memory_space<hbm>> -> memref<632x128xf32, #tpu.memory_space<hbm>>
      %dma_wait3A_109 = arith.constant 0 : i32
      %dma_wait3A_110 = tpu.memref_slice %arg14[%mul3A_99, %dma_wait3A_109] : memref<10112x128xf32, #tpu.memory_space<vmem_shared>> -> memref<632x128xf32, #tpu.memory_space<vmem_shared>>
      tpu.wait_dma2 semaphore(%run_scoped3A : memref<!tpu.dma_semaphore, #tpu.memory_space<semaphore_mem>>) src(%dma_wait3A_110 : memref<632x128xf32, #tpu.memory_space<vmem_shared>>) dst(%dma_wait3A_108 : memref<632x128xf32, #tpu.memory_space<hbm>>)
      tpu.yield
    }) : () -> ()
    return
  }
}

#map = affine_map<(d0, d1) -> (0, 0, 0)>
module attributes {stable_mosaic.version = 14 : i64} {
  func.func @_deg_kernel(%arg0: i32, %arg1: i32, %arg2: memref<32x40x125xi32, #tpu.memory_space<hbm>>, %arg3: memref<2x10240x16xf32, #tpu.memory_space<hbm>>, %arg4: memref<40x125xi32, #tpu.memory_space<vmem>>, %arg5: memref<125x16xf32, #tpu.memory_space<vmem>>, %arg6: memref<16x16xf32, #tpu.memory_space<vmem>>, %arg7: memref<10240x16xf32, #tpu.memory_space<vmem_shared>>, %arg8: memref<!tpu.dma_semaphore, #tpu.memory_space<semaphore_mem>>) attributes {dimension_semantics = [#tpu.dimension_semantics<core_parallel>, #tpu.dimension_semantics<subcore_parallel>], iteration_bounds = array<i64: 2, 16>, scalar_prefetch = 0 : i64, scratch_operands = 5 : i64, tpu.core_type = #tpu.core_type<sc_vector_subcore>, window_params = [{transform_indices = #map}, {transform_indices = #map}]} {
    %mul3A = arith.constant 16 : i32
    %mul3A_0 = arith.muli %arg0, %mul3A : i32
    %add3A = arith.addi %mul3A_0, %arg1 : i32
    %dma_start3A = arith.constant 0 : i32
    %dma_start3A_1 = arith.constant 0 : i32
    %dma_start3A_2 = tpu.memref_slice %arg2[%add3A, %dma_start3A, %dma_start3A_1] : memref<32x40x125xi32, #tpu.memory_space<hbm>> -> memref<1x40x125xi32, #tpu.memory_space<hbm>>
    %dma_start3A_3 = tpu.memref_squeeze %dma_start3A_2 : memref<1x40x125xi32, #tpu.memory_space<hbm>> -> memref<40x125xi32, #tpu.memory_space<hbm>>
    %dma_start3A_4 = arith.constant 0 : i32
    %dma_start3A_5 = arith.constant 0 : i32
    %dma_start3A_6 = tpu.memref_slice %arg2[%add3A, %dma_start3A_4, %dma_start3A_5] : memref<32x40x125xi32, #tpu.memory_space<hbm>> -> memref<1x40x125xi32, #tpu.memory_space<hbm>>
    %dma_start3A_7 = tpu.memref_squeeze %dma_start3A_6 : memref<1x40x125xi32, #tpu.memory_space<hbm>> -> memref<40x125xi32, #tpu.memory_space<hbm>>
    tpu.enqueue_dma source(%dma_start3A_7 : memref<40x125xi32, #tpu.memory_space<hbm>>) target(%arg4 : memref<40x125xi32, #tpu.memory_space<vmem>>) target_semaphore(%arg8 : memref<!tpu.dma_semaphore, #tpu.memory_space<semaphore_mem>>)
    %scan3A = arith.constant 0 : i32
    %scan3A_8 = arith.constant 0 : i32
    %scan3A_9 = arith.constant 125 : i32
    %scan3A_10 = arith.addi %scan3A_8, %scan3A_9 : i32
    %scan3A_11 = arith.constant 1 : i32
    %scan3A_12 = scf.for %scan3A_48 = %scan3A_8 to %scan3A_10 step %scan3A_11 iter_args(%scan3A_49 = %scan3A) -> (i32)  : i32 {
      %broadcast_in_dim3A = arith.constant 1.000000e+00 : f32
      %broadcast_in_dim3A_50 = vector.broadcast %broadcast_in_dim3A : f32 to vector<16xf32>
      %swap3A = arith.index_cast %scan3A_48 : i32 to index
      %swap3A_51 = arith.constant 0 : index
      %swap3A_52 = tpu.vector_load %arg5[%swap3A, %swap3A_51] {strides = array<i32>} : memref<125x16xf32, #tpu.memory_space<vmem>>, vector<1x16xf32>,
      %swap3A_53 = vector.shape_cast %swap3A_52 : vector<1x16xf32> to vector<16xf32>
      %swap3A_54 = vector.shape_cast %broadcast_in_dim3A_50 : vector<16xf32> to vector<1x16xf32>
      tpu.vector_store %arg5[%swap3A, %swap3A_51], %swap3A_54 {strides = array<i32>} : memref<125x16xf32, #tpu.memory_space<vmem>>, vector<1x16xf32>,
      %scan3A_55 = arith.constant 0 : i32
      scf.yield %scan3A_55 : i32
    }
    %scan3A_13 = arith.constant 125 : i32
    %scan3A_14 = arith.constant 0 : i32
    %scan3A_15 = arith.constant 0 : i32
    %scan3A_16 = arith.constant 16 : i32
    %scan3A_17 = arith.addi %scan3A_15, %scan3A_16 : i32
    %scan3A_18 = arith.constant 1 : i32
    %scan3A_19 = scf.for %scan3A_48 = %scan3A_15 to %scan3A_17 step %scan3A_18 iter_args(%scan3A_49 = %scan3A_14) -> (i32)  : i32 {
      %broadcast_in_dim3A = arith.constant 0.000000e+00 : f32
      %broadcast_in_dim3A_50 = vector.broadcast %broadcast_in_dim3A : f32 to vector<16xf32>
      %swap3A = arith.index_cast %scan3A_48 : i32 to index
      %swap3A_51 = arith.constant 0 : index
      %swap3A_52 = tpu.vector_load %arg6[%swap3A, %swap3A_51] {strides = array<i32>} : memref<16x16xf32, #tpu.memory_space<vmem>>, vector<1x16xf32>,
      %swap3A_53 = vector.shape_cast %swap3A_52 : vector<1x16xf32> to vector<16xf32>
      %swap3A_54 = vector.shape_cast %broadcast_in_dim3A_50 : vector<16xf32> to vector<1x16xf32>
      tpu.vector_store %arg6[%swap3A, %swap3A_51], %swap3A_54 {strides = array<i32>} : memref<16x16xf32, #tpu.memory_space<vmem>>, vector<1x16xf32>,
      %scan3A_55 = arith.constant 0 : i32
      scf.yield %scan3A_55 : i32
    }
    %scan3A_20 = arith.constant 16 : i32
    %scan3A_21 = arith.constant 0 : i32
    %scan3A_22 = arith.constant 0 : i32
    %scan3A_23 = arith.constant 40 : i32
    %scan3A_24 = arith.addi %scan3A_22, %scan3A_23 : i32
    %scan3A_25 = arith.constant 1 : i32
    %scan3A_26 = scf.for %scan3A_48 = %scan3A_22 to %scan3A_24 step %scan3A_25 iter_args(%scan3A_49 = %scan3A_21) -> (i32)  : i32 {
      %mul3A_50 = arith.constant 640 : i32
      %mul3A_51 = arith.muli %arg1, %mul3A_50 : i32
      %mul3A_52 = arith.constant 16 : i32
      %mul3A_53 = arith.muli %scan3A_48, %mul3A_52 : i32
      %add3A_54 = arith.addi %mul3A_51, %mul3A_53 : i32
      "tpu.region"() ({
        %run_scoped3A = tpu.sem_alloc : memref<!tpu.dma_semaphore, #tpu.memory_space<semaphore_mem>>
        %dma_start3A_56 = arith.constant 0 : i32
        %dma_start3A_57 = tpu.memref_slice %arg7[%add3A_54, %dma_start3A_56] : memref<10240x16xf32, #tpu.memory_space<vmem_shared>> -> memref<16x16xf32, #tpu.memory_space<vmem_shared>>
        %dma_start3A_58 = arith.constant 0 : i32
        %dma_start3A_59 = tpu.memref_slice %arg7[%add3A_54, %dma_start3A_58] : memref<10240x16xf32, #tpu.memory_space<vmem_shared>> -> memref<16x16xf32, #tpu.memory_space<vmem_shared>>
        tpu.enqueue_dma source(%arg6 : memref<16x16xf32, #tpu.memory_space<vmem>>) target(%dma_start3A_59 : memref<16x16xf32, #tpu.memory_space<vmem_shared>>) target_semaphore(%run_scoped3A : memref<!tpu.dma_semaphore, #tpu.memory_space<semaphore_mem>>)
        %dma_wait3A_60 = arith.constant 0 : i32
        %dma_wait3A_61 = tpu.memref_slice %arg7[%add3A_54, %dma_wait3A_60] : memref<10240x16xf32, #tpu.memory_space<vmem_shared>> -> memref<16x16xf32, #tpu.memory_space<vmem_shared>>
        %dma_wait3A_62 = arith.constant 0 : i32
        %dma_wait3A_63 = tpu.memref_slice %arg7[%add3A_54, %dma_wait3A_62] : memref<10240x16xf32, #tpu.memory_space<vmem_shared>> -> memref<16x16xf32, #tpu.memory_space<vmem_shared>>
        tpu.wait_dma2 semaphore(%run_scoped3A : memref<!tpu.dma_semaphore, #tpu.memory_space<semaphore_mem>>) src(%arg6 : memref<16x16xf32, #tpu.memory_space<vmem>>) dst(%dma_wait3A_63 : memref<16x16xf32, #tpu.memory_space<vmem_shared>>)
        tpu.yield
      }) : () -> ()
      %scan3A_55 = arith.constant 0 : i32
      scf.yield %scan3A_55 : i32
    }
    %scan3A_27 = arith.constant 40 : i32
    %dma_wait3A = arith.constant 0 : i32
    %dma_wait3A_28 = arith.constant 0 : i32
    %dma_wait3A_29 = arith.constant 0 : i32
    %dma_wait3A_30 = tpu.memref_slice %arg2[%dma_wait3A, %dma_wait3A_28, %dma_wait3A_29] : memref<32x40x125xi32, #tpu.memory_space<hbm>> -> memref<1x40x125xi32, #tpu.memory_space<hbm>>
    %dma_wait3A_31 = tpu.memref_squeeze %dma_wait3A_30 : memref<1x40x125xi32, #tpu.memory_space<hbm>> -> memref<40x125xi32, #tpu.memory_space<hbm>>
    %dma_wait3A_32 = arith.constant 0 : i32
    %dma_wait3A_33 = arith.constant 0 : i32
    %dma_wait3A_34 = tpu.memref_slice %arg2[%dma_wait3A, %dma_wait3A_32, %dma_wait3A_33] : memref<32x40x125xi32, #tpu.memory_space<hbm>> -> memref<1x40x125xi32, #tpu.memory_space<hbm>>
    %dma_wait3A_35 = tpu.memref_squeeze %dma_wait3A_34 : memref<1x40x125xi32, #tpu.memory_space<hbm>> -> memref<40x125xi32, #tpu.memory_space<hbm>>
    tpu.wait_dma2 semaphore(%arg8 : memref<!tpu.dma_semaphore, #tpu.memory_space<semaphore_mem>>) src(%dma_wait3A_35 : memref<40x125xi32, #tpu.memory_space<hbm>>) dst(%arg4 : memref<40x125xi32, #tpu.memory_space<vmem>>)
    %barrier3A = arith.constant 0 : index
    tpu.barrier barrier_id(%barrier3A)
    %scan3A_36 = arith.constant 0 : i32
    %scan3A_37 = arith.constant 0 : i32
    %scan3A_38 = arith.constant 40 : i32
    %scan3A_39 = arith.addi %scan3A_37, %scan3A_38 : i32
    %scan3A_40 = arith.constant 1 : i32
    %scan3A_41 = scf.for %scan3A_48 = %scan3A_37 to %scan3A_39 step %scan3A_40 iter_args(%scan3A_49 = %scan3A_36) -> (i32)  : i32 {
      "tpu.region"() ({
        %run_scoped3A = tpu.sem_alloc : memref<!tpu.dma_semaphore, #tpu.memory_space<semaphore_mem>>
        %dma_start3A_51 = arith.constant 0 : i32
        %dma_start3A_52 = tpu.memref_slice %arg4[%scan3A_48, %dma_start3A_51] : memref<40x125xi32, #tpu.memory_space<vmem>> -> memref<1x125xi32, #tpu.memory_space<vmem>>
        %dma_start3A_53 = tpu.memref_squeeze %dma_start3A_52 : memref<1x125xi32, #tpu.memory_space<vmem>> -> memref<125xi32, #tpu.memory_space<vmem>>
        %dma_start3A_54 = arith.constant 0 : i32
        %dma_start3A_55 = arith.constant 0 : i32
        %dma_start3A_56 = tpu.memref_slice %arg7[%dma_start3A_54, %dma_start3A_55] : memref<10240x16xf32, #tpu.memory_space<vmem_shared>> -> memref<10240x16xf32, #tpu.memory_space<vmem_shared>>
        tpu.enqueue_indirect_dma source(%arg5 : memref<125x16xf32, #tpu.memory_space<vmem>>) target(%dma_start3A_56 : memref<10240x16xf32, #tpu.memory_space<vmem_shared>>) offsets(%dma_start3A_53 : memref<125xi32, #tpu.memory_space<vmem>>) semaphore(%run_scoped3A : memref<!tpu.dma_semaphore, #tpu.memory_space<semaphore_mem>>) {add = true}
        %dma_wait3A_57 = arith.constant 0 : i32
        %dma_wait3A_58 = tpu.memref_slice %arg4[%scan3A_48, %dma_wait3A_57] : memref<40x125xi32, #tpu.memory_space<vmem>> -> memref<1x125xi32, #tpu.memory_space<vmem>>
        %dma_wait3A_59 = tpu.memref_squeeze %dma_wait3A_58 : memref<1x125xi32, #tpu.memory_space<vmem>> -> memref<125xi32, #tpu.memory_space<vmem>>
        %dma_wait3A_60 = arith.constant 0 : i32
        %dma_wait3A_61 = arith.constant 0 : i32
        %dma_wait3A_62 = tpu.memref_slice %arg7[%dma_wait3A_60, %dma_wait3A_61] : memref<10240x16xf32, #tpu.memory_space<vmem_shared>> -> memref<10240x16xf32, #tpu.memory_space<vmem_shared>>
        tpu.wait_indirect_dma semaphore(%run_scoped3A : memref<!tpu.dma_semaphore, #tpu.memory_space<semaphore_mem>>) src(%arg5 : memref<125x16xf32, #tpu.memory_space<vmem>>) dst(%dma_wait3A_62 : memref<10240x16xf32, #tpu.memory_space<vmem_shared>>)
        tpu.yield
      }) : () -> ()
      %scan3A_50 = arith.constant 0 : i32
      scf.yield %scan3A_50 : i32
    }
    %scan3A_42 = arith.constant 40 : i32
    %barrier3A_43 = arith.constant 0 : index
    tpu.barrier barrier_id(%barrier3A_43)
    %mul3A_44 = arith.constant 640 : i32
    %mul3A_45 = arith.muli %arg1, %mul3A_44 : i32
    %mul3A_46 = arith.constant 640 : i32
    %mul3A_47 = arith.muli %arg1, %mul3A_46 : i32
    "tpu.region"() ({
      %run_scoped3A = tpu.sem_alloc : memref<!tpu.dma_semaphore, #tpu.memory_space<semaphore_mem>>
      %dma_start3A_48 = arith.constant 0 : i32
      %dma_start3A_49 = tpu.memref_slice %arg3[%arg0, %mul3A_47, %dma_start3A_48] : memref<2x10240x16xf32, #tpu.memory_space<hbm>> -> memref<1x640x16xf32, #tpu.memory_space<hbm>>
      %dma_start3A_50 = tpu.memref_squeeze %dma_start3A_49 : memref<1x640x16xf32, #tpu.memory_space<hbm>> -> memref<640x16xf32, #tpu.memory_space<hbm>>
      %dma_start3A_51 = arith.constant 0 : i32
      %dma_start3A_52 = tpu.memref_slice %arg7[%mul3A_45, %dma_start3A_51] : memref<10240x16xf32, #tpu.memory_space<vmem_shared>> -> memref<640x16xf32, #tpu.memory_space<vmem_shared>>
      tpu.enqueue_dma source(%dma_start3A_52 : memref<640x16xf32, #tpu.memory_space<vmem_shared>>) target(%dma_start3A_50 : memref<640x16xf32, #tpu.memory_space<hbm>>) target_semaphore(%run_scoped3A : memref<!tpu.dma_semaphore, #tpu.memory_space<semaphore_mem>>)
      %dma_wait3A_53 = arith.constant 0 : i32
      %dma_wait3A_54 = tpu.memref_slice %arg3[%arg0, %mul3A_47, %dma_wait3A_53] : memref<2x10240x16xf32, #tpu.memory_space<hbm>> -> memref<1x640x16xf32, #tpu.memory_space<hbm>>
      %dma_wait3A_55 = tpu.memref_squeeze %dma_wait3A_54 : memref<1x640x16xf32, #tpu.memory_space<hbm>> -> memref<640x16xf32, #tpu.memory_space<hbm>>
      %dma_wait3A_56 = arith.constant 0 : i32
      %dma_wait3A_57 = tpu.memref_slice %arg7[%mul3A_45, %dma_wait3A_56] : memref<10240x16xf32, #tpu.memory_space<vmem_shared>> -> memref<640x16xf32, #tpu.memory_space<vmem_shared>>
      tpu.wait_dma2 semaphore(%run_scoped3A : memref<!tpu.dma_semaphore, #tpu.memory_space<semaphore_mem>>) src(%dma_wait3A_57 : memref<640x16xf32, #tpu.memory_space<vmem_shared>>) dst(%dma_wait3A_55 : memref<640x16xf32, #tpu.memory_space<hbm>>)
      tpu.yield
    }) : () -> ()
    return
  }
}

#map = affine_map<(d0, d1) -> (0)>
#map1 = affine_map<(d0, d1) -> (0, 0, 0)>
#map2 = affine_map<(d0, d1) -> (0, 0)>
module attributes {stable_mosaic.version = 14 : i64} {
  func.func @_agg_kernel(%arg0: i32, %arg1: i32, %arg2: memref<160000xi32, #tpu.memory_space<hbm>>, %arg3: memref<16x125x80xi32, #tpu.memory_space<hbm>>, %arg4: memref<25600x128xf32, #tpu.memory_space<hbm>>, %arg5: memref<25600x128xf32, #tpu.memory_space<hbm>>, %arg6: memref<80x128xf32, #tpu.memory_space<vmem>>, %arg7: memref<80x128xf32, #tpu.memory_space<vmem>>, %arg8: memref<80x128xf32, #tpu.memory_space<vmem>>, %arg9: memref<80xi32, #tpu.memory_space<vmem>>, %arg10: memref<80xi32, #tpu.memory_space<vmem>>, %arg11: memref<80xi32, #tpu.memory_space<vmem>>, %arg12: memref<125x80xi32, #tpu.memory_space<vmem>>, %arg13: memref<8x128xf32, #tpu.memory_space<vmem>>, %arg14: memref<10112x128xf32, #tpu.memory_space<vmem_shared>>, %arg15: memref<!tpu.dma_semaphore, #tpu.memory_space<semaphore_mem>>, %arg16: memref<!tpu.dma_semaphore, #tpu.memory_space<semaphore_mem>>, %arg17: memref<!tpu.dma_semaphore, #tpu.memory_space<semaphore_mem>>, %arg18: memref<!tpu.dma_semaphore, #tpu.memory_space<semaphore_mem>>, %arg19: memref<!tpu.dma_semaphore, #tpu.memory_space<semaphore_mem>>, %arg20: memref<!tpu.dma_semaphore, #tpu.memory_space<semaphore_mem>>, %arg21: memref<!tpu.dma_semaphore, #tpu.memory_space<semaphore_mem>>, %arg22: memref<!tpu.dma_semaphore, #tpu.memory_space<semaphore_mem>>, %arg23: memref<!tpu.dma_semaphore, #tpu.memory_space<semaphore_mem>>) attributes {dimension_semantics = [#tpu.dimension_semantics<core_parallel>, #tpu.dimension_semantics<subcore_parallel>], iteration_bounds = array<i64: 2, 16>, scalar_prefetch = 0 : i64, scratch_operands = 18 : i64, tpu.core_type = #tpu.core_type<sc_vector_subcore>, window_params = [{transform_indices = #map}, {transform_indices = #map1}, {transform_indices = #map2}, {transform_indices = #map2}]} {
    %mul3A = arith.constant 12800 : i32
    %mul3A_0 = arith.muli %arg0, %mul3A : i32
    %mul3A_1 = arith.constant 125 : i32
    %mul3A_2 = arith.muli %arg1, %mul3A_1 : i32
    %mul3A_3 = arith.constant 80 : i32
    %mul3A_4 = arith.muli %mul3A_2, %mul3A_3 : i32
    %dma_start3A = arith.constant 0 : i32
    %dma_start3A_5 = arith.constant 0 : i32
    %dma_start3A_6 = tpu.memref_slice %arg3[%arg1, %dma_start3A, %dma_start3A_5] : memref<16x125x80xi32, #tpu.memory_space<hbm>> -> memref<1x125x80xi32, #tpu.memory_space<hbm>>
    %dma_start3A_7 = tpu.memref_squeeze %dma_start3A_6 : memref<1x125x80xi32, #tpu.memory_space<hbm>> -> memref<125x80xi32, #tpu.memory_space<hbm>>
    %dma_start3A_8 = arith.constant 0 : i32
    %dma_start3A_9 = arith.constant 0 : i32
    %dma_start3A_10 = tpu.memref_slice %arg3[%arg1, %dma_start3A_8, %dma_start3A_9] : memref<16x125x80xi32, #tpu.memory_space<hbm>> -> memref<1x125x80xi32, #tpu.memory_space<hbm>>
    %dma_start3A_11 = tpu.memref_squeeze %dma_start3A_10 : memref<1x125x80xi32, #tpu.memory_space<hbm>> -> memref<125x80xi32, #tpu.memory_space<hbm>>
    tpu.enqueue_dma source(%dma_start3A_11 : memref<125x80xi32, #tpu.memory_space<hbm>>) target(%arg12 : memref<125x80xi32, #tpu.memory_space<vmem>>) target_semaphore(%arg21 : memref<!tpu.dma_semaphore, #tpu.memory_space<semaphore_mem>>)
    %scan3A = arith.constant 0 : i32
    %scan3A_12 = arith.constant 0 : i32
    %scan3A_13 = arith.constant 8 : i32
    %scan3A_14 = arith.addi %scan3A_12, %scan3A_13 : i32
    %scan3A_15 = arith.constant 1 : i32
    %scan3A_16 = scf.for %scan3A_103 = %scan3A_12 to %scan3A_14 step %scan3A_15 iter_args(%scan3A_104 = %scan3A) -> (i32)  : i32 {
      %scan3A_105 = arith.constant 0 : i32
      %scan3A_106 = arith.constant 0 : i32
      %scan3A_107 = arith.constant 8 : i32
      %scan3A_108 = arith.addi %scan3A_106, %scan3A_107 : i32
      %scan3A_109 = arith.constant 1 : i32
      %scan3A_110 = scf.for %scan3A_113 = %scan3A_106 to %scan3A_108 step %scan3A_109 iter_args(%scan3A_114 = %scan3A_105) -> (i32)  : i32 {
        %broadcast_in_dim3A = arith.constant 0.000000e+00 : f32
        %broadcast_in_dim3A_115 = vector.broadcast %broadcast_in_dim3A : f32 to vector<16xf32>
        %mul3A_116 = arith.constant 16 : i32
        %mul3A_117 = arith.muli %scan3A_113, %mul3A_116 : i32
        %swap3A = arith.index_cast %scan3A_103 : i32 to index
        %swap3A_118 = arith.index_cast %mul3A_117 : i32 to index
        %swap3A_119 = tpu.vector_load %arg13[%swap3A, %swap3A_118] {strides = array<i32>} : memref<8x128xf32, #tpu.memory_space<vmem>>, vector<1x16xf32>,
        %swap3A_120 = vector.shape_cast %swap3A_119 : vector<1x16xf32> to vector<16xf32>
        %swap3A_121 = vector.shape_cast %broadcast_in_dim3A_115 : vector<16xf32> to vector<1x16xf32>
        tpu.vector_store %arg13[%swap3A, %swap3A_118], %swap3A_121 {strides = array<i32>} : memref<8x128xf32, #tpu.memory_space<vmem>>, vector<1x16xf32>,
        %scan3A_122 = arith.constant 0 : i32
        scf.yield %scan3A_122 : i32
      }
      %scan3A_111 = arith.constant 8 : i32
      %scan3A_112 = arith.constant 0 : i32
      scf.yield %scan3A_112 : i32
    }
    %scan3A_17 = arith.constant 8 : i32
    %scan3A_18 = arith.constant 0 : i32
    %scan3A_19 = arith.constant 0 : i32
    %scan3A_20 = arith.constant 79 : i32
    %scan3A_21 = arith.addi %scan3A_19, %scan3A_20 : i32
    %scan3A_22 = arith.constant 1 : i32
    %scan3A_23 = scf.for %scan3A_103 = %scan3A_19 to %scan3A_21 step %scan3A_22 iter_args(%scan3A_104 = %scan3A_18) -> (i32)  : i32 {
      %mul3A_105 = arith.constant 632 : i32
      %mul3A_106 = arith.muli %arg1, %mul3A_105 : i32
      %mul3A_107 = arith.constant 8 : i32
      %mul3A_108 = arith.muli %scan3A_103, %mul3A_107 : i32
      %add3A_109 = arith.addi %mul3A_106, %mul3A_108 : i32
      "tpu.region"() ({
        %run_scoped3A = tpu.sem_alloc : memref<!tpu.dma_semaphore, #tpu.memory_space<semaphore_mem>>
        %dma_start3A_111 = arith.constant 0 : i32
        %dma_start3A_112 = tpu.memref_slice %arg14[%add3A_109, %dma_start3A_111] : memref<10112x128xf32, #tpu.memory_space<vmem_shared>> -> memref<8x128xf32, #tpu.memory_space<vmem_shared>>
        %dma_start3A_113 = arith.constant 0 : i32
        %dma_start3A_114 = tpu.memref_slice %arg14[%add3A_109, %dma_start3A_113] : memref<10112x128xf32, #tpu.memory_space<vmem_shared>> -> memref<8x128xf32, #tpu.memory_space<vmem_shared>>
        tpu.enqueue_dma source(%arg13 : memref<8x128xf32, #tpu.memory_space<vmem>>) target(%dma_start3A_114 : memref<8x128xf32, #tpu.memory_space<vmem_shared>>) target_semaphore(%run_scoped3A : memref<!tpu.dma_semaphore, #tpu.memory_space<semaphore_mem>>)
        %dma_wait3A_115 = arith.constant 0 : i32
        %dma_wait3A_116 = tpu.memref_slice %arg14[%add3A_109, %dma_wait3A_115] : memref<10112x128xf32, #tpu.memory_space<vmem_shared>> -> memref<8x128xf32, #tpu.memory_space<vmem_shared>>
        %dma_wait3A_117 = arith.constant 0 : i32
        %dma_wait3A_118 = tpu.memref_slice %arg14[%add3A_109, %dma_wait3A_117] : memref<10112x128xf32, #tpu.memory_space<vmem_shared>> -> memref<8x128xf32, #tpu.memory_space<vmem_shared>>
        tpu.wait_dma2 semaphore(%run_scoped3A : memref<!tpu.dma_semaphore, #tpu.memory_space<semaphore_mem>>) src(%arg13 : memref<8x128xf32, #tpu.memory_space<vmem>>) dst(%dma_wait3A_118 : memref<8x128xf32, #tpu.memory_space<vmem_shared>>)
        tpu.yield
      }) : () -> ()
      %scan3A_110 = arith.constant 0 : i32
      scf.yield %scan3A_110 : i32
    }
    %scan3A_24 = arith.constant 79 : i32
    %dma_wait3A = arith.constant 0 : i32
    %dma_wait3A_25 = arith.constant 0 : i32
    %dma_wait3A_26 = arith.constant 0 : i32
    %dma_wait3A_27 = tpu.memref_slice %arg3[%dma_wait3A, %dma_wait3A_25, %dma_wait3A_26] : memref<16x125x80xi32, #tpu.memory_space<hbm>> -> memref<1x125x80xi32, #tpu.memory_space<hbm>>
    %dma_wait3A_28 = tpu.memref_squeeze %dma_wait3A_27 : memref<1x125x80xi32, #tpu.memory_space<hbm>> -> memref<125x80xi32, #tpu.memory_space<hbm>>
    %dma_wait3A_29 = arith.constant 0 : i32
    %dma_wait3A_30 = arith.constant 0 : i32
    %dma_wait3A_31 = tpu.memref_slice %arg3[%dma_wait3A, %dma_wait3A_29, %dma_wait3A_30] : memref<16x125x80xi32, #tpu.memory_space<hbm>> -> memref<1x125x80xi32, #tpu.memory_space<hbm>>
    %dma_wait3A_32 = tpu.memref_squeeze %dma_wait3A_31 : memref<1x125x80xi32, #tpu.memory_space<hbm>> -> memref<125x80xi32, #tpu.memory_space<hbm>>
    tpu.wait_dma2 semaphore(%arg21 : memref<!tpu.dma_semaphore, #tpu.memory_space<semaphore_mem>>) src(%dma_wait3A_32 : memref<125x80xi32, #tpu.memory_space<hbm>>) dst(%arg12 : memref<125x80xi32, #tpu.memory_space<vmem>>)
    %barrier3A = arith.constant 0 : index
    tpu.barrier barrier_id(%barrier3A)
    %add3A = arith.constant 0 : i32
    %add3A_33 = arith.addi %mul3A_4, %add3A : i32
    %dma_start3A_34 = tpu.memref_slice %arg2[%add3A_33] : memref<160000xi32, #tpu.memory_space<hbm>> -> memref<80xi32, #tpu.memory_space<hbm>>
    %dma_start3A_35 = tpu.memref_slice %arg2[%add3A_33] : memref<160000xi32, #tpu.memory_space<hbm>> -> memref<80xi32, #tpu.memory_space<hbm>>
    tpu.enqueue_dma source(%dma_start3A_35 : memref<80xi32, #tpu.memory_space<hbm>>) target(%arg9 : memref<80xi32, #tpu.memory_space<vmem>>) target_semaphore(%arg21 : memref<!tpu.dma_semaphore, #tpu.memory_space<semaphore_mem>>)
    %dma_wait3A_36 = arith.constant 0 : i32
    %dma_wait3A_37 = tpu.memref_slice %arg2[%dma_wait3A_36] : memref<160000xi32, #tpu.memory_space<hbm>> -> memref<80xi32, #tpu.memory_space<hbm>>
    %dma_wait3A_38 = arith.constant 0 : i32
    %dma_wait3A_39 = tpu.memref_slice %arg2[%dma_wait3A_38] : memref<160000xi32, #tpu.memory_space<hbm>> -> memref<80xi32, #tpu.memory_space<hbm>>
    tpu.wait_dma2 semaphore(%arg21 : memref<!tpu.dma_semaphore, #tpu.memory_space<semaphore_mem>>) src(%dma_wait3A_39 : memref<80xi32, #tpu.memory_space<hbm>>) dst(%arg9 : memref<80xi32, #tpu.memory_space<vmem>>)
    %scan3A_40 = arith.constant 0 : i32
    %scan3A_41 = arith.constant 0 : i32
    %scan3A_42 = arith.constant 5 : i32
    %scan3A_43 = arith.addi %scan3A_41, %scan3A_42 : i32
    %scan3A_44 = arith.constant 1 : i32
    %scan3A_45 = scf.for %scan3A_103 = %scan3A_41 to %scan3A_43 step %scan3A_44 iter_args(%scan3A_104 = %scan3A_40) -> (i32)  : i32 {
      %mul3A_105 = arith.constant 16 : i32
      %mul3A_106 = arith.muli %scan3A_103, %mul3A_105 : i32
      %get3A = arith.index_cast %mul3A_106 : i32 to index
      %get3A_107 = tpu.vector_load %arg9[%get3A] {strides = array<i32>} : memref<80xi32, #tpu.memory_space<vmem>>, vector<16xi32>,
      %get3A_108 = vector.shape_cast %get3A_107 : vector<16xi32> to vector<16xi32>
      %add3A_109 = vector.broadcast %mul3A_0 : i32 to vector<16xi32>
      %add3A_110 = arith.addi %get3A_108, %add3A_109 : vector<16xi32>
      %mul3A_111 = arith.constant 16 : i32
      %mul3A_112 = arith.muli %scan3A_103, %mul3A_111 : i32
      %swap3A = arith.index_cast %mul3A_112 : i32 to index
      %swap3A_113 = tpu.vector_load %arg9[%swap3A] {strides = array<i32>} : memref<80xi32, #tpu.memory_space<vmem>>, vector<16xi32>,
      %swap3A_114 = vector.shape_cast %swap3A_113 : vector<16xi32> to vector<16xi32>
      %swap3A_115 = vector.shape_cast %add3A_110 : vector<16xi32> to vector<16xi32>
      tpu.vector_store %arg9[%swap3A], %swap3A_115 {strides = array<i32>} : memref<80xi32, #tpu.memory_space<vmem>>, vector<16xi32>,
      %scan3A_116 = arith.constant 0 : i32
      scf.yield %scan3A_116 : i32
    }
    %scan3A_46 = arith.constant 5 : i32
    %dma_start3A_47 = arith.constant 0 : i32
    %dma_start3A_48 = arith.constant 0 : i32
    %dma_start3A_49 = tpu.memref_slice %arg4[%dma_start3A_47, %dma_start3A_48] : memref<25600x128xf32, #tpu.memory_space<hbm>> -> memref<25600x128xf32, #tpu.memory_space<hbm>>
    tpu.enqueue_indirect_dma source(%dma_start3A_49 : memref<25600x128xf32, #tpu.memory_space<hbm>>) target(%arg6 : memref<80x128xf32, #tpu.memory_space<vmem>>) offsets(%arg9 : memref<80xi32, #tpu.memory_space<vmem>>) semaphore(%arg15 : memref<!tpu.dma_semaphore, #tpu.memory_space<semaphore_mem>>)
    %add3A_50 = arith.constant 80 : i32
    %add3A_51 = arith.addi %mul3A_4, %add3A_50 : i32
    %dma_start3A_52 = tpu.memref_slice %arg2[%add3A_51] : memref<160000xi32, #tpu.memory_space<hbm>> -> memref<80xi32, #tpu.memory_space<hbm>>
    %dma_start3A_53 = tpu.memref_slice %arg2[%add3A_51] : memref<160000xi32, #tpu.memory_space<hbm>> -> memref<80xi32, #tpu.memory_space<hbm>>
    tpu.enqueue_dma source(%dma_start3A_53 : memref<80xi32, #tpu.memory_space<hbm>>) target(%arg10 : memref<80xi32, #tpu.memory_space<vmem>>) target_semaphore(%arg22 : memref<!tpu.dma_semaphore, #tpu.memory_space<semaphore_mem>>)
    %dma_wait3A_54 = arith.constant 0 : i32
    %dma_wait3A_55 = tpu.memref_slice %arg2[%dma_wait3A_54] : memref<160000xi32, #tpu.memory_space<hbm>> -> memref<80xi32, #tpu.memory_space<hbm>>
    %dma_wait3A_56 = arith.constant 0 : i32
    %dma_wait3A_57 = tpu.memref_slice %arg2[%dma_wait3A_56] : memref<160000xi32, #tpu.memory_space<hbm>> -> memref<80xi32, #tpu.memory_space<hbm>>
    tpu.wait_dma2 semaphore(%arg22 : memref<!tpu.dma_semaphore, #tpu.memory_space<semaphore_mem>>) src(%dma_wait3A_57 : memref<80xi32, #tpu.memory_space<hbm>>) dst(%arg10 : memref<80xi32, #tpu.memory_space<vmem>>)
    %scan3A_58 = arith.constant 0 : i32
    %scan3A_59 = arith.constant 0 : i32
    %scan3A_60 = arith.constant 5 : i32
    %scan3A_61 = arith.addi %scan3A_59, %scan3A_60 : i32
    %scan3A_62 = arith.constant 1 : i32
    %scan3A_63 = scf.for %scan3A_103 = %scan3A_59 to %scan3A_61 step %scan3A_62 iter_args(%scan3A_104 = %scan3A_58) -> (i32)  : i32 {
      %mul3A_105 = arith.constant 16 : i32
      %mul3A_106 = arith.muli %scan3A_103, %mul3A_105 : i32
      %get3A = arith.index_cast %mul3A_106 : i32 to index
      %get3A_107 = tpu.vector_load %arg10[%get3A] {strides = array<i32>} : memref<80xi32, #tpu.memory_space<vmem>>, vector<16xi32>,
      %get3A_108 = vector.shape_cast %get3A_107 : vector<16xi32> to vector<16xi32>
      %add3A_109 = vector.broadcast %mul3A_0 : i32 to vector<16xi32>
      %add3A_110 = arith.addi %get3A_108, %add3A_109 : vector<16xi32>
      %mul3A_111 = arith.constant 16 : i32
      %mul3A_112 = arith.muli %scan3A_103, %mul3A_111 : i32
      %swap3A = arith.index_cast %mul3A_112 : i32 to index
      %swap3A_113 = tpu.vector_load %arg10[%swap3A] {strides = array<i32>} : memref<80xi32, #tpu.memory_space<vmem>>, vector<16xi32>,
      %swap3A_114 = vector.shape_cast %swap3A_113 : vector<16xi32> to vector<16xi32>
      %swap3A_115 = vector.shape_cast %add3A_110 : vector<16xi32> to vector<16xi32>
      tpu.vector_store %arg10[%swap3A], %swap3A_115 {strides = array<i32>} : memref<80xi32, #tpu.memory_space<vmem>>, vector<16xi32>,
      %scan3A_116 = arith.constant 0 : i32
      scf.yield %scan3A_116 : i32
    }
    %scan3A_64 = arith.constant 5 : i32
    %dma_start3A_65 = arith.constant 0 : i32
    %dma_start3A_66 = arith.constant 0 : i32
    %dma_start3A_67 = tpu.memref_slice %arg4[%dma_start3A_65, %dma_start3A_66] : memref<25600x128xf32, #tpu.memory_space<hbm>> -> memref<25600x128xf32, #tpu.memory_space<hbm>>
    tpu.enqueue_indirect_dma source(%dma_start3A_67 : memref<25600x128xf32, #tpu.memory_space<hbm>>) target(%arg7 : memref<80x128xf32, #tpu.memory_space<vmem>>) offsets(%arg10 : memref<80xi32, #tpu.memory_space<vmem>>) semaphore(%arg16 : memref<!tpu.dma_semaphore, #tpu.memory_space<semaphore_mem>>)
    %add3A_68 = arith.constant 160 : i32
    %add3A_69 = arith.addi %mul3A_4, %add3A_68 : i32
    %dma_start3A_70 = tpu.memref_slice %arg2[%add3A_69] : memref<160000xi32, #tpu.memory_space<hbm>> -> memref<80xi32, #tpu.memory_space<hbm>>
    %dma_start3A_71 = tpu.memref_slice %arg2[%add3A_69] : memref<160000xi32, #tpu.memory_space<hbm>> -> memref<80xi32, #tpu.memory_space<hbm>>
    tpu.enqueue_dma source(%dma_start3A_71 : memref<80xi32, #tpu.memory_space<hbm>>) target(%arg11 : memref<80xi32, #tpu.memory_space<vmem>>) target_semaphore(%arg23 : memref<!tpu.dma_semaphore, #tpu.memory_space<semaphore_mem>>)
    %scan3A_72 = arith.constant 0 : i32
    %scan3A_73 = arith.constant 0 : i32
    %scan3A_74 = arith.constant 125 : i32
    %scan3A_75 = arith.addi %scan3A_73, %scan3A_74 : i32
    %scan3A_76 = arith.constant 1 : i32
    %scan3A_77 = scf.for %scan3A_103 = %scan3A_73 to %scan3A_75 step %scan3A_76 iter_args(%scan3A_104 = %scan3A_72) -> (i32)  : i32 {
      %jit3A = arith.constant 3 : i32
      %eq3A = arith.constant 0 : i32
      %eq3A_105 = arith.cmpi eq, %jit3A, %eq3A : i32
      %jit3A_106 = arith.constant 1 : i32
      %select_n3A = arith.select %eq3A_105, %jit3A_106, %jit3A : i32
      %rem3A = arith.remsi %scan3A_103, %select_n3A : i32
      %ne3A = arith.constant 0 : i32
      %ne3A_107 = arith.cmpi ne, %rem3A, %ne3A : i32
      %lt3A = arith.constant 0 : i32
      %lt3A_108 = arith.cmpi slt, %rem3A, %lt3A : i32
      %lt3A_109 = arith.constant 0 : i32
      %lt3A_110 = arith.cmpi slt, %select_n3A, %lt3A_109 : i32
      %ne3A_111 = arith.xori %lt3A_108, %lt3A_110 : i1
      %and3A = arith.andi %ne3A_111, %ne3A_107 : i1
      %add3A_112 = arith.addi %rem3A, %select_n3A : i32
      %select_n3A_113 = arith.select %and3A, %add3A_112, %rem3A : i32
      %eq3A_114 = arith.constant 0 : i32
      %eq3A_115 = arith.cmpi eq, %select_n3A_113, %eq3A_114 : i32
      %convert_element_type3A = arith.extui %eq3A_115 : i1 to i32
      %cond3A = arith.constant 0 : i32
      %cond3A_116 = arith.cmpi ne, %convert_element_type3A, %cond3A : i32
      scf.if %cond3A_116 {
        %dma_wait3A_160 = arith.constant 0 : i32
        %dma_wait3A_161 = arith.constant 0 : i32
        %dma_wait3A_162 = tpu.memref_slice %arg4[%dma_wait3A_160, %dma_wait3A_161] : memref<25600x128xf32, #tpu.memory_space<hbm>> -> memref<80x128xf32, #tpu.memory_space<hbm>>
        %dma_wait3A_163 = arith.constant 0 : i32
        %dma_wait3A_164 = arith.constant 0 : i32
        %dma_wait3A_165 = tpu.memref_slice %arg4[%dma_wait3A_163, %dma_wait3A_164] : memref<25600x128xf32, #tpu.memory_space<hbm>> -> memref<80x128xf32, #tpu.memory_space<hbm>>
        tpu.wait_dma2 semaphore(%arg15 : memref<!tpu.dma_semaphore, #tpu.memory_space<semaphore_mem>>) src(%dma_wait3A_165 : memref<80x128xf32, #tpu.memory_space<hbm>>) dst(%arg6 : memref<80x128xf32, #tpu.memory_space<vmem>>)
        %dma_start3A_166 = arith.constant 0 : i32
        %dma_start3A_167 = tpu.memref_slice %arg12[%scan3A_103, %dma_start3A_166] : memref<125x80xi32, #tpu.memory_space<vmem>> -> memref<1x80xi32, #tpu.memory_space<vmem>>
        %dma_start3A_168 = tpu.memref_squeeze %dma_start3A_167 : memref<1x80xi32, #tpu.memory_space<vmem>> -> memref<80xi32, #tpu.memory_space<vmem>>
        %dma_start3A_169 = arith.constant 0 : i32
        %dma_start3A_170 = arith.constant 0 : i32
        %dma_start3A_171 = tpu.memref_slice %arg14[%dma_start3A_169, %dma_start3A_170] : memref<10112x128xf32, #tpu.memory_space<vmem_shared>> -> memref<10112x128xf32, #tpu.memory_space<vmem_shared>>
        tpu.enqueue_indirect_dma source(%arg6 : memref<80x128xf32, #tpu.memory_space<vmem>>) target(%dma_start3A_171 : memref<10112x128xf32, #tpu.memory_space<vmem_shared>>) offsets(%dma_start3A_168 : memref<80xi32, #tpu.memory_space<vmem>>) semaphore(%arg18 : memref<!tpu.dma_semaphore, #tpu.memory_space<semaphore_mem>>) {add = true}
        %add3A_172 = arith.constant 3 : i32
        %add3A_173 = arith.addi %scan3A_103, %add3A_172 : i32
        %lt3A_174 = arith.constant 125 : i32
        %lt3A_175 = arith.cmpi slt, %add3A_173, %lt3A_174 : i32
        %convert_element_type3A_176 = arith.extui %lt3A_175 : i1 to i32
        %cond3A_177 = arith.constant 0 : i32
        %cond3A_178 = arith.cmpi ne, %convert_element_type3A_176, %cond3A_177 : i32
        scf.if %cond3A_178 {
          %add3A_186 = arith.constant 3 : i32
          %add3A_187 = arith.addi %scan3A_103, %add3A_186 : i32
          %mul3A_188 = arith.constant 80 : i32
          %mul3A_189 = arith.muli %add3A_187, %mul3A_188 : i32
          %add3A_190 = arith.addi %mul3A_4, %mul3A_189 : i32
          %dma_start3A_191 = tpu.memref_slice %arg2[%add3A_190] : memref<160000xi32, #tpu.memory_space<hbm>> -> memref<80xi32, #tpu.memory_space<hbm>>
          %dma_start3A_192 = tpu.memref_slice %arg2[%add3A_190] : memref<160000xi32, #tpu.memory_space<hbm>> -> memref<80xi32, #tpu.memory_space<hbm>>
          tpu.enqueue_dma source(%dma_start3A_192 : memref<80xi32, #tpu.memory_space<hbm>>) target(%arg9 : memref<80xi32, #tpu.memory_space<vmem>>) target_semaphore(%arg21 : memref<!tpu.dma_semaphore, #tpu.memory_space<semaphore_mem>>)
        } else {
        }
        %add3A_179 = arith.constant 2 : i32
        %add3A_180 = arith.addi %scan3A_103, %add3A_179 : i32
        %lt3A_181 = arith.constant 125 : i32
        %lt3A_182 = arith.cmpi slt, %add3A_180, %lt3A_181 : i32
        %convert_element_type3A_183 = arith.extui %lt3A_182 : i1 to i32
        %cond3A_184 = arith.constant 0 : i32
        %cond3A_185 = arith.cmpi ne, %convert_element_type3A_183, %cond3A_184 : i32
        scf.if %cond3A_185 {
          %dma_wait3A_186 = arith.constant 0 : i32
          %dma_wait3A_187 = tpu.memref_slice %arg2[%dma_wait3A_186] : memref<160000xi32, #tpu.memory_space<hbm>> -> memref<80xi32, #tpu.memory_space<hbm>>
          %dma_wait3A_188 = arith.constant 0 : i32
          %dma_wait3A_189 = tpu.memref_slice %arg2[%dma_wait3A_188] : memref<160000xi32, #tpu.memory_space<hbm>> -> memref<80xi32, #tpu.memory_space<hbm>>
          tpu.wait_dma2 semaphore(%arg23 : memref<!tpu.dma_semaphore, #tpu.memory_space<semaphore_mem>>) src(%dma_wait3A_189 : memref<80xi32, #tpu.memory_space<hbm>>) dst(%arg11 : memref<80xi32, #tpu.memory_space<vmem>>)
          %scan3A_190 = arith.constant 0 : i32
          %scan3A_191 = arith.constant 0 : i32
          %scan3A_192 = arith.constant 5 : i32
          %scan3A_193 = arith.addi %scan3A_191, %scan3A_192 : i32
          %scan3A_194 = arith.constant 1 : i32
          %scan3A_195 = scf.for %scan3A_204 = %scan3A_191 to %scan3A_193 step %scan3A_194 iter_args(%scan3A_205 = %scan3A_190) -> (i32)  : i32 {
            %mul3A_206 = arith.constant 16 : i32
            %mul3A_207 = arith.muli %scan3A_204, %mul3A_206 : i32
            %get3A = arith.index_cast %mul3A_207 : i32 to index
            %get3A_208 = tpu.vector_load %arg11[%get3A] {strides = array<i32>} : memref<80xi32, #tpu.memory_space<vmem>>, vector<16xi32>,
            %get3A_209 = vector.shape_cast %get3A_208 : vector<16xi32> to vector<16xi32>
            %add3A_210 = vector.broadcast %mul3A_0 : i32 to vector<16xi32>
            %add3A_211 = arith.addi %get3A_209, %add3A_210 : vector<16xi32>
            %mul3A_212 = arith.constant 16 : i32
            %mul3A_213 = arith.muli %scan3A_204, %mul3A_212 : i32
            %swap3A = arith.index_cast %mul3A_213 : i32 to index
            %swap3A_214 = tpu.vector_load %arg11[%swap3A] {strides = array<i32>} : memref<80xi32, #tpu.memory_space<vmem>>, vector<16xi32>,
            %swap3A_215 = vector.shape_cast %swap3A_214 : vector<16xi32> to vector<16xi32>
            %swap3A_216 = vector.shape_cast %add3A_211 : vector<16xi32> to vector<16xi32>
            tpu.vector_store %arg11[%swap3A], %swap3A_216 {strides = array<i32>} : memref<80xi32, #tpu.memory_space<vmem>>, vector<16xi32>,
            %scan3A_217 = arith.constant 0 : i32
            scf.yield %scan3A_217 : i32
          }
          %scan3A_196 = arith.constant 5 : i32
          %ge3A = arith.constant 1 : i32
          %ge3A_197 = arith.cmpi sge, %scan3A_103, %ge3A : i32
          %convert_element_type3A_198 = arith.extui %ge3A_197 : i1 to i32
          %cond3A_199 = arith.constant 0 : i32
          %cond3A_200 = arith.cmpi ne, %convert_element_type3A_198, %cond3A_199 : i32
          scf.if %cond3A_200 {
            %dma_wait3A_204 = arith.constant 0 : i32
            %dma_wait3A_205 = arith.constant 0 : i32
            %dma_wait3A_206 = tpu.memref_slice %arg4[%dma_wait3A_204, %dma_wait3A_205] : memref<25600x128xf32, #tpu.memory_space<hbm>> -> memref<80x128xf32, #tpu.memory_space<hbm>>
            %dma_wait3A_207 = arith.constant 0 : i32
            %dma_wait3A_208 = arith.constant 0 : i32
            %dma_wait3A_209 = tpu.memref_slice %arg4[%dma_wait3A_207, %dma_wait3A_208] : memref<25600x128xf32, #tpu.memory_space<hbm>> -> memref<80x128xf32, #tpu.memory_space<hbm>>
            tpu.wait_dma2 semaphore(%arg20 : memref<!tpu.dma_semaphore, #tpu.memory_space<semaphore_mem>>) src(%dma_wait3A_209 : memref<80x128xf32, #tpu.memory_space<hbm>>) dst(%arg8 : memref<80x128xf32, #tpu.memory_space<vmem>>)
          } else {
          }
          %dma_start3A_201 = arith.constant 0 : i32
          %dma_start3A_202 = arith.constant 0 : i32
          %dma_start3A_203 = tpu.memref_slice %arg4[%dma_start3A_201, %dma_start3A_202] : memref<25600x128xf32, #tpu.memory_space<hbm>> -> memref<25600x128xf32, #tpu.memory_space<hbm>>
          tpu.enqueue_indirect_dma source(%dma_start3A_203 : memref<25600x128xf32, #tpu.memory_space<hbm>>) target(%arg8 : memref<80x128xf32, #tpu.memory_space<vmem>>) offsets(%arg11 : memref<80xi32, #tpu.memory_space<vmem>>) semaphore(%arg17 : memref<!tpu.dma_semaphore, #tpu.memory_space<semaphore_mem>>)
        } else {
        }
      } else {
      }
      %jit3A_117 = arith.constant 3 : i32
      %eq3A_118 = arith.constant 0 : i32
      %eq3A_119 = arith.cmpi eq, %jit3A_117, %eq3A_118 : i32
      %jit3A_120 = arith.constant 1 : i32
      %select_n3A_121 = arith.select %eq3A_119, %jit3A_120, %jit3A_117 : i32
      %rem3A_122 = arith.remsi %scan3A_103, %select_n3A_121 : i32
      %ne3A_123 = arith.constant 0 : i32
      %ne3A_124 = arith.cmpi ne, %rem3A_122, %ne3A_123 : i32
      %lt3A_125 = arith.constant 0 : i32
      %lt3A_126 = arith.cmpi slt, %rem3A_122, %lt3A_125 : i32
      %lt3A_127 = arith.constant 0 : i32
      %lt3A_128 = arith.cmpi slt, %select_n3A_121, %lt3A_127 : i32
      %ne3A_129 = arith.xori %lt3A_126, %lt3A_128 : i1
      %and3A_130 = arith.andi %ne3A_129, %ne3A_124 : i1
      %add3A_131 = arith.addi %rem3A_122, %select_n3A_121 : i32
      %select_n3A_132 = arith.select %and3A_130, %add3A_131, %rem3A_122 : i32
      %eq3A_133 = arith.constant 1 : i32
      %eq3A_134 = arith.cmpi eq, %select_n3A_132, %eq3A_133 : i32
      %convert_element_type3A_135 = arith.extui %eq3A_134 : i1 to i32
      %cond3A_136 = arith.constant 0 : i32
      %cond3A_137 = arith.cmpi ne, %convert_element_type3A_135, %cond3A_136 : i32
      scf.if %cond3A_137 {
        %dma_wait3A_160 = arith.constant 0 : i32
        %dma_wait3A_161 = arith.constant 0 : i32
        %dma_wait3A_162 = tpu.memref_slice %arg4[%dma_wait3A_160, %dma_wait3A_161] : memref<25600x128xf32, #tpu.memory_space<hbm>> -> memref<80x128xf32, #tpu.memory_space<hbm>>
        %dma_wait3A_163 = arith.constant 0 : i32
        %dma_wait3A_164 = arith.constant 0 : i32
        %dma_wait3A_165 = tpu.memref_slice %arg4[%dma_wait3A_163, %dma_wait3A_164] : memref<25600x128xf32, #tpu.memory_space<hbm>> -> memref<80x128xf32, #tpu.memory_space<hbm>>
        tpu.wait_dma2 semaphore(%arg16 : memref<!tpu.dma_semaphore, #tpu.memory_space<semaphore_mem>>) src(%dma_wait3A_165 : memref<80x128xf32, #tpu.memory_space<hbm>>) dst(%arg7 : memref<80x128xf32, #tpu.memory_space<vmem>>)
        %dma_start3A_166 = arith.constant 0 : i32
        %dma_start3A_167 = tpu.memref_slice %arg12[%scan3A_103, %dma_start3A_166] : memref<125x80xi32, #tpu.memory_space<vmem>> -> memref<1x80xi32, #tpu.memory_space<vmem>>
        %dma_start3A_168 = tpu.memref_squeeze %dma_start3A_167 : memref<1x80xi32, #tpu.memory_space<vmem>> -> memref<80xi32, #tpu.memory_space<vmem>>
        %dma_start3A_169 = arith.constant 0 : i32
        %dma_start3A_170 = arith.constant 0 : i32
        %dma_start3A_171 = tpu.memref_slice %arg14[%dma_start3A_169, %dma_start3A_170] : memref<10112x128xf32, #tpu.memory_space<vmem_shared>> -> memref<10112x128xf32, #tpu.memory_space<vmem_shared>>
        tpu.enqueue_indirect_dma source(%arg7 : memref<80x128xf32, #tpu.memory_space<vmem>>) target(%dma_start3A_171 : memref<10112x128xf32, #tpu.memory_space<vmem_shared>>) offsets(%dma_start3A_168 : memref<80xi32, #tpu.memory_space<vmem>>) semaphore(%arg19 : memref<!tpu.dma_semaphore, #tpu.memory_space<semaphore_mem>>) {add = true}
        %add3A_172 = arith.constant 3 : i32
        %add3A_173 = arith.addi %scan3A_103, %add3A_172 : i32
        %lt3A_174 = arith.constant 125 : i32
        %lt3A_175 = arith.cmpi slt, %add3A_173, %lt3A_174 : i32
        %convert_element_type3A_176 = arith.extui %lt3A_175 : i1 to i32
        %cond3A_177 = arith.constant 0 : i32
        %cond3A_178 = arith.cmpi ne, %convert_element_type3A_176, %cond3A_177 : i32
        scf.if %cond3A_178 {
          %add3A_186 = arith.constant 3 : i32
          %add3A_187 = arith.addi %scan3A_103, %add3A_186 : i32
          %mul3A_188 = arith.constant 80 : i32
          %mul3A_189 = arith.muli %add3A_187, %mul3A_188 : i32
          %add3A_190 = arith.addi %mul3A_4, %mul3A_189 : i32
          %dma_start3A_191 = tpu.memref_slice %arg2[%add3A_190] : memref<160000xi32, #tpu.memory_space<hbm>> -> memref<80xi32, #tpu.memory_space<hbm>>
          %dma_start3A_192 = tpu.memref_slice %arg2[%add3A_190] : memref<160000xi32, #tpu.memory_space<hbm>> -> memref<80xi32, #tpu.memory_space<hbm>>
          tpu.enqueue_dma source(%dma_start3A_192 : memref<80xi32, #tpu.memory_space<hbm>>) target(%arg10 : memref<80xi32, #tpu.memory_space<vmem>>) target_semaphore(%arg22 : memref<!tpu.dma_semaphore, #tpu.memory_space<semaphore_mem>>)
        } else {
        }
        %add3A_179 = arith.constant 2 : i32
        %add3A_180 = arith.addi %scan3A_103, %add3A_179 : i32
        %lt3A_181 = arith.constant 125 : i32
        %lt3A_182 = arith.cmpi slt, %add3A_180, %lt3A_181 : i32
        %convert_element_type3A_183 = arith.extui %lt3A_182 : i1 to i32
        %cond3A_184 = arith.constant 0 : i32
        %cond3A_185 = arith.cmpi ne, %convert_element_type3A_183, %cond3A_184 : i32
        scf.if %cond3A_185 {
          %dma_wait3A_186 = arith.constant 0 : i32
          %dma_wait3A_187 = tpu.memref_slice %arg2[%dma_wait3A_186] : memref<160000xi32, #tpu.memory_space<hbm>> -> memref<80xi32, #tpu.memory_space<hbm>>
          %dma_wait3A_188 = arith.constant 0 : i32
          %dma_wait3A_189 = tpu.memref_slice %arg2[%dma_wait3A_188] : memref<160000xi32, #tpu.memory_space<hbm>> -> memref<80xi32, #tpu.memory_space<hbm>>
          tpu.wait_dma2 semaphore(%arg21 : memref<!tpu.dma_semaphore, #tpu.memory_space<semaphore_mem>>) src(%dma_wait3A_189 : memref<80xi32, #tpu.memory_space<hbm>>) dst(%arg9 : memref<80xi32, #tpu.memory_space<vmem>>)
          %scan3A_190 = arith.constant 0 : i32
          %scan3A_191 = arith.constant 0 : i32
          %scan3A_192 = arith.constant 5 : i32
          %scan3A_193 = arith.addi %scan3A_191, %scan3A_192 : i32
          %scan3A_194 = arith.constant 1 : i32
          %scan3A_195 = scf.for %scan3A_204 = %scan3A_191 to %scan3A_193 step %scan3A_194 iter_args(%scan3A_205 = %scan3A_190) -> (i32)  : i32 {
            %mul3A_206 = arith.constant 16 : i32
            %mul3A_207 = arith.muli %scan3A_204, %mul3A_206 : i32
            %get3A = arith.index_cast %mul3A_207 : i32 to index
            %get3A_208 = tpu.vector_load %arg9[%get3A] {strides = array<i32>} : memref<80xi32, #tpu.memory_space<vmem>>, vector<16xi32>,
            %get3A_209 = vector.shape_cast %get3A_208 : vector<16xi32> to vector<16xi32>
            %add3A_210 = vector.broadcast %mul3A_0 : i32 to vector<16xi32>
            %add3A_211 = arith.addi %get3A_209, %add3A_210 : vector<16xi32>
            %mul3A_212 = arith.constant 16 : i32
            %mul3A_213 = arith.muli %scan3A_204, %mul3A_212 : i32
            %swap3A = arith.index_cast %mul3A_213 : i32 to index
            %swap3A_214 = tpu.vector_load %arg9[%swap3A] {strides = array<i32>} : memref<80xi32, #tpu.memory_space<vmem>>, vector<16xi32>,
            %swap3A_215 = vector.shape_cast %swap3A_214 : vector<16xi32> to vector<16xi32>
            %swap3A_216 = vector.shape_cast %add3A_211 : vector<16xi32> to vector<16xi32>
            tpu.vector_store %arg9[%swap3A], %swap3A_216 {strides = array<i32>} : memref<80xi32, #tpu.memory_space<vmem>>, vector<16xi32>,
            %scan3A_217 = arith.constant 0 : i32
            scf.yield %scan3A_217 : i32
          }
          %scan3A_196 = arith.constant 5 : i32
          %ge3A = arith.constant 1 : i32
          %ge3A_197 = arith.cmpi sge, %scan3A_103, %ge3A : i32
          %convert_element_type3A_198 = arith.extui %ge3A_197 : i1 to i32
          %cond3A_199 = arith.constant 0 : i32
          %cond3A_200 = arith.cmpi ne, %convert_element_type3A_198, %cond3A_199 : i32
          scf.if %cond3A_200 {
            %dma_wait3A_204 = arith.constant 0 : i32
            %dma_wait3A_205 = arith.constant 0 : i32
            %dma_wait3A_206 = tpu.memref_slice %arg4[%dma_wait3A_204, %dma_wait3A_205] : memref<25600x128xf32, #tpu.memory_space<hbm>> -> memref<80x128xf32, #tpu.memory_space<hbm>>
            %dma_wait3A_207 = arith.constant 0 : i32
            %dma_wait3A_208 = arith.constant 0 : i32
            %dma_wait3A_209 = tpu.memref_slice %arg4[%dma_wait3A_207, %dma_wait3A_208] : memref<25600x128xf32, #tpu.memory_space<hbm>> -> memref<80x128xf32, #tpu.memory_space<hbm>>
            tpu.wait_dma2 semaphore(%arg18 : memref<!tpu.dma_semaphore, #tpu.memory_space<semaphore_mem>>) src(%dma_wait3A_209 : memref<80x128xf32, #tpu.memory_space<hbm>>) dst(%arg6 : memref<80x128xf32, #tpu.memory_space<vmem>>)
          } else {
          }
          %dma_start3A_201 = arith.constant 0 : i32
          %dma_start3A_202 = arith.constant 0 : i32
          %dma_start3A_203 = tpu.memref_slice %arg4[%dma_start3A_201, %dma_start3A_202] : memref<25600x128xf32, #tpu.memory_space<hbm>> -> memref<25600x128xf32, #tpu.memory_space<hbm>>
          tpu.enqueue_indirect_dma source(%dma_start3A_203 : memref<25600x128xf32, #tpu.memory_space<hbm>>) target(%arg6 : memref<80x128xf32, #tpu.memory_space<vmem>>) offsets(%arg9 : memref<80xi32, #tpu.memory_space<vmem>>) semaphore(%arg15 : memref<!tpu.dma_semaphore, #tpu.memory_space<semaphore_mem>>)
        } else {
        }
      } else {
      }
      %jit3A_138 = arith.constant 3 : i32
      %eq3A_139 = arith.constant 0 : i32
      %eq3A_140 = arith.cmpi eq, %jit3A_138, %eq3A_139 : i32
      %jit3A_141 = arith.constant 1 : i32
      %select_n3A_142 = arith.select %eq3A_140, %jit3A_141, %jit3A_138 : i32
      %rem3A_143 = arith.remsi %scan3A_103, %select_n3A_142 : i32
      %ne3A_144 = arith.constant 0 : i32
      %ne3A_145 = arith.cmpi ne, %rem3A_143, %ne3A_144 : i32
      %lt3A_146 = arith.constant 0 : i32
      %lt3A_147 = arith.cmpi slt, %rem3A_143, %lt3A_146 : i32
      %lt3A_148 = arith.constant 0 : i32
      %lt3A_149 = arith.cmpi slt, %select_n3A_142, %lt3A_148 : i32
      %ne3A_150 = arith.xori %lt3A_147, %lt3A_149 : i1
      %and3A_151 = arith.andi %ne3A_150, %ne3A_145 : i1
      %add3A_152 = arith.addi %rem3A_143, %select_n3A_142 : i32
      %select_n3A_153 = arith.select %and3A_151, %add3A_152, %rem3A_143 : i32
      %eq3A_154 = arith.constant 2 : i32
      %eq3A_155 = arith.cmpi eq, %select_n3A_153, %eq3A_154 : i32
      %convert_element_type3A_156 = arith.extui %eq3A_155 : i1 to i32
      %cond3A_157 = arith.constant 0 : i32
      %cond3A_158 = arith.cmpi ne, %convert_element_type3A_156, %cond3A_157 : i32
      scf.if %cond3A_158 {
        %dma_wait3A_160 = arith.constant 0 : i32
        %dma_wait3A_161 = arith.constant 0 : i32
        %dma_wait3A_162 = tpu.memref_slice %arg4[%dma_wait3A_160, %dma_wait3A_161] : memref<25600x128xf32, #tpu.memory_space<hbm>> -> memref<80x128xf32, #tpu.memory_space<hbm>>
        %dma_wait3A_163 = arith.constant 0 : i32
        %dma_wait3A_164 = arith.constant 0 : i32
        %dma_wait3A_165 = tpu.memref_slice %arg4[%dma_wait3A_163, %dma_wait3A_164] : memref<25600x128xf32, #tpu.memory_space<hbm>> -> memref<80x128xf32, #tpu.memory_space<hbm>>
        tpu.wait_dma2 semaphore(%arg17 : memref<!tpu.dma_semaphore, #tpu.memory_space<semaphore_mem>>) src(%dma_wait3A_165 : memref<80x128xf32, #tpu.memory_space<hbm>>) dst(%arg8 : memref<80x128xf32, #tpu.memory_space<vmem>>)
        %dma_start3A_166 = arith.constant 0 : i32
        %dma_start3A_167 = tpu.memref_slice %arg12[%scan3A_103, %dma_start3A_166] : memref<125x80xi32, #tpu.memory_space<vmem>> -> memref<1x80xi32, #tpu.memory_space<vmem>>
        %dma_start3A_168 = tpu.memref_squeeze %dma_start3A_167 : memref<1x80xi32, #tpu.memory_space<vmem>> -> memref<80xi32, #tpu.memory_space<vmem>>
        %dma_start3A_169 = arith.constant 0 : i32
        %dma_start3A_170 = arith.constant 0 : i32
        %dma_start3A_171 = tpu.memref_slice %arg14[%dma_start3A_169, %dma_start3A_170] : memref<10112x128xf32, #tpu.memory_space<vmem_shared>> -> memref<10112x128xf32, #tpu.memory_space<vmem_shared>>
        tpu.enqueue_indirect_dma source(%arg8 : memref<80x128xf32, #tpu.memory_space<vmem>>) target(%dma_start3A_171 : memref<10112x128xf32, #tpu.memory_space<vmem_shared>>) offsets(%dma_start3A_168 : memref<80xi32, #tpu.memory_space<vmem>>) semaphore(%arg20 : memref<!tpu.dma_semaphore, #tpu.memory_space<semaphore_mem>>) {add = true}
        %add3A_172 = arith.constant 3 : i32
        %add3A_173 = arith.addi %scan3A_103, %add3A_172 : i32
        %lt3A_174 = arith.constant 125 : i32
        %lt3A_175 = arith.cmpi slt, %add3A_173, %lt3A_174 : i32
        %convert_element_type3A_176 = arith.extui %lt3A_175 : i1 to i32
        %cond3A_177 = arith.constant 0 : i32
        %cond3A_178 = arith.cmpi ne, %convert_element_type3A_176, %cond3A_177 : i32
        scf.if %cond3A_178 {
          %add3A_186 = arith.constant 3 : i32
          %add3A_187 = arith.addi %scan3A_103, %add3A_186 : i32
          %mul3A_188 = arith.constant 80 : i32
          %mul3A_189 = arith.muli %add3A_187, %mul3A_188 : i32
          %add3A_190 = arith.addi %mul3A_4, %mul3A_189 : i32
          %dma_start3A_191 = tpu.memref_slice %arg2[%add3A_190] : memref<160000xi32, #tpu.memory_space<hbm>> -> memref<80xi32, #tpu.memory_space<hbm>>
          %dma_start3A_192 = tpu.memref_slice %arg2[%add3A_190] : memref<160000xi32, #tpu.memory_space<hbm>> -> memref<80xi32, #tpu.memory_space<hbm>>
          tpu.enqueue_dma source(%dma_start3A_192 : memref<80xi32, #tpu.memory_space<hbm>>) target(%arg11 : memref<80xi32, #tpu.memory_space<vmem>>) target_semaphore(%arg23 : memref<!tpu.dma_semaphore, #tpu.memory_space<semaphore_mem>>)
        } else {
        }
        %add3A_179 = arith.constant 2 : i32
        %add3A_180 = arith.addi %scan3A_103, %add3A_179 : i32
        %lt3A_181 = arith.constant 125 : i32
        %lt3A_182 = arith.cmpi slt, %add3A_180, %lt3A_181 : i32
        %convert_element_type3A_183 = arith.extui %lt3A_182 : i1 to i32
        %cond3A_184 = arith.constant 0 : i32
        %cond3A_185 = arith.cmpi ne, %convert_element_type3A_183, %cond3A_184 : i32
        scf.if %cond3A_185 {
          %dma_wait3A_186 = arith.constant 0 : i32
          %dma_wait3A_187 = tpu.memref_slice %arg2[%dma_wait3A_186] : memref<160000xi32, #tpu.memory_space<hbm>> -> memref<80xi32, #tpu.memory_space<hbm>>
          %dma_wait3A_188 = arith.constant 0 : i32
          %dma_wait3A_189 = tpu.memref_slice %arg2[%dma_wait3A_188] : memref<160000xi32, #tpu.memory_space<hbm>> -> memref<80xi32, #tpu.memory_space<hbm>>
          tpu.wait_dma2 semaphore(%arg22 : memref<!tpu.dma_semaphore, #tpu.memory_space<semaphore_mem>>) src(%dma_wait3A_189 : memref<80xi32, #tpu.memory_space<hbm>>) dst(%arg10 : memref<80xi32, #tpu.memory_space<vmem>>)
          %scan3A_190 = arith.constant 0 : i32
          %scan3A_191 = arith.constant 0 : i32
          %scan3A_192 = arith.constant 5 : i32
          %scan3A_193 = arith.addi %scan3A_191, %scan3A_192 : i32
          %scan3A_194 = arith.constant 1 : i32
          %scan3A_195 = scf.for %scan3A_204 = %scan3A_191 to %scan3A_193 step %scan3A_194 iter_args(%scan3A_205 = %scan3A_190) -> (i32)  : i32 {
            %mul3A_206 = arith.constant 16 : i32
            %mul3A_207 = arith.muli %scan3A_204, %mul3A_206 : i32
            %get3A = arith.index_cast %mul3A_207 : i32 to index
            %get3A_208 = tpu.vector_load %arg10[%get3A] {strides = array<i32>} : memref<80xi32, #tpu.memory_space<vmem>>, vector<16xi32>,
            %get3A_209 = vector.shape_cast %get3A_208 : vector<16xi32> to vector<16xi32>
            %add3A_210 = vector.broadcast %mul3A_0 : i32 to vector<16xi32>
            %add3A_211 = arith.addi %get3A_209, %add3A_210 : vector<16xi32>
            %mul3A_212 = arith.constant 16 : i32
            %mul3A_213 = arith.muli %scan3A_204, %mul3A_212 : i32
            %swap3A = arith.index_cast %mul3A_213 : i32 to index
            %swap3A_214 = tpu.vector_load %arg10[%swap3A] {strides = array<i32>} : memref<80xi32, #tpu.memory_space<vmem>>, vector<16xi32>,
            %swap3A_215 = vector.shape_cast %swap3A_214 : vector<16xi32> to vector<16xi32>
            %swap3A_216 = vector.shape_cast %add3A_211 : vector<16xi32> to vector<16xi32>
            tpu.vector_store %arg10[%swap3A], %swap3A_216 {strides = array<i32>} : memref<80xi32, #tpu.memory_space<vmem>>, vector<16xi32>,
            %scan3A_217 = arith.constant 0 : i32
            scf.yield %scan3A_217 : i32
          }
          %scan3A_196 = arith.constant 5 : i32
          %ge3A = arith.constant 1 : i32
          %ge3A_197 = arith.cmpi sge, %scan3A_103, %ge3A : i32
          %convert_element_type3A_198 = arith.extui %ge3A_197 : i1 to i32
          %cond3A_199 = arith.constant 0 : i32
          %cond3A_200 = arith.cmpi ne, %convert_element_type3A_198, %cond3A_199 : i32
          scf.if %cond3A_200 {
            %dma_wait3A_204 = arith.constant 0 : i32
            %dma_wait3A_205 = arith.constant 0 : i32
            %dma_wait3A_206 = tpu.memref_slice %arg4[%dma_wait3A_204, %dma_wait3A_205] : memref<25600x128xf32, #tpu.memory_space<hbm>> -> memref<80x128xf32, #tpu.memory_space<hbm>>
            %dma_wait3A_207 = arith.constant 0 : i32
            %dma_wait3A_208 = arith.constant 0 : i32
            %dma_wait3A_209 = tpu.memref_slice %arg4[%dma_wait3A_207, %dma_wait3A_208] : memref<25600x128xf32, #tpu.memory_space<hbm>> -> memref<80x128xf32, #tpu.memory_space<hbm>>
            tpu.wait_dma2 semaphore(%arg19 : memref<!tpu.dma_semaphore, #tpu.memory_space<semaphore_mem>>) src(%dma_wait3A_209 : memref<80x128xf32, #tpu.memory_space<hbm>>) dst(%arg7 : memref<80x128xf32, #tpu.memory_space<vmem>>)
          } else {
          }
          %dma_start3A_201 = arith.constant 0 : i32
          %dma_start3A_202 = arith.constant 0 : i32
          %dma_start3A_203 = tpu.memref_slice %arg4[%dma_start3A_201, %dma_start3A_202] : memref<25600x128xf32, #tpu.memory_space<hbm>> -> memref<25600x128xf32, #tpu.memory_space<hbm>>
          tpu.enqueue_indirect_dma source(%dma_start3A_203 : memref<25600x128xf32, #tpu.memory_space<hbm>>) target(%arg7 : memref<80x128xf32, #tpu.memory_space<vmem>>) offsets(%arg10 : memref<80xi32, #tpu.memory_space<vmem>>) semaphore(%arg16 : memref<!tpu.dma_semaphore, #tpu.memory_space<semaphore_mem>>)
        } else {
        }
      } else {
      }
      %scan3A_159 = arith.constant 0 : i32
      scf.yield %scan3A_159 : i32
    }
    %scan3A_78 = arith.constant 125 : i32
    %dma_wait3A_79 = arith.constant 0 : i32
    %dma_wait3A_80 = arith.constant 0 : i32
    %dma_wait3A_81 = tpu.memref_slice %arg4[%dma_wait3A_79, %dma_wait3A_80] : memref<25600x128xf32, #tpu.memory_space<hbm>> -> memref<80x128xf32, #tpu.memory_space<hbm>>
    %dma_wait3A_82 = arith.constant 0 : i32
    %dma_wait3A_83 = arith.constant 0 : i32
    %dma_wait3A_84 = tpu.memref_slice %arg4[%dma_wait3A_82, %dma_wait3A_83] : memref<25600x128xf32, #tpu.memory_space<hbm>> -> memref<80x128xf32, #tpu.memory_space<hbm>>
    tpu.wait_dma2 semaphore(%arg18 : memref<!tpu.dma_semaphore, #tpu.memory_space<semaphore_mem>>) src(%dma_wait3A_84 : memref<80x128xf32, #tpu.memory_space<hbm>>) dst(%arg6 : memref<80x128xf32, #tpu.memory_space<vmem>>)
    %dma_wait3A_85 = arith.constant 0 : i32
    %dma_wait3A_86 = arith.constant 0 : i32
    %dma_wait3A_87 = tpu.memref_slice %arg4[%dma_wait3A_85, %dma_wait3A_86] : memref<25600x128xf32, #tpu.memory_space<hbm>> -> memref<80x128xf32, #tpu.memory_space<hbm>>
    %dma_wait3A_88 = arith.constant 0 : i32
    %dma_wait3A_89 = arith.constant 0 : i32
    %dma_wait3A_90 = tpu.memref_slice %arg4[%dma_wait3A_88, %dma_wait3A_89] : memref<25600x128xf32, #tpu.memory_space<hbm>> -> memref<80x128xf32, #tpu.memory_space<hbm>>
    tpu.wait_dma2 semaphore(%arg19 : memref<!tpu.dma_semaphore, #tpu.memory_space<semaphore_mem>>) src(%dma_wait3A_90 : memref<80x128xf32, #tpu.memory_space<hbm>>) dst(%arg7 : memref<80x128xf32, #tpu.memory_space<vmem>>)
    %dma_wait3A_91 = arith.constant 0 : i32
    %dma_wait3A_92 = arith.constant 0 : i32
    %dma_wait3A_93 = tpu.memref_slice %arg4[%dma_wait3A_91, %dma_wait3A_92] : memref<25600x128xf32, #tpu.memory_space<hbm>> -> memref<80x128xf32, #tpu.memory_space<hbm>>
    %dma_wait3A_94 = arith.constant 0 : i32
    %dma_wait3A_95 = arith.constant 0 : i32
    %dma_wait3A_96 = tpu.memref_slice %arg4[%dma_wait3A_94, %dma_wait3A_95] : memref<25600x128xf32, #tpu.memory_space<hbm>> -> memref<80x128xf32, #tpu.memory_space<hbm>>
    tpu.wait_dma2 semaphore(%arg20 : memref<!tpu.dma_semaphore, #tpu.memory_space<semaphore_mem>>) src(%dma_wait3A_96 : memref<80x128xf32, #tpu.memory_space<hbm>>) dst(%arg8 : memref<80x128xf32, #tpu.memory_space<vmem>>)
    %barrier3A_97 = arith.constant 0 : index
    tpu.barrier barrier_id(%barrier3A_97)
    %mul3A_98 = arith.constant 632 : i32
    %mul3A_99 = arith.muli %arg1, %mul3A_98 : i32
    %mul3A_100 = arith.constant 632 : i32
    %mul3A_101 = arith.muli %arg1, %mul3A_100 : i32
    %add3A_102 = arith.addi %mul3A_0, %mul3A_101 : i32
    "tpu.region"() ({
      %run_scoped3A = tpu.sem_alloc : memref<!tpu.dma_semaphore, #tpu.memory_space<semaphore_mem>>
      %dma_start3A_103 = arith.constant 0 : i32
      %dma_start3A_104 = tpu.memref_slice %arg5[%add3A_102, %dma_start3A_103] : memref<25600x128xf32, #tpu.memory_space<hbm>> -> memref<632x128xf32, #tpu.memory_space<hbm>>
      %dma_start3A_105 = arith.constant 0 : i32
      %dma_start3A_106 = tpu.memref_slice %arg14[%mul3A_99, %dma_start3A_105] : memref<10112x128xf32, #tpu.memory_space<vmem_shared>> -> memref<632x128xf32, #tpu.memory_space<vmem_shared>>
      tpu.enqueue_dma source(%dma_start3A_106 : memref<632x128xf32, #tpu.memory_space<vmem_shared>>) target(%dma_start3A_104 : memref<632x128xf32, #tpu.memory_space<hbm>>) target_semaphore(%run_scoped3A : memref<!tpu.dma_semaphore, #tpu.memory_space<semaphore_mem>>)
      %dma_wait3A_107 = arith.constant 0 : i32
      %dma_wait3A_108 = tpu.memref_slice %arg5[%add3A_102, %dma_wait3A_107] : memref<25600x128xf32, #tpu.memory_space<hbm>> -> memref<632x128xf32, #tpu.memory_space<hbm>>
      %dma_wait3A_109 = arith.constant 0 : i32
      %dma_wait3A_110 = tpu.memref_slice %arg14[%mul3A_99, %dma_wait3A_109] : memref<10112x128xf32, #tpu.memory_space<vmem_shared>> -> memref<632x128xf32, #tpu.memory_space<vmem_shared>>
      tpu.wait_dma2 semaphore(%run_scoped3A : memref<!tpu.dma_semaphore, #tpu.memory_space<semaphore_mem>>) src(%dma_wait3A_110 : memref<632x128xf32, #tpu.memory_space<vmem_shared>>) dst(%dma_wait3A_108 : memref<632x128xf32, #tpu.memory_space<hbm>>)
      tpu.yield
    }) : () -> ()
    return
  }
}

module attributes {stable_mosaic.version = 14 : i64} {
  func.func @_k1_body(%arg0: i32, %arg1: memref<400x256xf32, #tpu.memory_space<vmem>>, %arg2: memref<256x256xf32, #tpu.memory_space<vmem>>, %arg3: memref<2x1x128xf32, #tpu.memory_space<vmem>>, %arg4: memref<2x400x16xf32, #tpu.memory_space<vmem>>, %arg5: memref<2x400x128xf32, #tpu.memory_space<vmem>>) attributes {dimension_semantics = [#tpu.dimension_semantics<arbitrary>], iteration_bounds = array<i64: 25>, scalar_prefetch = 0 : i64, scratch_operands = 0 : i64, tpu.core_type = #tpu.core_type<tc>, window_params = [{transform_indices = @transform_0, window_bounds = array<i64: 400, 256>}, {pipeline_mode = #tpu.pipeline_mode<synchronous>, transform_indices = @transform_1, window_bounds = array<i64: 256, 256>}, {pipeline_mode = #tpu.pipeline_mode<synchronous>, transform_indices = @transform_2, window_bounds = array<i64: 2, 1, 128>}, {transform_indices = @transform_3, window_bounds = array<i64: 2, 400, 16>}, {transform_indices = @transform_4, window_bounds = array<i64: 2, 400, 128>}]} {
    %get3A = arith.constant 0 : index
    %get3A_0 = arith.constant 0 : index
    %get3A_1 = vector.load %arg1[%get3A, %get3A_0] : memref<400x256xf32, #tpu.memory_space<vmem>>, vector<400x256xf32>
    %get3A_2 = arith.constant 0 : index
    %get3A_3 = arith.constant 0 : index
    %get3A_4 = vector.load %arg2[%get3A_2, %get3A_3] : memref<256x256xf32, #tpu.memory_space<vmem>>, vector<256x256xf32>
    %dot_general3A = arith.constant dense<0.000000e+00> : vector<400x256xf32>
    %dot_general3A_5 = tpu.matmul %get3A_1, %get3A_4, %dot_general3A {dimension_numbers = #tpu.dot_dimension_numbers<[1], [1], [0], [0], [0, 0, 1, 0], [], []>, transpose_lhs_hint = false} : vector<400x256xf32>, vector<256x256xf32>, vector<400x256xf32> -> vector<400x256xf32>
    %get3A_6 = arith.constant 0 : index
    %get3A_7 = arith.constant 0 : index
    %get3A_8 = arith.constant 0 : index
    %get3A_9 = vector.load %arg4[%get3A_6, %get3A_7, %get3A_8] : memref<2x400x16xf32, #tpu.memory_space<vmem>>, vector<1x400x1xf32>
    %get3A_10 = vector.shape_cast %get3A_9 : vector<1x400x1xf32> to vector<400x1xf32>
    %get3A_11 = arith.constant 1 : index
    %get3A_12 = arith.constant 0 : index
    %get3A_13 = arith.constant 0 : index
    %get3A_14 = vector.load %arg4[%get3A_11, %get3A_12, %get3A_13] : memref<2x400x16xf32, #tpu.memory_space<vmem>>, vector<1x400x1xf32>
    %get3A_15 = vector.shape_cast %get3A_14 : vector<1x400x1xf32> to vector<400x1xf32>
    %add3A = arith.addf %get3A_10, %get3A_15 : vector<400x1xf32>
    %add3A_16 = arith.constant 1.000000e+00 : f32
    %add3A_17 = vector.broadcast %add3A_16 : f32 to vector<400x1xf32>
    %add3A_18 = arith.addf %add3A, %add3A_17 : vector<400x1xf32>
    %rsqrt3A = math.rsqrt %add3A_18 : vector<400x1xf32>
    %slice3A = vector.extract_strided_slice %dot_general3A_5 {offsets = [0, 0], sizes = [400, 128], strides = [1, 1]} : vector<400x256xf32> to vector<400x128xf32>
    %get3A_19 = arith.constant 0 : index
    %get3A_20 = arith.constant 0 : index
    %get3A_21 = arith.constant 0 : index
    %get3A_22 = vector.load %arg3[%get3A_19, %get3A_20, %get3A_21] : memref<2x1x128xf32, #tpu.memory_space<vmem>>, vector<1x1x128xf32>
    %get3A_23 = vector.shape_cast %get3A_22 : vector<1x1x128xf32> to vector<1x128xf32>
    %add3A_24 = vector.broadcast %get3A_23 : vector<1x128xf32> to vector<400x128xf32>
    %add3A_25 = arith.addf %slice3A, %add3A_24 : vector<400x128xf32>
    %mul3A = vector.broadcast %rsqrt3A : vector<400x1xf32> to vector<400x128xf32>
    %mul3A_26 = arith.mulf %mul3A, %add3A_25 : vector<400x128xf32>
    %swap3A = arith.constant 0 : index
    %swap3A_27 = arith.constant 0 : index
    %swap3A_28 = arith.constant 0 : index
    %swap3A_29 = vector.load %arg5[%swap3A, %swap3A_27, %swap3A_28] : memref<2x400x128xf32, #tpu.memory_space<vmem>>, vector<1x400x128xf32>
    %swap3A_30 = vector.shape_cast %swap3A_29 : vector<1x400x128xf32> to vector<400x128xf32>
    %swap3A_31 = vector.shape_cast %mul3A_26 : vector<400x128xf32> to vector<1x400x128xf32>
    tpu.vector_store %arg5[%swap3A, %swap3A_27, %swap3A_28], %swap3A_31 {strides = array<i32>} : memref<2x400x128xf32, #tpu.memory_space<vmem>>, vector<1x400x128xf32>,
    %slice3A_32 = vector.extract_strided_slice %dot_general3A_5 {offsets = [0, 128], sizes = [400, 128], strides = [1, 1]} : vector<400x256xf32> to vector<400x128xf32>
    %get3A_33 = arith.constant 1 : index
    %get3A_34 = arith.constant 0 : index
    %get3A_35 = arith.constant 0 : index
    %get3A_36 = vector.load %arg3[%get3A_33, %get3A_34, %get3A_35] : memref<2x1x128xf32, #tpu.memory_space<vmem>>, vector<1x1x128xf32>
    %get3A_37 = vector.shape_cast %get3A_36 : vector<1x1x128xf32> to vector<1x128xf32>
    %add3A_38 = vector.broadcast %get3A_37 : vector<1x128xf32> to vector<400x128xf32>
    %add3A_39 = arith.addf %slice3A_32, %add3A_38 : vector<400x128xf32>
    %mul3A_40 = vector.broadcast %rsqrt3A : vector<400x1xf32> to vector<400x128xf32>
    %mul3A_41 = arith.mulf %mul3A_40, %add3A_39 : vector<400x128xf32>
    %swap3A_42 = arith.constant 1 : index
    %swap3A_43 = arith.constant 0 : index
    %swap3A_44 = arith.constant 0 : index
    %swap3A_45 = vector.load %arg5[%swap3A_42, %swap3A_43, %swap3A_44] : memref<2x400x128xf32, #tpu.memory_space<vmem>>, vector<1x400x128xf32>
    %swap3A_46 = vector.shape_cast %swap3A_45 : vector<1x400x128xf32> to vector<400x128xf32>
    %swap3A_47 = vector.shape_cast %mul3A_41 : vector<400x128xf32> to vector<1x400x128xf32>
    tpu.vector_store %arg5[%swap3A_42, %swap3A_43, %swap3A_44], %swap3A_47 {strides = array<i32>} : memref<2x400x128xf32, #tpu.memory_space<vmem>>, vector<1x400x128xf32>,
    return
  }
  func.func @transform_0(%arg0: i32) -> (i32, i32) {
    %c0_i32 = arith.constant 0 : i32
    %c0_i32_0 = arith.constant 0 : i32
    return %arg0, %c0_i32 : i32, i32
  }
  func.func @transform_1(%arg0: i32) -> (i32, i32) {
    %c0_i32 = arith.constant 0 : i32
    %c0_i32_0 = arith.constant 0 : i32
    %c0_i32_1 = arith.constant 0 : i32
    return %c0_i32, %c0_i32_0 : i32, i32
  }
  func.func @transform_2(%arg0: i32) -> (i32, i32, i32) {
    %c0_i32 = arith.constant 0 : i32
    %c0_i32_0 = arith.constant 0 : i32
    %c0_i32_1 = arith.constant 0 : i32
    %c0_i32_2 = arith.constant 0 : i32
    return %c0_i32, %c0_i32_0, %c0_i32_1 : i32, i32, i32
  }
  func.func @transform_3(%arg0: i32) -> (i32, i32, i32) {
    %c0_i32 = arith.constant 0 : i32
    %c0_i32_0 = arith.constant 0 : i32
    %c0_i32_1 = arith.constant 0 : i32
    return %c0_i32, %arg0, %c0_i32_0 : i32, i32, i32
  }
  func.func @transform_4(%arg0: i32) -> (i32, i32, i32) {
    %c0_i32 = arith.constant 0 : i32
    %c0_i32_0 = arith.constant 0 : i32
    %c0_i32_1 = arith.constant 0 : i32
    return %c0_i32, %arg0, %c0_i32_0 : i32, i32, i32
  }
}

module attributes {stable_mosaic.version = 14 : i64} {
  func.func @_k2_body(%arg0: i32, %arg1: memref<2x400x128xf32, #tpu.memory_space<vmem>>, %arg2: memref<2x400x128xf32, #tpu.memory_space<vmem>>, %arg3: memref<2x400x16xf32, #tpu.memory_space<vmem>>, %arg4: memref<256x256xf32, #tpu.memory_space<vmem>>, %arg5: memref<2x1x128xf32, #tpu.memory_space<vmem>>, %arg6: memref<2x400x128xf32, #tpu.memory_space<vmem>>) attributes {dimension_semantics = [#tpu.dimension_semantics<arbitrary>], iteration_bounds = array<i64: 25>, scalar_prefetch = 0 : i64, scratch_operands = 0 : i64, tpu.core_type = #tpu.core_type<tc>, window_params = [{transform_indices = @transform_0, window_bounds = array<i64: 2, 400, 128>}, {transform_indices = @transform_1, window_bounds = array<i64: 2, 400, 128>}, {transform_indices = @transform_2, window_bounds = array<i64: 2, 400, 16>}, {pipeline_mode = #tpu.pipeline_mode<synchronous>, transform_indices = @transform_3, window_bounds = array<i64: 256, 256>}, {pipeline_mode = #tpu.pipeline_mode<synchronous>, transform_indices = @transform_4, window_bounds = array<i64: 2, 1, 128>}, {transform_indices = @transform_5, window_bounds = array<i64: 2, 400, 128>}]} {
    %get3A = arith.constant 0 : index
    %get3A_0 = arith.constant 0 : index
    %get3A_1 = arith.constant 0 : index
    %get3A_2 = vector.load %arg3[%get3A, %get3A_0, %get3A_1] : memref<2x400x16xf32, #tpu.memory_space<vmem>>, vector<1x400x1xf32>
    %get3A_3 = vector.shape_cast %get3A_2 : vector<1x400x1xf32> to vector<400x1xf32>
    %get3A_4 = arith.constant 1 : index
    %get3A_5 = arith.constant 0 : index
    %get3A_6 = arith.constant 0 : index
    %get3A_7 = vector.load %arg3[%get3A_4, %get3A_5, %get3A_6] : memref<2x400x16xf32, #tpu.memory_space<vmem>>, vector<1x400x1xf32>
    %get3A_8 = vector.shape_cast %get3A_7 : vector<1x400x1xf32> to vector<400x1xf32>
    %add3A = arith.addf %get3A_3, %get3A_8 : vector<400x1xf32>
    %add3A_9 = arith.constant 1.000000e+00 : f32
    %add3A_10 = vector.broadcast %add3A_9 : f32 to vector<400x1xf32>
    %add3A_11 = arith.addf %add3A, %add3A_10 : vector<400x1xf32>
    %rsqrt3A = math.rsqrt %add3A_11 : vector<400x1xf32>
    %get3A_12 = arith.constant 0 : index
    %get3A_13 = arith.constant 0 : index
    %get3A_14 = arith.constant 0 : index
    %get3A_15 = vector.load %arg1[%get3A_12, %get3A_13, %get3A_14] : memref<2x400x128xf32, #tpu.memory_space<vmem>>, vector<1x400x128xf32>
    %get3A_16 = vector.shape_cast %get3A_15 : vector<1x400x128xf32> to vector<400x128xf32>
    %get3A_17 = arith.constant 0 : index
    %get3A_18 = arith.constant 0 : index
    %get3A_19 = arith.constant 0 : index
    %get3A_20 = vector.load %arg2[%get3A_17, %get3A_18, %get3A_19] : memref<2x400x128xf32, #tpu.memory_space<vmem>>, vector<1x400x128xf32>
    %get3A_21 = vector.shape_cast %get3A_20 : vector<1x400x128xf32> to vector<400x128xf32>
    %add3A_22 = arith.addf %get3A_16, %get3A_21 : vector<400x128xf32>
    %mul3A = vector.broadcast %rsqrt3A : vector<400x1xf32> to vector<400x128xf32>
    %mul3A_23 = arith.mulf %mul3A, %add3A_22 : vector<400x128xf32>
    %max3A = arith.constant 0.000000e+00 : f32
    %max3A_24 = vector.broadcast %max3A : f32 to vector<400x128xf32>
    %max3A_25 = arith.maximumf %mul3A_23, %max3A_24 : vector<400x128xf32>
    %get3A_26 = arith.constant 1 : index
    %get3A_27 = arith.constant 0 : index
    %get3A_28 = arith.constant 0 : index
    %get3A_29 = vector.load %arg1[%get3A_26, %get3A_27, %get3A_28] : memref<2x400x128xf32, #tpu.memory_space<vmem>>, vector<1x400x128xf32>
    %get3A_30 = vector.shape_cast %get3A_29 : vector<1x400x128xf32> to vector<400x128xf32>
    %get3A_31 = arith.constant 1 : index
    %get3A_32 = arith.constant 0 : index
    %get3A_33 = arith.constant 0 : index
    %get3A_34 = vector.load %arg2[%get3A_31, %get3A_32, %get3A_33] : memref<2x400x128xf32, #tpu.memory_space<vmem>>, vector<1x400x128xf32>
    %get3A_35 = vector.shape_cast %get3A_34 : vector<1x400x128xf32> to vector<400x128xf32>
    %add3A_36 = arith.addf %get3A_30, %get3A_35 : vector<400x128xf32>
    %mul3A_37 = vector.broadcast %rsqrt3A : vector<400x1xf32> to vector<400x128xf32>
    %mul3A_38 = arith.mulf %mul3A_37, %add3A_36 : vector<400x128xf32>
    %max3A_39 = arith.constant 0.000000e+00 : f32
    %max3A_40 = vector.broadcast %max3A_39 : f32 to vector<400x128xf32>
    %max3A_41 = arith.maximumf %mul3A_38, %max3A_40 : vector<400x128xf32>
    %concatenate3A = tpu.concatenate %max3A_25, %max3A_41 in 1 : vector<400x128xf32>, vector<400x128xf32> -> vector<400x256xf32>
    %get3A_42 = arith.constant 0 : index
    %get3A_43 = arith.constant 0 : index
    %get3A_44 = vector.load %arg4[%get3A_42, %get3A_43] : memref<256x256xf32, #tpu.memory_space<vmem>>, vector<256x256xf32>
    %dot_general3A = arith.constant dense<0.000000e+00> : vector<400x256xf32>
    %dot_general3A_45 = tpu.matmul %concatenate3A, %get3A_44, %dot_general3A {dimension_numbers = #tpu.dot_dimension_numbers<[1], [1], [0], [0], [0, 0, 1, 0], [], []>, transpose_lhs_hint = false} : vector<400x256xf32>, vector<256x256xf32>, vector<400x256xf32> -> vector<400x256xf32>
    %slice3A = vector.extract_strided_slice %dot_general3A_45 {offsets = [0, 0], sizes = [400, 128], strides = [1, 1]} : vector<400x256xf32> to vector<400x128xf32>
    %get3A_46 = arith.constant 0 : index
    %get3A_47 = arith.constant 0 : index
    %get3A_48 = arith.constant 0 : index
    %get3A_49 = vector.load %arg5[%get3A_46, %get3A_47, %get3A_48] : memref<2x1x128xf32, #tpu.memory_space<vmem>>, vector<1x1x128xf32>
    %get3A_50 = vector.shape_cast %get3A_49 : vector<1x1x128xf32> to vector<1x128xf32>
    %add3A_51 = vector.broadcast %get3A_50 : vector<1x128xf32> to vector<400x128xf32>
    %add3A_52 = arith.addf %slice3A, %add3A_51 : vector<400x128xf32>
    %mul3A_53 = vector.broadcast %rsqrt3A : vector<400x1xf32> to vector<400x128xf32>
    %mul3A_54 = arith.mulf %mul3A_53, %add3A_52 : vector<400x128xf32>
    %swap3A = arith.constant 0 : index
    %swap3A_55 = arith.constant 0 : index
    %swap3A_56 = arith.constant 0 : index
    %swap3A_57 = vector.load %arg6[%swap3A, %swap3A_55, %swap3A_56] : memref<2x400x128xf32, #tpu.memory_space<vmem>>, vector<1x400x128xf32>
    %swap3A_58 = vector.shape_cast %swap3A_57 : vector<1x400x128xf32> to vector<400x128xf32>
    %swap3A_59 = vector.shape_cast %mul3A_54 : vector<400x128xf32> to vector<1x400x128xf32>
    tpu.vector_store %arg6[%swap3A, %swap3A_55, %swap3A_56], %swap3A_59 {strides = array<i32>} : memref<2x400x128xf32, #tpu.memory_space<vmem>>, vector<1x400x128xf32>,
    %slice3A_60 = vector.extract_strided_slice %dot_general3A_45 {offsets = [0, 128], sizes = [400, 128], strides = [1, 1]} : vector<400x256xf32> to vector<400x128xf32>
    %get3A_61 = arith.constant 1 : index
    %get3A_62 = arith.constant 0 : index
    %get3A_63 = arith.constant 0 : index
    %get3A_64 = vector.load %arg5[%get3A_61, %get3A_62, %get3A_63] : memref<2x1x128xf32, #tpu.memory_space<vmem>>, vector<1x1x128xf32>
    %get3A_65 = vector.shape_cast %get3A_64 : vector<1x1x128xf32> to vector<1x128xf32>
    %add3A_66 = vector.broadcast %get3A_65 : vector<1x128xf32> to vector<400x128xf32>
    %add3A_67 = arith.addf %slice3A_60, %add3A_66 : vector<400x128xf32>
    %mul3A_68 = vector.broadcast %rsqrt3A : vector<400x1xf32> to vector<400x128xf32>
    %mul3A_69 = arith.mulf %mul3A_68, %add3A_67 : vector<400x128xf32>
    %swap3A_70 = arith.constant 1 : index
    %swap3A_71 = arith.constant 0 : index
    %swap3A_72 = arith.constant 0 : index
    %swap3A_73 = vector.load %arg6[%swap3A_70, %swap3A_71, %swap3A_72] : memref<2x400x128xf32, #tpu.memory_space<vmem>>, vector<1x400x128xf32>
    %swap3A_74 = vector.shape_cast %swap3A_73 : vector<1x400x128xf32> to vector<400x128xf32>
    %swap3A_75 = vector.shape_cast %mul3A_69 : vector<400x128xf32> to vector<1x400x128xf32>
    tpu.vector_store %arg6[%swap3A_70, %swap3A_71, %swap3A_72], %swap3A_75 {strides = array<i32>} : memref<2x400x128xf32, #tpu.memory_space<vmem>>, vector<1x400x128xf32>,
    return
  }
  func.func @transform_0(%arg0: i32) -> (i32, i32, i32) {
    %c0_i32 = arith.constant 0 : i32
    %c0_i32_0 = arith.constant 0 : i32
    %c0_i32_1 = arith.constant 0 : i32
    return %c0_i32, %arg0, %c0_i32_0 : i32, i32, i32
  }
  func.func @transform_1(%arg0: i32) -> (i32, i32, i32) {
    %c0_i32 = arith.constant 0 : i32
    %c0_i32_0 = arith.constant 0 : i32
    %c0_i32_1 = arith.constant 0 : i32
    return %c0_i32, %arg0, %c0_i32_0 : i32, i32, i32
  }
  func.func @transform_2(%arg0: i32) -> (i32, i32, i32) {
    %c0_i32 = arith.constant 0 : i32
    %c0_i32_0 = arith.constant 0 : i32
    %c0_i32_1 = arith.constant 0 : i32
    return %c0_i32, %arg0, %c0_i32_0 : i32, i32, i32
  }
  func.func @transform_3(%arg0: i32) -> (i32, i32) {
    %c0_i32 = arith.constant 0 : i32
    %c0_i32_0 = arith.constant 0 : i32
    %c0_i32_1 = arith.constant 0 : i32
    return %c0_i32, %c0_i32_0 : i32, i32
  }
  func.func @transform_4(%arg0: i32) -> (i32, i32, i32) {
    %c0_i32 = arith.constant 0 : i32
    %c0_i32_0 = arith.constant 0 : i32
    %c0_i32_1 = arith.constant 0 : i32
    %c0_i32_2 = arith.constant 0 : i32
    return %c0_i32, %c0_i32_0, %c0_i32_1 : i32, i32, i32
  }
  func.func @transform_5(%arg0: i32) -> (i32, i32, i32) {
    %c0_i32 = arith.constant 0 : i32
    %c0_i32_0 = arith.constant 0 : i32
    %c0_i32_1 = arith.constant 0 : i32
    return %c0_i32, %arg0, %c0_i32_0 : i32, i32, i32
  }
}

module attributes {stable_mosaic.version = 14 : i64} {
  func.func @_k3_body(%arg0: i32, %arg1: memref<2x400x128xf32, #tpu.memory_space<vmem>>, %arg2: memref<2x400x128xf32, #tpu.memory_space<vmem>>, %arg3: memref<2x400x16xf32, #tpu.memory_space<vmem>>, %arg4: memref<400x256xf32, #tpu.memory_space<vmem>>) attributes {dimension_semantics = [#tpu.dimension_semantics<arbitrary>], iteration_bounds = array<i64: 25>, scalar_prefetch = 0 : i64, scratch_operands = 0 : i64, tpu.core_type = #tpu.core_type<tc>, window_params = [{transform_indices = @transform_0, window_bounds = array<i64: 2, 400, 128>}, {transform_indices = @transform_1, window_bounds = array<i64: 2, 400, 128>}, {transform_indices = @transform_2, window_bounds = array<i64: 2, 400, 16>}, {transform_indices = @transform_3, window_bounds = array<i64: 400, 256>}]} {
    %get3A = arith.constant 0 : index
    %get3A_0 = arith.constant 0 : index
    %get3A_1 = arith.constant 0 : index
    %get3A_2 = vector.load %arg3[%get3A, %get3A_0, %get3A_1] : memref<2x400x16xf32, #tpu.memory_space<vmem>>, vector<1x400x1xf32>
    %get3A_3 = vector.shape_cast %get3A_2 : vector<1x400x1xf32> to vector<400x1xf32>
    %get3A_4 = arith.constant 1 : index
    %get3A_5 = arith.constant 0 : index
    %get3A_6 = arith.constant 0 : index
    %get3A_7 = vector.load %arg3[%get3A_4, %get3A_5, %get3A_6] : memref<2x400x16xf32, #tpu.memory_space<vmem>>, vector<1x400x1xf32>
    %get3A_8 = vector.shape_cast %get3A_7 : vector<1x400x1xf32> to vector<400x1xf32>
    %add3A = arith.addf %get3A_3, %get3A_8 : vector<400x1xf32>
    %add3A_9 = arith.constant 1.000000e+00 : f32
    %add3A_10 = vector.broadcast %add3A_9 : f32 to vector<400x1xf32>
    %add3A_11 = arith.addf %add3A, %add3A_10 : vector<400x1xf32>
    %rsqrt3A = math.rsqrt %add3A_11 : vector<400x1xf32>
    %get3A_12 = arith.constant 0 : index
    %get3A_13 = arith.constant 0 : index
    %get3A_14 = arith.constant 0 : index
    %get3A_15 = vector.load %arg1[%get3A_12, %get3A_13, %get3A_14] : memref<2x400x128xf32, #tpu.memory_space<vmem>>, vector<1x400x128xf32>
    %get3A_16 = vector.shape_cast %get3A_15 : vector<1x400x128xf32> to vector<400x128xf32>
    %get3A_17 = arith.constant 0 : index
    %get3A_18 = arith.constant 0 : index
    %get3A_19 = arith.constant 0 : index
    %get3A_20 = vector.load %arg2[%get3A_17, %get3A_18, %get3A_19] : memref<2x400x128xf32, #tpu.memory_space<vmem>>, vector<1x400x128xf32>
    %get3A_21 = vector.shape_cast %get3A_20 : vector<1x400x128xf32> to vector<400x128xf32>
    %add3A_22 = arith.addf %get3A_16, %get3A_21 : vector<400x128xf32>
    %get3A_23 = arith.constant 1 : index
    %get3A_24 = arith.constant 0 : index
    %get3A_25 = arith.constant 0 : index
    %get3A_26 = vector.load %arg1[%get3A_23, %get3A_24, %get3A_25] : memref<2x400x128xf32, #tpu.memory_space<vmem>>, vector<1x400x128xf32>
    %get3A_27 = vector.shape_cast %get3A_26 : vector<1x400x128xf32> to vector<400x128xf32>
    %get3A_28 = arith.constant 1 : index
    %get3A_29 = arith.constant 0 : index
    %get3A_30 = arith.constant 0 : index
    %get3A_31 = vector.load %arg2[%get3A_28, %get3A_29, %get3A_30] : memref<2x400x128xf32, #tpu.memory_space<vmem>>, vector<1x400x128xf32>
    %get3A_32 = vector.shape_cast %get3A_31 : vector<1x400x128xf32> to vector<400x128xf32>
    %add3A_33 = arith.addf %get3A_27, %get3A_32 : vector<400x128xf32>
    %concatenate3A = tpu.concatenate %add3A_22, %add3A_33 in 1 : vector<400x128xf32>, vector<400x128xf32> -> vector<400x256xf32>
    %mul3A = vector.broadcast %rsqrt3A : vector<400x1xf32> to vector<400x256xf32>
    %mul3A_34 = arith.mulf %mul3A, %concatenate3A : vector<400x256xf32>
    %swap3A = arith.constant 0 : index
    %swap3A_35 = arith.constant 0 : index
    %swap3A_36 = vector.load %arg4[%swap3A, %swap3A_35] : memref<400x256xf32, #tpu.memory_space<vmem>>, vector<400x256xf32>
    tpu.vector_store %arg4[%swap3A, %swap3A_35], %mul3A_34 {strides = array<i32>} : memref<400x256xf32, #tpu.memory_space<vmem>>, vector<400x256xf32>,
    return
  }
  func.func @transform_0(%arg0: i32) -> (i32, i32, i32) {
    %c0_i32 = arith.constant 0 : i32
    %c0_i32_0 = arith.constant 0 : i32
    %c0_i32_1 = arith.constant 0 : i32
    return %c0_i32, %arg0, %c0_i32_0 : i32, i32, i32
  }
  func.func @transform_1(%arg0: i32) -> (i32, i32, i32) {
    %c0_i32 = arith.constant 0 : i32
    %c0_i32_0 = arith.constant 0 : i32
    %c0_i32_1 = arith.constant 0 : i32
    return %c0_i32, %arg0, %c0_i32_0 : i32, i32, i32
  }
  func.func @transform_2(%arg0: i32) -> (i32, i32, i32) {
    %c0_i32 = arith.constant 0 : i32
    %c0_i32_0 = arith.constant 0 : i32
    %c0_i32_1 = arith.constant 0 : i32
    return %c0_i32, %arg0, %c0_i32_0 : i32, i32, i32
  }
  func.func @transform_3(%arg0: i32) -> (i32, i32) {
    %c0_i32 = arith.constant 0 : i32
    %c0_i32_0 = arith.constant 0 : i32
    return %arg0, %c0_i32 : i32, i32
  }
}

</mosaic_0001>

<sc_bundles>
// kernel: kernel.11.cloned.1.call-start
scs
__scs_entry_jumppad:
0x0: {  	(pc) =	sbr.rel $0x88, $3  }
0x1: {  	(tag) =	ssettag $0x0;
	lr =	simm.s32 $0x1  }
0x2: {  	[smem:$0x3F9B] =	sst lr;
	_ =	strace $0xD0000000  }
0x3: {  	_ = 	snop  }
0x4: {  	_ = 	snop  }
0x5: {  	_ = 	snop  }
0x6: {  	_ = 	snop  }
0x7: {  	_ = 	snop  }
__scs_overlays_trampoline_lowered:
0x8: {  	[smem:$0x3FAA] =	sst s0  }
0x9: {  	[smem:$0x3FAB] =	sst s1  }
0xa: {  	[smem:$0x3FAC] =	sst s2  }
0xb: {  	[smem:$0x3FAD] =	sst s3  }
0xc: {  	[smem:$0x3FAE] =	sst s4  }
0xd: {  	[smem:$0x3FAF] =	sst s5  }
0xe: {  	[smem:$0x3FB0] =	sst s6  }
0xf: {  	[smem:$0x3FB1] =	sst s7  }
0x10: {  	[smem:$0x3FB2] =	sst s8  }
0x11: {  	[smem:$0x3FB3] =	sst s9;
	s0 =	simm.s32 @!p0 $0x0  }
0x12: {  	s1 =	sld [smem:$0x3F99];
	s0 =	simm.s32 @p0 $0x1  }
0x13: {  	[smem:$0x3FB4] =	sst s0;
	s0 =	simm.s32 @!p1 $0x0  }
0x14: {  	s2 =	sld [smem:$0x3F98];
	s0 =	simm.s32 @p1 $0x1  }
0x15: {  	[smem:$0x3FB5] =	sst s0;
	s0 =	simm.s32 @!p2 $0x0  }
0x16: {  	s3 =	sld [smem:$0x3FDB];
	s0 =	simm.s32 @p2 $0x1  }
0x17: {  	s4 =	simm.s32 $0x1BF5;
	[smem:$0x3FB7] =	sst s0  }
0x18: {  	s0 =	sld [smem:$0x3F9A];
	_ =	swait.ge [sflag:s4], $0x0  }
0x19: {  	s7 =	sld [smem:$0x3F9B]  }
0x1a: {  	s8 =	sadd.s32 $0xFFFFE003, lr  }
0x1b: {  	s9 =	sadd.s32 $0xFFFFFEF7, lr;
	s5 =	simm.s32 $0xFFFFFFFF;
	p2 =	slt.u32 s8, $0xFFFFF086  }
0x1c: {  	p1 =	slt.u32 s9, $0xF7A;
	s5 =	simm.s32 @!p2 $0x0  }
0x1d: {  	s5 =	simm.s32 @p1 $0x1;
	p0 =	seq.s32 s7, s2  }
0x1e: {  	s7 =	smul.u32 @!p0 $0xF7A, s2;
	p2 =	seq.s32 @!p0 s5, $0x0  }
0x1f: {  	s9 =	smul.u32 $0xF7A, s1;
	s8 =	simm.s32 @!p0 $0x1BF5;
	p2 =	por !p2, p0  }
0x20: {  	[sflag:s8] =	ssyncset.s32 @!p0 $0xFFFFF086;
	s6 =	sadd.s32 @!p0 s3, s7;
	s7 =	simm.s32 @!p0 $0x108  }
0x21: {  	s3 =	sadd.s32 s3, s9;
	s6 =	sadd.s32 @!p0 $0x88, s6;
	s7 =	simm.s32 @p2 $0x1082  }
0x22: {  	[simem:s7], [sflag:s8] =	dma.local @!p0 [hbm:s6], $0xF7A  }
0x23: {  	s9 =	sor.u32 $0xD0000000, s2;
	s6 =	simm.s32 $0x108;
	_ =	swait.ge @!p0 [sflag:s8], $0x0  }
0x24: {  	s3 =	sadd.s32 $0x88, s3;
	s6 =	simm.s32 @!p1 $0x1082;
	[sflag:s4] =	ssyncset.s32 $0xFFFFF086  }
0x25: {  	[simem:s6], [sflag:s4] =	dma.local [hbm:s3], $0xF7A  }
0x26: {  	[smem:$0x3F9B] =	sst s1;
	(tag) =	ssettag s2;
	_ =	strace s9  }
0x27: {  	s1 =	sld [smem:$0x3FAB]  }
0x28: {  	s2 =	sld [smem:$0x3FAC]  }
0x29: {  	s4 =	sld [smem:$0x3FAE]  }
0x2a: {  	p0 =	seq.s32 s5, $0x0;
	s5 =	sld [smem:$0x3FAF]  }
0x2b: {  	s6 =	sld [smem:$0x3FB0]  }
0x2c: {  	s7 =	sld [smem:$0x3FB1]  }
0x2d: {  	s3 =	simm.s32 $0x108;
	s8 =	sld [smem:$0x3FB2]  }
0x2e: {  	s3 =	simm.s32 @!p0 $0x1082;
	s9 =	sld [smem:$0x3FB3]  }
0x2f: {  	lr =	sadd.s32 s0, s3;
	s0 =	sld [smem:$0x3FAA]  }
0x30: {  	s3 =	sld [smem:$0x3FAD]  }
0x31: {  	[smem:$0x3FB6] =	sst s10  }
0x32: {  	s10 =	sld [smem:$0x3FB4];
	_ =	sdelay $0x3  }
0x33: {  	p0 =	seq.s32 s10, $0x1;
	s10 =	sld [smem:$0x3FB6];
	_ =	sdelay $0x3  }
0x34: {  	[smem:$0x3FB6] =	sst s10  }
0x35: {  	s10 =	sld [smem:$0x3FB5];
	_ =	sdelay $0x3  }
0x36: {  	p1 =	seq.s32 s10, $0x1;
	s10 =	sld [smem:$0x3FB6];
	_ =	sdelay $0x3  }
0x37: {  	[smem:$0x3FB6] =	sst s10  }
0x38: {  	s10 =	sld [smem:$0x3FB7]  }
0x39: {  	_ = 	snop;
	(pc) =	sbr.ind lr, $3  }
0x3a: {  	_ = 	snop  }
0x3b: {  	_ = 	snop  }
0x3c: {  	p2 =	seq.s32 s10, $0x1;
	s10 =	sld [smem:$0x3FB6]  }
0x3d: {  	_ =	shalt  }
0x3e: {  	_ =	shalt  }
0x3f: {  	_ =	shalt  }
0x40: {  	_ =	shalt  }
0x41: {  	_ =	shalt  }
0x42: {  	_ =	shalt  }
0x43: {  	_ =	shalt  }
0x44: {  	_ =	shalt  }
0x45: {  	_ =	shalt  }
0x46: {  	_ =	shalt  }
0x47: {  	_ =	shalt  }
0x48: {  	_ =	shalt  }
0x49: {  	_ =	shalt  }
0x4a: {  	_ =	shalt  }
0x4b: {  	_ =	shalt  }
0x4c: {  	_ =	shalt  }
0x4d: {  	_ =	shalt  }
0x4e: {  	_ =	shalt  }
0x4f: {  	_ =	shalt  }
0x50: {  	_ =	shalt  }
0x51: {  	_ =	shalt  }
0x52: {  	_ =	shalt  }
0x53: {  	_ =	shalt  }
0x54: {  	_ =	shalt  }
0x55: {  	_ =	shalt  }
0x56: {  	_ =	shalt  }
0x57: {  	_ =	shalt  }
0x58: {  	_ =	shalt  }
0x59: {  	_ =	shalt  }
0x5a: {  	_ =	shalt  }
0x5b: {  	_ =	shalt  }
0x5c: {  	_ =	shalt  }
0x5d: {  	_ =	shalt  }
0x5e: {  	_ =	shalt  }
0x5f: {  	_ =	shalt  }
0x60: {  	_ =	shalt  }
0x61: {  	_ =	shalt  }
0x62: {  	_ =	shalt  }
0x63: {  	_ =	shalt  }
0x64: {  	_ =	shalt  }
0x65: {  	_ =	shalt  }
0x66: {  	_ =	shalt  }
0x67: {  	_ =	shalt  }
0x68: {  	_ =	shalt  }
0x69: {  	_ =	shalt  }
0x6a: {  	_ =	shalt  }
0x6b: {  	_ =	shalt  }
0x6c: {  	_ =	shalt  }
0x6d: {  	_ =	shalt  }
0x6e: {  	_ =	shalt  }
0x6f: {  	_ =	shalt  }
0x70: {  	_ =	shalt  }
0x71: {  	_ =	shalt  }
0x72: {  	_ =	shalt  }
0x73: {  	_ =	shalt  }
0x74: {  	_ =	shalt  }
0x75: {  	_ =	shalt  }
0x76: {  	_ =	shalt  }
0x77: {  	_ =	shalt  }
0x78: {  	_ =	shalt  }
0x79: {  	_ =	shalt  }
0x7a: {  	_ =	shalt  }
0x7b: {  	_ =	shalt  }
0x7c: {  	_ =	shalt  }
0x7d: {  	_ =	shalt  }
0x7e: {  	_ =	shalt  }
0x7f: {  	_ =	shalt  }
0x80: {  	_ =	shalt  }
0x81: {  	_ =	shalt  }
0x82: {  	_ =	shalt  }
0x83: {  	_ =	shalt  }
0x84: {  	_ =	shalt  }
0x85: {  	_ =	shalt  }
0x86: {  	_ =	shalt  }
0x87: {  	_ =	shalt  }
.Lfunc_end0:
.L_simem_size_0:
called_computation.1_lowered:
.L_overlay_start_0:
0x88: {  	s2 =	sld [smem:$0x3FD9]  }
0x89: {  	s3 =	sld [smem:$0x3FFE];
	_ =	sdelay $0x1  }
0x8a: {  	s1 =	srdreg.scid  }
0x8b: {  	s0 =	sand.u32 $0x1, s1  }
0x8c: {  	s17 =	sshll.u32 s0, $0xA;
	s2 =	sadd.s32 s3, s2  }
0x8d: {  	s2 =	sadd.s32 s2, s17  }
0x8e: {  	[smem:$0x3FC2] =	sst s2  }
0x8f: {  	_ = 	snop  }
0x90: {  	s2 =	sld [smem:$0x3FD0];
	(tm) =	ssettm $0x1  }
0x91: {  	s18 =	sld [smem:$0x3FFB];
	_ =	sdelay $0x3  }
0x92: {  	_ =	strace s18  }
0x93: {  	s3 =	sld [smem:$0x3FFC];
	_ =	sdelay $0x3  }
0x94: {  	_ =	strace s3  }
0x95: {  	s3 =	sld [smem:$0x3FFD];
	_ =	sdelay $0x3  }
0x96: {  	_ =	strace s3  }
0x97: {  	_ =	strace $0x8FFFFFFF  }
0x98: {  	s19 =	sld [smem:$0x3FDB];
	_ =	sdelay $0x1  }
0x99: {  	s4 =	simm.s32 $_scs_section_size  }
0x9a: {  	s5 =	simm.s32 $_size__tile_overlayer_lowered;
	s6 =	simm.s32 $_tile_overlayer_lowered  }
0x9b: {  	s22 =	simm.s32 $0x1BFF;
	s21 =	sshll.u32 s6, $0x1;
	s3 =	sadd.s32 s4, s19  }
0x9c: {  	s7 =	simm.s32 $0x0;
	s20 =	sshll.u32 s5, $0x1;
	s5 =	sadd.s32 s21, s3  }
0x9d: {  	[timem:s7], [sflag:s22] =	dma.local [hbm:s5], s20  }
0x9e: {  	_ =	swait.ge [sflag:s22], s20  }
0x9f: {  	s4 =	ssub.s32 $0x0, s20;
	[sflag:s22] =	ssyncset.done $0x0  }
0xa0: {  	[sflag:s22] =	ssyncadd.s32 s4;
	_ =	sdelay $0x1  }
0xa1: {  	s23 =	simm.s32 $0x1B8B  }
0xa2: {  	_ =	swait.ge [sflag:s23], $0x1  }
0xa3: {  	[sflag:s23] =	ssyncset.done $0x0  }
0xa4: {  	s25 =	simm.s32 $0x1B8E;
	s24 =	sld [smem:$0x3FFE];
	[sflag:s23] =	ssyncadd.s32 $0xFFFFFFFF  }
0xa5: {  	s26 =	simm.s32 $execute0_lowered;
	[smem:$0x3FD2] =	sst s25  }
0xa6: {  	s5 =	sshll.u32 s26, $0x1;
	_ =	strace $0x80000049;
	[dreg:$0x1] =	wrdreg $0xFFFFFFFF  }
0xa7: {  	s28 =	simm.s32 $_size_execute0_lowered;
	s3 =	sadd.s32 s3, s5;
	[dreg:$0x0] =	wrdreg $0x0  }
0xa8: {  	s5 =	sshll.u32 s28, $0x1;
	[dreg:$0x2] =	wrdreg s3  }
0xa9: {  	[dreg:$0x3] =	wrdreg s5  }
0xaa: {  	[dreg:$0x4] =	wrdreg $0xC0  }
0xab: {  	_ =	task [dreg:s7], $0x5FFFF  }
0xac: {  	[dreg:$0x1] =	wrdreg $0xFFFFFFFF  }
0xad: {  	[dreg:$0x0] =	wrdreg $0x60  }
0xae: {  	[dreg:$0x2] =	wrdreg s24  }
0xaf: {  	[dreg:$0x3] =	wrdreg s2  }
0xb0: {  	[dreg:$0x4] =	wrdreg $0xBD800  }
0xb1: {  	[dreg:$0x5] =	wrdreg $0x9  }
0xb2: {  	_ =	task.clear_ibuf [dreg:s7], $0x6FFFF;
	_ =	strace $0x90000049  }
0xb3: {  	s29 =	simm.s32 $0x9;
	_ =	strace $0x8000004B  }
0xb4: {  	_ =	swait.ge [sflag:s29], $0x1  }
0xb5: {  	[sflag:s29] =	ssyncadd.s32 $0xFFFFFFFF  }
0xb6: {  	_ =	strace $0x9000004B  }
0xb7: {  	_ =	sfence  }
0xb8: {  	s30 =	sld [smem:$0x0];
	_ =	sdelay $0x2  }
0xb9: {  	s31 =	sshll.u32 s1, $0xD;
	s1 =	sshrl.u32 s1, $0x2  }
0xba: {  	s3 =	sand.u32 $0x4000, s31;
	s1 =	sadd.s32 s1, s30  }
0xbb: {  	s0 =	sor.u32 s3, s0;
	s1 =	sshll.u32 s1, $0x11  }
0xbc: {  	s0 =	sor.u32 s1, s0  }
0xbd: {  	s0 =	sadd.s32 $0x8F2B, s0  }
0xbe: {  	[sflag:s0] =	ssyncadd.remote.s32 $0x1  }
0xbf: {  	_ =	sfence.sel $0xFFFF  }
0xc0: {  	[dreg:$0x0] =	wrdreg $0xFFFFFFFF;
	(pc) =	sbr.abs _section_cstart, $3  }
0xc1: {  	[dreg:$0x1] =	wrdreg $0xFFFFFFFF  }
0xc2: {  	_ =	task.clear_ibuf [dreg:s7], $0x2FFFF;
	_ =	strace $0x9FFFFFFF  }
0xc3: {  	(tm) =	ssettm $0x7FFFFFFF  }
tec
execute0_lowered:
.L_overlay_start_1:
0x0: {  	(tag) =	ssettag $0x1  }
0x1: {  	s0 =	rddreg [dreg:$0x0]  }
0x2: {  	s2 =	rddreg [dreg:$0x1]  }
0x3: {  	s1 =	rddreg [dreg:$0x2];
	s3 =	srdreg.scid  }
0x4: {  	s12 =	stileid.u32;
	s14 =	simm.s32 $0xB980;
	s15 =	simm.s32 $0xA  }
0x5: {  	s16 =	simm.s32 $0x7;
	s17 =	simm.s32 $0x7800;
	s18 =	simm.s32 $0x50  }
0x6: {  	s19 =	simm.s32 $0x7880;
	s20 =	simm.s32 $0x8;
	s21 =	simm.s32 $0x2800  }
0x7: {  	s28 =	simm.s32 $0x6;
	s29 =	simm.s32 $0x2;
	s6 =	smul.u32 $0x278, s12  }
0x8: {  	s30 =	simm.s32 $0x1;
	s31 =	simm.s32 $0x9;
	s7 =	smul.u32 $0x2710, s12  }
0x9: {  	s5 =	sand.u32 $0x1, s3;
	s3 =	simm.s32 $0x0;
	s9 =	smul.u32 $0x4F000, s12  }
0xa: {  	s11 =	sadd.s32 $0x1C00, s0;
	s10 =	sshll.u32 s12, $0xB;
	s12 =	smul.u32 $0x4E2, s12  }
0xb: {  	s4 =	sadd.s32 $0x6C00, s0;
	s8 =	smul.u32 $0x3200, s5;
	[smem:$0x7FF] =	sst s3  }
0xc: {  	s5 =	ssub.s32 $0x2, s5;
	s2 =	sadd.s32 s2, s10;
	_ =	strace $0x8000004A  }
0xd: {  	s22 =	sshrl.u32 s5, $0x1;
	s23 =	sshrl.u32 s7, $0x3;
	s24 =	sshrl.u32 s9, $0x2  }
0xe: {  	[dreg:$0x4] =	wrdreg s2;
	s26 =	sadd.s32 s12, s11;
	s6 =	sadd.s32 s6, s8  }
0xf: {  	s7 =	sadd.s32 s24, s1;
	s24 =	simm.s32 $0x5000;
	s6 =	sshll.u32 s6, $0x4  }
.Ltmp0:
0x10: {  	s0 =	sadd.s32 s6, s0;
	s6 =	ssub.s32 s5, s22;
	(pc) =	sbr.rel .LBB2_1-.Ltmp0, $4  }
0x11: {  	s5 =	sadd.s32 s11, s23;
	s22 =	simm.s32 $0x7900;
	s23 =	simm.s32 $0x3  }
0x12: {  	s25 =	sadd.s32 $0xA, s5;
	s9 =	sadd.s32 $0x14, s5;
	s10 =	sadd.s32 $0x6AC00, s0  }
0x13: {  	s11 =	smax.u32 s6, $0x1;
	s6 =	sadd.s32 $0x1E, s26;
	s26 =	simm.s32 $0x5  }
0x14: {  	v1 =	vimm.f32 $0.0e+00;
	v0 =	vmov s8;
	s0 =	simm.s32 $0x0;
	[dreg:$0x5] =	wrdreg s25;
	s25 =	simm.s32 $0x4  }
.LBB2_19:
0x15: {  	_ =	swait.ge [sflag:s25], $0x2800  }
0x16: {  	[sflag:s25] =	ssyncset.done $0x0  }
0x17: {  	[sflag:s25] =	ssyncadd.s32 $0xFFFFD800  }
0x18: {  	_ =	swait.ge [sflag:s26], $0x2800  }
0x19: {  	[sflag:s26] =	ssyncset.done $0x0  }
0x1a: {  	[sflag:s26] =	ssyncadd.s32 $0xFFFFD800  }
0x1b: {  	s2 =	stileid.u32;
	_ =	swait.ge [sflag:s28], $0x2800  }
0x1c: {  	s8 =	sshrl.u32 s7, $0x3;
	s0 =	sadd.s32 $0x1, s0;
	[sflag:s28] =	ssyncset.done $0x0  }
0x1d: {  	s2 =	sshll.u32 s2, $0x6;
	p0 =	sne.s32 s0, s11;
	[sflag:s28] =	ssyncadd.s32 $0xFFFFD800  }
.Ltmp1:
0x1e: {  	s2 =	sor.u32 $0x1C0A, s2;
	[bflag:$0x0] =	sbarrier.arrive $0xFFFF;
	(pc) =	sbr.rel @!p0 .LBB2_20-.Ltmp1, $4  }
0x1f: {  	[hbm:s10], [sflag:s2] =	dma.local [spmem:s8], $0x2780  }
0x20: {  	_ =	swait.ge [sflag:s15], $0x2780  }
0x21: {  	[sflag:s15] =	ssyncset.done $0x0  }
0x22: {  	[sflag:s15] =	ssyncadd.s32 $0xFFFFD880  }
.LBB2_1:
0x23: {  	s2 =	rddreg [dreg:$0x4];
	s8 =	simm.s32 $0x7980  }
0x24: {  	[tilespmem:s8], [sflag:$0x7] =	stream.linear.gather [hbm4b:s2+s3], $0x3E80, $0x38;
	[tilespmem:$0x1F980] =	vst v63  }
0x25: {  	[tilespmem:$0xB980] =	vst v1  }
0x26: {  	[tilespmem:$0xB990] =	vst v1  }
0x27: {  	[tilespmem:$0xB9A0] =	vst v1  }
0x28: {  	[tilespmem:$0xB9B0] =	vst v1  }
0x29: {  	[tilespmem:$0xB9C0] =	vst v1  }
0x2a: {  	[tilespmem:$0xB9D0] =	vst v1  }
0x2b: {  	[tilespmem:$0xB9E0] =	vst v1  }
0x2c: {  	[tilespmem:$0xB9F0] =	vst v1  }
0x2d: {  	[tilespmem:$0xBA00] =	vst v1  }
0x2e: {  	[tilespmem:$0xBA10] =	vst v1  }
0x2f: {  	[tilespmem:$0xBA20] =	vst v1  }
0x30: {  	[tilespmem:$0xBA30] =	vst v1  }
0x31: {  	[tilespmem:$0xBA40] =	vst v1  }
0x32: {  	[tilespmem:$0xBA50] =	vst v1  }
0x33: {  	[tilespmem:$0xBA60] =	vst v1  }
0x34: {  	[tilespmem:$0xBA70] =	vst v1  }
0x35: {  	[tilespmem:$0xBA80] =	vst v1  }
0x36: {  	[tilespmem:$0xBA90] =	vst v1  }
0x37: {  	[tilespmem:$0xBAA0] =	vst v1  }
0x38: {  	[tilespmem:$0xBAB0] =	vst v1  }
0x39: {  	[tilespmem:$0xBAC0] =	vst v1  }
0x3a: {  	[tilespmem:$0xBAD0] =	vst v1  }
0x3b: {  	[tilespmem:$0xBAE0] =	vst v1  }
0x3c: {  	[tilespmem:$0xBAF0] =	vst v1  }
0x3d: {  	[tilespmem:$0xBB00] =	vst v1  }
0x3e: {  	[tilespmem:$0xBB10] =	vst v1  }
0x3f: {  	[tilespmem:$0xBB20] =	vst v1  }
0x40: {  	[tilespmem:$0xBB30] =	vst v1  }
0x41: {  	[tilespmem:$0xBB40] =	vst v1  }
0x42: {  	[tilespmem:$0xBB50] =	vst v1  }
0x43: {  	[tilespmem:$0xBB60] =	vst v1  }
0x44: {  	[tilespmem:$0xBB70] =	vst v1  }
0x45: {  	[tilespmem:$0xBB80] =	vst v1  }
0x46: {  	[tilespmem:$0xBB90] =	vst v1  }
0x47: {  	[tilespmem:$0xBBA0] =	vst v1  }
0x48: {  	[tilespmem:$0xBBB0] =	vst v1  }
0x49: {  	[tilespmem:$0xBBC0] =	vst v1  }
0x4a: {  	[tilespmem:$0xBBD0] =	vst v1  }
0x4b: {  	[tilespmem:$0xBBE0] =	vst v1  }
0x4c: {  	[tilespmem:$0xBBF0] =	vst v1  }
0x4d: {  	[tilespmem:$0xBC00] =	vst v1  }
0x4e: {  	[tilespmem:$0xBC10] =	vst v1  }
0x4f: {  	[tilespmem:$0xBC20] =	vst v1  }
0x50: {  	[tilespmem:$0xBC30] =	vst v1  }
0x51: {  	[tilespmem:$0xBC40] =	vst v1  }
0x52: {  	[tilespmem:$0xBC50] =	vst v1  }
0x53: {  	[tilespmem:$0xBC60] =	vst v1  }
0x54: {  	[tilespmem:$0xBC70] =	vst v1  }
0x55: {  	[tilespmem:$0xBC80] =	vst v1  }
0x56: {  	[tilespmem:$0xBC90] =	vst v1  }
0x57: {  	[tilespmem:$0xBCA0] =	vst v1  }
0x58: {  	[tilespmem:$0xBCB0] =	vst v1  }
0x59: {  	[tilespmem:$0xBCC0] =	vst v1  }
0x5a: {  	[tilespmem:$0xBCD0] =	vst v1  }
0x5b: {  	[tilespmem:$0xBCE0] =	vst v1  }
0x5c: {  	[tilespmem:$0xBCF0] =	vst v1  }
0x5d: {  	[tilespmem:$0xBD00] =	vst v1  }
0x5e: {  	[tilespmem:$0xBD10] =	vst v1  }
0x5f: {  	[tilespmem:$0xBD20] =	vst v1  }
0x60: {  	[tilespmem:$0xBD30] =	vst v1  }
0x61: {  	[tilespmem:$0xBD40] =	vst v1  }
0x62: {  	[tilespmem:$0xBD50] =	vst v1  }
0x63: {  	[tilespmem:$0xBD60] =	vst v1  }
0x64: {  	s13 =	sadd.s32 $0x0, s7;
	[tilespmem:$0xBD70] =	vst v1  }
0x65: {  	[spmem:s13] =	stream.linear.scatter [tilespmem:s14], [sflag:$0xA], $0x400, $0x38;
	[tilespmem:$0x1F980] =	vst v63  }
0x66: {  	s2 =	simm.s32 $0x1000;
	_ =	swait.ge [sflag:s15], $0x400  }
.LBB2_2:
0x67: {  	s8 =	sshra.s32 s2, $0x2;
	[sflag:s15] =	ssyncset.done $0x0;
	p0 =	sne.s32 s2, $0x4E000  }
.Ltmp2:
0x68: {  	s8 =	sadd.s32 s8, s7;
	[sflag:s15] =	ssyncadd.s32 $0xFFFFFC00;
	(pc) =	sbr.rel @p0 .LBB2_2-.Ltmp2, $3  }
0x69: {  	[spmem:s8] =	stream.linear.scatter [tilespmem:s14], [sflag:$0xA], $0x400, $0x38;
	[tilespmem:$0x1F980] =	vst v63  }
0x6a: {  	s2 =	sadd.s32 $0x1000, s2;
	_ =	sdelay $0x1  }
0x6b: {  	_ =	swait.ge [sflag:s15], $0x400  }
0x6c: {  	[sflag:s15] =	ssyncset.done $0x0  }
0x6d: {  	[sflag:s15] =	ssyncadd.s32 $0xFFFFFC00  }
0x6e: {  	_ =	swait.ge [sflag:s16], $0x3E80  }
0x6f: {  	[sflag:s16] =	ssyncset.done $0x0  }
0x70: {  	[sflag:s16] =	ssyncadd.s32 $0xFFFFC180  }
0x71: {  	s13 =	simm.s32 $0x0;
	[bflag:$0x0] =	sbarrier.arrive $0xFFFF  }
0x72: {  	[tilespmem:s17], [sflag:$0x7] =	stream.linear.gather [hbm4b:s5+s13], $0x50, $0x38;
	[tilespmem:$0x1F980] =	vst v63  }
0x73: {  	_ =	swait.ge [sflag:s16], $0x50  }
0x74: {  	[sflag:s16] =	ssyncset.done $0x0  }
0x75: {  	[sflag:s16] =	ssyncadd.s32 $0xFFFFFFB0  }
0x76: {  	v2 =	vld [tilespmem:$0x7800]  }
0x77: {  	v3 =	vld [tilespmem:$0x7810]  }
0x78: {  	v4 =	vld [tilespmem:$0x7820]  }
0x79: {  	v5 =	vld [tilespmem:$0x7830]  }
0x7a: {  	v6 =	vld [tilespmem:$0x7840]  }
0x7b: {  	v2 =	vadd.s32 v0, v2  }
0x7c: {  	[tilespmem:$0x7800] =	vst v2;
	v2 =	vadd.s32 v0, v3  }
0x7d: {  	[tilespmem:$0x7810] =	vst v2;
	v2 =	vadd.s32 v0, v4  }
0x7e: {  	[tilespmem:$0x7820] =	vst v2;
	v2 =	vadd.s32 v0, v5  }
0x7f: {  	[tilespmem:$0x7830] =	vst v2;
	v2 =	vadd.s32 v0, v6  }
0x80: {  	[tilespmem:$0x7840] =	vst v2  }
0x81: {  	[tilespmem:s13], [sflag:$0x1] =	stream.indirect.gather [hbm4b:s4+s18], $0x80, s17, s18, $0xb8;
	[tilespmem:$0x1F980] =	vst v63  }
0x82: {  	s2 =	rddreg [dreg:$0x5]  }
0x83: {  	[tilespmem:s19], [sflag:$0x8] =	stream.linear.gather [hbm4b:s2+s13], $0x50, $0x38;
	[tilespmem:$0x1F980] =	vst v63  }
0x84: {  	_ =	swait.ge [sflag:s20], $0x50  }
0x85: {  	[sflag:s20] =	ssyncset.done $0x0  }
0x86: {  	[sflag:s20] =	ssyncadd.s32 $0xFFFFFFB0  }
0x87: {  	v2 =	vld [tilespmem:$0x7880]  }
0x88: {  	v3 =	vld [tilespmem:$0x7890]  }
0x89: {  	v61 =	vld [tilespmem:$0x78A0]  }
0x8a: {  	v62 =	vld [tilespmem:$0x78B0]  }
0x8b: {  	v63 =	vld [tilespmem:$0x78C0]  }
0x8c: {  	v2 =	vadd.s32 v0, v2  }
0x8d: {  	[tilespmem:$0x7880] =	vst v2;
	v2 =	vadd.s32 v0, v3  }
0x8e: {  	[tilespmem:$0x7890] =	vst v2;
	v2 =	vadd.s32 v0, v61  }
0x8f: {  	[tilespmem:$0x78A0] =	vst v2;
	v2 =	vadd.s32 v0, v62  }
.Ltmp3:
0x90: {  	[tilespmem:$0x78B0] =	vst v2;
	v2 =	vadd.s32 v0, v63;
	(pc) =	sbr.rel .LBB2_4-.Ltmp3, $4  }
0x91: {  	[tilespmem:$0x78C0] =	vst v2  }
0x92: {  	[tilespmem:s21], [sflag:$0x2] =	stream.indirect.gather [hbm4b:s4+s18], $0x80, s19, s18, $0xb8;
	[tilespmem:$0x1F980] =	vst v63  }
0x93: {  	s12 =	smov.u32 s6;
	s2 =	simm.s32 $0x7980  }
0x94: {  	[tilespmem:s22], [sflag:$0x9] =	stream.linear.gather [hbm4b:s9+s13], $0x50, $0x38;
	[tilespmem:$0x1F980] =	vst v63  }
.LBB2_11:
0x95: {  	[tilespmem:s19], [sflag:$0x8] =	stream.linear.gather [hbm4b:s12+s3], $0x50, $0x38;
	[tilespmem:$0x1F980] =	vst v63  }
.LBB2_13:
0x96: {  	_ =	swait.ge [sflag:s16], $0x50  }
0x97: {  	[sflag:s16] =	ssyncset.done $0x0  }
0x98: {  	[sflag:s16] =	ssyncadd.s32 $0xFFFFFFB0  }
0x99: {  	v2 =	vld [tilespmem:$0x7800]  }
0x9a: {  	v3 =	vld [tilespmem:$0x7810]  }
0x9b: {  	v4 =	vld [tilespmem:$0x7820]  }
0x9c: {  	v5 =	vld [tilespmem:$0x7830]  }
0x9d: {  	v6 =	vld [tilespmem:$0x7840]  }
0x9e: {  	v2 =	vadd.s32 v0, v2  }
0x9f: {  	[tilespmem:$0x7800] =	vst v2;
	v2 =	vadd.s32 v0, v3  }
0xa0: {  	[tilespmem:$0x7810] =	vst v2;
	v2 =	vadd.s32 v0, v4  }
0xa1: {  	[tilespmem:$0x7820] =	vst v2;
	v2 =	vadd.s32 v0, v5  }
0xa2: {  	[tilespmem:$0x7830] =	vst v2;
	v2 =	vadd.s32 v0, v6  }
0xa3: {  	[tilespmem:$0x7840] =	vst v2  }
0xa4: {  	_ =	swait.ge [sflag:s25], $0x2800  }
0xa5: {  	[sflag:s25] =	ssyncset.done $0x0  }
0xa6: {  	[sflag:s25] =	ssyncadd.s32 $0xFFFFD800  }
0xa7: {  	[tilespmem:s3], [sflag:$0x1] =	stream.indirect.gather [hbm4b:s4+s18], $0x80, s17, s18, $0xb8;
	[tilespmem:$0x1F980] =	vst v63  }
.LBB2_18:
0xa8: {  	s13 =	sadd.s32 $0x1, s13  }
0xa9: {  	p0 =	sne.s32 s13, $0x7D  }
.Ltmp4:
0xaa: {  	_ = 	snop;
	(pc) =	sbr.rel @!p0 .LBB2_19-.Ltmp4, $2  }
0xab: {  	_ =	sdelay $0x2  }
0xac: {  	s12 =	sadd.s32 $0xA, s12;
	s2 =	sadd.s32 $0x80, s2  }
.LBB2_4:
0xad: {  	s8 =	smul.u32 $0xAB, s13;
	_ =	sdelay $0x1  }
0xae: {  	s8 =	sshrl.u32 s8, $0x9  }
0xaf: {  	s8 =	sand.u32 $0x7F, s8  }
0xb0: {  	s8 =	smul.u32 $0x3, s8;
	_ =	sdelay $0x1  }
0xb1: {  	s8 =	ssub.s32 s13, s8  }
0xb2: {  	s8 =	sand.u32 $0xFF, s8  }
0xb3: {  	p0 =	seq.s32 s8, $0x2  }
.Ltmp5:
0xb4: {  	_ = 	snop;
	(pc) =	sbr.rel @p0 .LBB2_14-.Ltmp5, $1  }
0xb5: {  	_ =	sdelay $0x3  }
0xb6: {  	p0 =	seq.s32 s8, $0x1  }
.Ltmp6:
0xb7: {  	_ = 	snop;
	(pc) =	sbr.rel @!p0 .LBB2_6-.Ltmp6, $1  }
0xb8: {  	_ =	sdelay $0x3  }
0xb9: {  	p0 =	sgt.u32 s13, $0x79  }
.Ltmp7:
0xba: {  	_ = 	snop;
	(pc) =	sbr.rel @!p0 .LBB2_11-.Ltmp7, $4  }
0xbb: {  	_ =	swait.ge [sflag:s29], $0x2800  }
0xbc: {  	[sflag:s29] =	ssyncset.done $0x0  }
0xbd: {  	[sflag:s29] =	ssyncadd.s32 $0xFFFFD800  }
0xbe: {  	[spmem:s1] =	stream.indirect.scatter.add.f32 [tilespmem:s21], [sflag:$0x5], $0x80, s2, s18, $0xb8;
	[tilespmem:$0x1F980] =	vst v63  }
0xbf: {  	p0 =	sne.s32 s13, $0x7A  }
.Ltmp8:
0xc0: {  	_ = 	snop;
	(pc) =	sbr.rel @p0 .LBB2_18-.Ltmp8, $4  }
.Ltmp9:
0xc1: {  	_ = 	snop;
	(pc) =	sbr.rel @!p0 .LBB2_13-.Ltmp9, $4  }
0xc2: {  	_ = 	snop  }
0xc3: {  	_ = 	snop  }
0xc4: {  	_ = 	snop  }
0xc5: {  	_ = 	snop  }
.LBB2_14:
0xc6: {  	p0 =	sgt.u32 s13, $0x79  }
.Ltmp10:
0xc7: {  	_ = 	snop;
	(pc) =	sbr.rel @p0 .LBB2_16-.Ltmp10, $4  }
0xc8: {  	_ =	swait.ge [sflag:s23], $0x2800  }
0xc9: {  	[sflag:s23] =	ssyncset.done $0x0  }
0xca: {  	[sflag:s23] =	ssyncadd.s32 $0xFFFFD800  }
0xcb: {  	[spmem:s1] =	stream.indirect.scatter.add.f32 [tilespmem:s24], [sflag:$0x6], $0x80, s2, s18, $0xb8;
	[tilespmem:$0x1F980] =	vst v63  }
.Ltmp11:
0xcc: {  	(pc) =	sbr.rel .LBB2_17-.Ltmp11, $2  }
0xcd: {  	_ =	sdelay $0x2  }
0xce: {  	[tilespmem:s22], [sflag:$0x9] =	stream.linear.gather [hbm4b:s12+s3], $0x50, $0x38;
	[tilespmem:$0x1F980] =	vst v63  }
.LBB2_6:
0xcf: {  	p0 =	sgt.u32 s13, $0x79  }
.Ltmp12:
0xd0: {  	_ = 	snop;
	(pc) =	sbr.rel @p0 .LBB2_8-.Ltmp12, $4  }
0xd1: {  	_ =	swait.ge [sflag:s30], $0x2800  }
0xd2: {  	[sflag:s30] =	ssyncset.done $0x0  }
0xd3: {  	[sflag:s30] =	ssyncadd.s32 $0xFFFFD800  }
0xd4: {  	[spmem:s1] =	stream.indirect.scatter.add.f32 [tilespmem:s3], [sflag:$0x4], $0x80, s2, s18, $0xb8;
	[tilespmem:$0x1F980] =	vst v63  }
.Ltmp13:
0xd5: {  	(pc) =	sbr.rel .LBB2_9-.Ltmp13, $2  }
0xd6: {  	_ =	sdelay $0x2  }
0xd7: {  	[tilespmem:s17], [sflag:$0x7] =	stream.linear.gather [hbm4b:s12+s3], $0x50, $0x38;
	[tilespmem:$0x1F980] =	vst v63  }
.LBB2_16:
0xd8: {  	p0 =	sne.s32 s13, $0x7A  }
.Ltmp14:
0xd9: {  	_ = 	snop;
	(pc) =	sbr.rel @p0 .LBB2_18-.Ltmp14, $1  }
0xda: {  	_ =	sdelay $0x3  }
.LBB2_17:
0xdb: {  	_ =	swait.ge [sflag:s20], $0x50  }
0xdc: {  	[sflag:s20] =	ssyncset.done $0x0  }
0xdd: {  	[sflag:s20] =	ssyncadd.s32 $0xFFFFFFB0  }
0xde: {  	v2 =	vld [tilespmem:$0x7880]  }
0xdf: {  	v3 =	vld [tilespmem:$0x7890]  }
0xe0: {  	v4 =	vld [tilespmem:$0x78A0]  }
0xe1: {  	v5 =	vld [tilespmem:$0x78B0]  }
0xe2: {  	v6 =	vld [tilespmem:$0x78C0]  }
0xe3: {  	v2 =	vadd.s32 v0, v2  }
0xe4: {  	[tilespmem:$0x7880] =	vst v2;
	v2 =	vadd.s32 v0, v3  }
0xe5: {  	[tilespmem:$0x7890] =	vst v2;
	v2 =	vadd.s32 v0, v4  }
0xe6: {  	[tilespmem:$0x78A0] =	vst v2;
	v2 =	vadd.s32 v0, v5  }
0xe7: {  	p0 =	seq.s32 s13, $0x0;
	[tilespmem:$0x78B0] =	vst v2;
	v2 =	vadd.s32 v0, v6  }
.Ltmp15:
0xe8: {  	s8 =	simm.s32 @!p0 $0x5;
	[tilespmem:$0x78C0] =	vst v2;
	(pc) =	sbr.rel .LBB2_18-.Ltmp15, $4  }
0xe9: {  	_ =	swait.ge @!p0 [sflag:s8], $0x2800  }
0xea: {  	[sflag:s8] =	ssyncset.done @!p0 $0x0  }
0xeb: {  	[sflag:s8] =	ssyncadd.s32 @!p0 $0xFFFFD800  }
0xec: {  	[tilespmem:s21], [sflag:$0x2] =	stream.indirect.gather [hbm4b:s4+s18], $0x80, s19, s18, $0xb8;
	[tilespmem:$0x1F980] =	vst v63  }
.LBB2_8:
0xed: {  	p0 =	sne.s32 s13, $0x7A  }
.Ltmp16:
0xee: {  	_ = 	snop;
	(pc) =	sbr.rel @p0 .LBB2_18-.Ltmp16, $1  }
0xef: {  	_ =	sdelay $0x3  }
.LBB2_9:
0xf0: {  	_ =	swait.ge [sflag:s31], $0x50  }
0xf1: {  	[sflag:s31] =	ssyncset.done $0x0  }
0xf2: {  	[sflag:s31] =	ssyncadd.s32 $0xFFFFFFB0  }
0xf3: {  	v2 =	vld [tilespmem:$0x7900]  }
0xf4: {  	v3 =	vld [tilespmem:$0x7910]  }
0xf5: {  	v4 =	vld [tilespmem:$0x7920]  }
0xf6: {  	v5 =	vld [tilespmem:$0x7930]  }
0xf7: {  	v6 =	vld [tilespmem:$0x7940]  }
0xf8: {  	v2 =	vadd.s32 v0, v2  }
0xf9: {  	[tilespmem:$0x7900] =	vst v2;
	v2 =	vadd.s32 v0, v3  }
0xfa: {  	[tilespmem:$0x7910] =	vst v2;
	v2 =	vadd.s32 v0, v4  }
0xfb: {  	[tilespmem:$0x7920] =	vst v2;
	v2 =	vadd.s32 v0, v5  }
0xfc: {  	p0 =	seq.s32 s13, $0x0;
	[tilespmem:$0x7930] =	vst v2;
	v2 =	vadd.s32 v0, v6  }
.Ltmp17:
0xfd: {  	s8 =	simm.s32 @!p0 $0x6;
	[tilespmem:$0x7940] =	vst v2;
	(pc) =	sbr.rel .LBB2_18-.Ltmp17, $4  }
0xfe: {  	_ =	swait.ge @!p0 [sflag:s8], $0x2800  }
0xff: {  	[sflag:s8] =	ssyncset.done @!p0 $0x0  }
0x100: {  	[sflag:s8] =	ssyncadd.s32 @!p0 $0xFFFFD800  }
0x101: {  	[tilespmem:s24], [sflag:$0x3] =	stream.indirect.gather [hbm4b:s4+s18], $0x80, s22, s18, $0xb8;
	[tilespmem:$0x1F980] =	vst v63  }
.LBB2_20:
0x102: {  	_ =	sfence.sel $0x180000  }
0x103: {  	[bflag:$0x0] =	sbarrier.arrive $0xFFFF  }
0x104: {  	_ =	strace $0x9000004A  }
0x105: {  	s0 =	stileid.u32;
	[bflag:$0x2] =	sbarrier.arrive $0xFFFF  }
0x106: {  	p0 =	sne.s32 s0, $0x0;
	s0 =	rddreg [dreg:$0x3]  }
0x107: {  	s0 =	sadd.s32 @!p0 $0x100000, s0  }
0x108: {  	[sflag:s0] =	ssyncadd.tile.s32 @!p0 $0x1;
	_ =	shalt  }
.Lfunc_end2:
_tile_overlayer_lowered:
.L_overlay_start_2:
0x109: {  	(tag) =	ssettag $0x2  }
0x10a: {  	s0 =	rddreg [dreg:$0x0];
	s2 =	stileid.u32  }
0x10b: {  	s1 =	rddreg [dreg:$0x1];
	p0 =	sne.s32 s2, $0x0  }
0x10c: {  	s3 =	rddreg [dreg:$0x2];
	[bflag:$0x3] =	sbarrier.arrive $0xFFFF;
	s2 =	simm.s32 @!p0 $0x1C0A  }
0x10d: {  	[timem:s3], [sflag:s2] =	dma.local @!p0 [hbm:s0], s1  }
0x10e: {  	s0 =	simm.s32 @!p0 $0xA  }
0x10f: {  	_ =	swait.ge @!p0 [sflag:s0], s1  }
0x110: {  	s1 =	ssub.s32 @!p0 $0x0, s1;
	[sflag:s0] =	ssyncset.done @!p0 $0x0  }
0x111: {  	[sflag:s0] =	ssyncadd.s32 @!p0 s1  }
0x112: {  	[bflag:$0x3] =	sbarrier.arrive $0xFFFF  }
0x113: {  	_ =	shalt  }

// kernel: kernel.14.cloned.1.call-start
scs
__scs_entry_jumppad:
0x0: {  	(pc) =	sbr.rel $0x88, $3  }
0x1: {  	(tag) =	ssettag $0x0;
	lr =	simm.s32 $0x1  }
0x2: {  	[smem:$0x3F9B] =	sst lr;
	_ =	strace $0xD0000000  }
0x3: {  	_ = 	snop  }
0x4: {  	_ = 	snop  }
0x5: {  	_ = 	snop  }
0x6: {  	_ = 	snop  }
0x7: {  	_ = 	snop  }
__scs_overlays_trampoline_lowered:
0x8: {  	[smem:$0x3FAA] =	sst s0  }
0x9: {  	[smem:$0x3FAB] =	sst s1  }
0xa: {  	[smem:$0x3FAC] =	sst s2  }
0xb: {  	[smem:$0x3FAD] =	sst s3  }
0xc: {  	[smem:$0x3FAE] =	sst s4  }
0xd: {  	[smem:$0x3FAF] =	sst s5  }
0xe: {  	[smem:$0x3FB0] =	sst s6  }
0xf: {  	[smem:$0x3FB1] =	sst s7  }
0x10: {  	[smem:$0x3FB2] =	sst s8  }
0x11: {  	[smem:$0x3FB3] =	sst s9;
	s0 =	simm.s32 @!p0 $0x0  }
0x12: {  	s1 =	sld [smem:$0x3F99];
	s0 =	simm.s32 @p0 $0x1  }
0x13: {  	[smem:$0x3FB4] =	sst s0;
	s0 =	simm.s32 @!p1 $0x0  }
0x14: {  	s2 =	sld [smem:$0x3F98];
	s0 =	simm.s32 @p1 $0x1  }
0x15: {  	[smem:$0x3FB5] =	sst s0;
	s0 =	simm.s32 @!p2 $0x0  }
0x16: {  	s3 =	sld [smem:$0x3FDB];
	s0 =	simm.s32 @p2 $0x1  }
0x17: {  	s4 =	simm.s32 $0x1BF5;
	[smem:$0x3FB7] =	sst s0  }
0x18: {  	s0 =	sld [smem:$0x3F9A];
	_ =	swait.ge [sflag:s4], $0x0  }
0x19: {  	s7 =	sld [smem:$0x3F9B]  }
0x1a: {  	s8 =	sadd.s32 $0xFFFFE003, lr  }
0x1b: {  	s9 =	sadd.s32 $0xFFFFFEF7, lr;
	s5 =	simm.s32 $0xFFFFFFFF;
	p2 =	slt.u32 s8, $0xFFFFF086  }
0x1c: {  	p1 =	slt.u32 s9, $0xF7A;
	s5 =	simm.s32 @!p2 $0x0  }
0x1d: {  	s5 =	simm.s32 @p1 $0x1;
	p0 =	seq.s32 s7, s2  }
0x1e: {  	s7 =	smul.u32 @!p0 $0xF7A, s2;
	p2 =	seq.s32 @!p0 s5, $0x0  }
0x1f: {  	s9 =	smul.u32 $0xF7A, s1;
	s8 =	simm.s32 @!p0 $0x1BF5;
	p2 =	por !p2, p0  }
0x20: {  	[sflag:s8] =	ssyncset.s32 @!p0 $0xFFFFF086;
	s6 =	sadd.s32 @!p0 s3, s7;
	s7 =	simm.s32 @!p0 $0x108  }
0x21: {  	s3 =	sadd.s32 s3, s9;
	s6 =	sadd.s32 @!p0 $0x88, s6;
	s7 =	simm.s32 @p2 $0x1082  }
0x22: {  	[simem:s7], [sflag:s8] =	dma.local @!p0 [hbm:s6], $0xF7A  }
0x23: {  	s9 =	sor.u32 $0xD0000000, s2;
	s6 =	simm.s32 $0x108;
	_ =	swait.ge @!p0 [sflag:s8], $0x0  }
0x24: {  	s3 =	sadd.s32 $0x88, s3;
	s6 =	simm.s32 @!p1 $0x1082;
	[sflag:s4] =	ssyncset.s32 $0xFFFFF086  }
0x25: {  	[simem:s6], [sflag:s4] =	dma.local [hbm:s3], $0xF7A  }
0x26: {  	[smem:$0x3F9B] =	sst s1;
	(tag) =	ssettag s2;
	_ =	strace s9  }
0x27: {  	s1 =	sld [smem:$0x3FAB]  }
0x28: {  	s2 =	sld [smem:$0x3FAC]  }
0x29: {  	s4 =	sld [smem:$0x3FAE]  }
0x2a: {  	p0 =	seq.s32 s5, $0x0;
	s5 =	sld [smem:$0x3FAF]  }
0x2b: {  	s6 =	sld [smem:$0x3FB0]  }
0x2c: {  	s7 =	sld [smem:$0x3FB1]  }
0x2d: {  	s3 =	simm.s32 $0x108;
	s8 =	sld [smem:$0x3FB2]  }
0x2e: {  	s3 =	simm.s32 @!p0 $0x1082;
	s9 =	sld [smem:$0x3FB3]  }
0x2f: {  	lr =	sadd.s32 s0, s3;
	s0 =	sld [smem:$0x3FAA]  }
0x30: {  	s3 =	sld [smem:$0x3FAD]  }
0x31: {  	[smem:$0x3FB6] =	sst s10  }
0x32: {  	s10 =	sld [smem:$0x3FB4];
	_ =	sdelay $0x3  }
0x33: {  	p0 =	seq.s32 s10, $0x1;
	s10 =	sld [smem:$0x3FB6];
	_ =	sdelay $0x3  }
0x34: {  	[smem:$0x3FB6] =	sst s10  }
0x35: {  	s10 =	sld [smem:$0x3FB5];
	_ =	sdelay $0x3  }
0x36: {  	p1 =	seq.s32 s10, $0x1;
	s10 =	sld [smem:$0x3FB6];
	_ =	sdelay $0x3  }
0x37: {  	[smem:$0x3FB6] =	sst s10  }
0x38: {  	s10 =	sld [smem:$0x3FB7]  }
0x39: {  	_ = 	snop;
	(pc) =	sbr.ind lr, $3  }
0x3a: {  	_ = 	snop  }
0x3b: {  	_ = 	snop  }
0x3c: {  	p2 =	seq.s32 s10, $0x1;
	s10 =	sld [smem:$0x3FB6]  }
0x3d: {  	_ =	shalt  }
0x3e: {  	_ =	shalt  }
0x3f: {  	_ =	shalt  }
0x40: {  	_ =	shalt  }
0x41: {  	_ =	shalt  }
0x42: {  	_ =	shalt  }
0x43: {  	_ =	shalt  }
0x44: {  	_ =	shalt  }
0x45: {  	_ =	shalt  }
0x46: {  	_ =	shalt  }
0x47: {  	_ =	shalt  }
0x48: {  	_ =	shalt  }
0x49: {  	_ =	shalt  }
0x4a: {  	_ =	shalt  }
0x4b: {  	_ =	shalt  }
0x4c: {  	_ =	shalt  }
0x4d: {  	_ =	shalt  }
0x4e: {  	_ =	shalt  }
0x4f: {  	_ =	shalt  }
0x50: {  	_ =	shalt  }
0x51: {  	_ =	shalt  }
0x52: {  	_ =	shalt  }
0x53: {  	_ =	shalt  }
0x54: {  	_ =	shalt  }
0x55: {  	_ =	shalt  }
0x56: {  	_ =	shalt  }
0x57: {  	_ =	shalt  }
0x58: {  	_ =	shalt  }
0x59: {  	_ =	shalt  }
0x5a: {  	_ =	shalt  }
0x5b: {  	_ =	shalt  }
0x5c: {  	_ =	shalt  }
0x5d: {  	_ =	shalt  }
0x5e: {  	_ =	shalt  }
0x5f: {  	_ =	shalt  }
0x60: {  	_ =	shalt  }
0x61: {  	_ =	shalt  }
0x62: {  	_ =	shalt  }
0x63: {  	_ =	shalt  }
0x64: {  	_ =	shalt  }
0x65: {  	_ =	shalt  }
0x66: {  	_ =	shalt  }
0x67: {  	_ =	shalt  }
0x68: {  	_ =	shalt  }
0x69: {  	_ =	shalt  }
0x6a: {  	_ =	shalt  }
0x6b: {  	_ =	shalt  }
0x6c: {  	_ =	shalt  }
0x6d: {  	_ =	shalt  }
0x6e: {  	_ =	shalt  }
0x6f: {  	_ =	shalt  }
0x70: {  	_ =	shalt  }
0x71: {  	_ =	shalt  }
0x72: {  	_ =	shalt  }
0x73: {  	_ =	shalt  }
0x74: {  	_ =	shalt  }
0x75: {  	_ =	shalt  }
0x76: {  	_ =	shalt  }
0x77: {  	_ =	shalt  }
0x78: {  	_ =	shalt  }
0x79: {  	_ =	shalt  }
0x7a: {  	_ =	shalt  }
0x7b: {  	_ =	shalt  }
0x7c: {  	_ =	shalt  }
0x7d: {  	_ =	shalt  }
0x7e: {  	_ =	shalt  }
0x7f: {  	_ =	shalt  }
0x80: {  	_ =	shalt  }
0x81: {  	_ =	shalt  }
0x82: {  	_ =	shalt  }
0x83: {  	_ =	shalt  }
0x84: {  	_ =	shalt  }
0x85: {  	_ =	shalt  }
0x86: {  	_ =	shalt  }
0x87: {  	_ =	shalt  }
.Lfunc_end0:
.L_simem_size_0:
called_computation.2_lowered:
.L_overlay_start_0:
0x88: {  	s2 =	sld [smem:$0x3FD9]  }
0x89: {  	s3 =	sld [smem:$0x3FFE];
	_ =	sdelay $0x1  }
0x8a: {  	s1 =	srdreg.scid  }
0x8b: {  	s0 =	sand.u32 $0x1, s1  }
0x8c: {  	s17 =	sshll.u32 s0, $0xA;
	s2 =	sadd.s32 s3, s2  }
0x8d: {  	s2 =	sadd.s32 s2, s17  }
0x8e: {  	[smem:$0x3FC2] =	sst s2  }
0x8f: {  	_ = 	snop  }
0x90: {  	s2 =	sld [smem:$0x3FD0];
	(tm) =	ssettm $0x1  }
0x91: {  	s18 =	sld [smem:$0x3FFB];
	_ =	sdelay $0x3  }
0x92: {  	_ =	strace s18  }
0x93: {  	s3 =	sld [smem:$0x3FFC];
	_ =	sdelay $0x3  }
0x94: {  	_ =	strace s3  }
0x95: {  	s3 =	sld [smem:$0x3FFD];
	_ =	sdelay $0x3  }
0x96: {  	_ =	strace s3  }
0x97: {  	_ =	strace $0x8FFFFFFF  }
0x98: {  	s19 =	sld [smem:$0x3FDB];
	_ =	sdelay $0x1  }
0x99: {  	s4 =	simm.s32 $_scs_section_size  }
0x9a: {  	s5 =	simm.s32 $_size__tile_overlayer_lowered;
	s6 =	simm.s32 $_tile_overlayer_lowered  }
0x9b: {  	s22 =	simm.s32 $0x1BFF;
	s21 =	sshll.u32 s6, $0x1;
	s3 =	sadd.s32 s4, s19  }
0x9c: {  	s7 =	simm.s32 $0x0;
	s20 =	sshll.u32 s5, $0x1;
	s5 =	sadd.s32 s21, s3  }
0x9d: {  	[timem:s7], [sflag:s22] =	dma.local [hbm:s5], s20  }
0x9e: {  	_ =	swait.ge [sflag:s22], s20  }
0x9f: {  	s4 =	ssub.s32 $0x0, s20;
	[sflag:s22] =	ssyncset.done $0x0  }
0xa0: {  	[sflag:s22] =	ssyncadd.s32 s4;
	_ =	sdelay $0x1  }
0xa1: {  	s23 =	simm.s32 $0x1B8B  }
0xa2: {  	_ =	swait.ge [sflag:s23], $0x1  }
0xa3: {  	[sflag:s23] =	ssyncset.done $0x0  }
0xa4: {  	s25 =	simm.s32 $0x1B8E;
	s24 =	sld [smem:$0x3FFE];
	[sflag:s23] =	ssyncadd.s32 $0xFFFFFFFF  }
0xa5: {  	s26 =	simm.s32 $execute0_lowered;
	[smem:$0x3FD2] =	sst s25  }
0xa6: {  	s5 =	sshll.u32 s26, $0x1;
	_ =	strace $0x8000004C;
	[dreg:$0x1] =	wrdreg $0xFFFFFFFF  }
0xa7: {  	s28 =	simm.s32 $_size_execute0_lowered;
	s3 =	sadd.s32 s3, s5;
	[dreg:$0x0] =	wrdreg $0x0  }
0xa8: {  	s5 =	sshll.u32 s28, $0x1;
	[dreg:$0x2] =	wrdreg s3  }
0xa9: {  	[dreg:$0x3] =	wrdreg s5  }
0xaa: {  	[dreg:$0x4] =	wrdreg $0xC0  }
0xab: {  	_ =	task [dreg:s7], $0x5FFFF  }
0xac: {  	[dreg:$0x1] =	wrdreg $0xFFFFFFFF  }
0xad: {  	[dreg:$0x0] =	wrdreg $0x60  }
0xae: {  	[dreg:$0x2] =	wrdreg s24  }
0xaf: {  	[dreg:$0x3] =	wrdreg s2  }
0xb0: {  	[dreg:$0x4] =	wrdreg $0xBD800  }
0xb1: {  	[dreg:$0x5] =	wrdreg $0x9  }
0xb2: {  	_ =	task.clear_ibuf [dreg:s7], $0x6FFFF;
	_ =	strace $0x9000004C  }
0xb3: {  	s29 =	simm.s32 $0x9;
	_ =	strace $0x8000004E  }
0xb4: {  	_ =	swait.ge [sflag:s29], $0x1  }
0xb5: {  	[sflag:s29] =	ssyncadd.s32 $0xFFFFFFFF  }
0xb6: {  	_ =	strace $0x9000004E  }
0xb7: {  	_ =	sfence  }
0xb8: {  	s30 =	sld [smem:$0x0];
	_ =	sdelay $0x2  }
0xb9: {  	s31 =	sshll.u32 s1, $0xD;
	s1 =	sshrl.u32 s1, $0x2  }
0xba: {  	s3 =	sand.u32 $0x4000, s31;
	s1 =	sadd.s32 s1, s30  }
0xbb: {  	s0 =	sor.u32 s3, s0;
	s1 =	sshll.u32 s1, $0x11  }
0xbc: {  	s0 =	sor.u32 s1, s0  }
0xbd: {  	s0 =	sadd.s32 $0x8F2B, s0  }
0xbe: {  	[sflag:s0] =	ssyncadd.remote.s32 $0x1  }
0xbf: {  	_ =	sfence.sel $0xFFFF  }
0xc0: {  	[dreg:$0x0] =	wrdreg $0xFFFFFFFF;
	(pc) =	sbr.abs _section_cstart, $3  }
0xc1: {  	[dreg:$0x1] =	wrdreg $0xFFFFFFFF  }
0xc2: {  	_ =	task.clear_ibuf [dreg:s7], $0x2FFFF;
	_ =	strace $0x9FFFFFFF  }
0xc3: {  	(tm) =	ssettm $0x7FFFFFFF  }
tec
execute0_lowered:
.L_overlay_start_1:
0x0: {  	(tag) =	ssettag $0x1  }
0x1: {  	s0 =	rddreg [dreg:$0x0]  }
0x2: {  	s2 =	rddreg [dreg:$0x1]  }
0x3: {  	s1 =	rddreg [dreg:$0x2];
	s3 =	srdreg.scid  }
0x4: {  	s12 =	stileid.u32;
	s14 =	simm.s32 $0xB980;
	s15 =	simm.s32 $0xA  }
0x5: {  	s16 =	simm.s32 $0x7;
	s17 =	simm.s32 $0x7800;
	s18 =	simm.s32 $0x50  }
0x6: {  	s19 =	simm.s32 $0x7880;
	s20 =	simm.s32 $0x8;
	s21 =	simm.s32 $0x2800  }
0x7: {  	s28 =	simm.s32 $0x6;
	s29 =	simm.s32 $0x2;
	s6 =	smul.u32 $0x278, s12  }
0x8: {  	s30 =	simm.s32 $0x1;
	s31 =	simm.s32 $0x9;
	s7 =	smul.u32 $0x2710, s12  }
0x9: {  	s5 =	sand.u32 $0x1, s3;
	s3 =	simm.s32 $0x0;
	s9 =	smul.u32 $0x4F000, s12  }
0xa: {  	s11 =	sadd.s32 $0x1C00, s0;
	s10 =	sshll.u32 s12, $0xB;
	s12 =	smul.u32 $0x4E2, s12  }
0xb: {  	s4 =	sadd.s32 $0xCEC00, s0;
	s8 =	smul.u32 $0x3200, s5;
	[smem:$0x7FF] =	sst s3  }
0xc: {  	s5 =	ssub.s32 $0x2, s5;
	s2 =	sadd.s32 s2, s10;
	_ =	strace $0x8000004D  }
0xd: {  	s22 =	sshrl.u32 s5, $0x1;
	s23 =	sshrl.u32 s7, $0x3;
	s24 =	sshrl.u32 s9, $0x2  }
0xe: {  	[dreg:$0x4] =	wrdreg s2;
	s26 =	sadd.s32 s12, s11;
	s6 =	sadd.s32 s6, s8  }
0xf: {  	s7 =	sadd.s32 s24, s1;
	s24 =	simm.s32 $0x5000;
	s6 =	sshll.u32 s6, $0x4  }
.Ltmp0:
0x10: {  	s0 =	sadd.s32 s6, s0;
	s6 =	ssub.s32 s5, s22;
	(pc) =	sbr.rel .LBB2_1-.Ltmp0, $4  }
0x11: {  	s5 =	sadd.s32 s11, s23;
	s22 =	simm.s32 $0x7900;
	s23 =	simm.s32 $0x3  }
0x12: {  	s25 =	sadd.s32 $0xA, s5;
	s9 =	sadd.s32 $0x14, s5;
	s10 =	sadd.s32 $0x6C00, s0  }
0x13: {  	s11 =	smax.u32 s6, $0x1;
	s6 =	sadd.s32 $0x1E, s26;
	s26 =	simm.s32 $0x5  }
0x14: {  	v1 =	vimm.f32 $0.0e+00;
	v0 =	vmov s8;
	s0 =	simm.s32 $0x0;
	[dreg:$0x5] =	wrdreg s25;
	s25 =	simm.s32 $0x4  }
.LBB2_19:
0x15: {  	_ =	swait.ge [sflag:s25], $0x2800  }
0x16: {  	[sflag:s25] =	ssyncset.done $0x0  }
0x17: {  	[sflag:s25] =	ssyncadd.s32 $0xFFFFD800  }
0x18: {  	_ =	swait.ge [sflag:s26], $0x2800  }
0x19: {  	[sflag:s26] =	ssyncset.done $0x0  }
0x1a: {  	[sflag:s26] =	ssyncadd.s32 $0xFFFFD800  }
0x1b: {  	s2 =	stileid.u32;
	_ =	swait.ge [sflag:s28], $0x2800  }
0x1c: {  	s8 =	sshrl.u32 s7, $0x3;
	s0 =	sadd.s32 $0x1, s0;
	[sflag:s28] =	ssyncset.done $0x0  }
0x1d: {  	s2 =	sshll.u32 s2, $0x6;
	p0 =	sne.s32 s0, s11;
	[sflag:s28] =	ssyncadd.s32 $0xFFFFD800  }
.Ltmp1:
0x1e: {  	s2 =	sor.u32 $0x1C0A, s2;
	[bflag:$0x0] =	sbarrier.arrive $0xFFFF;
	(pc) =	sbr.rel @!p0 .LBB2_20-.Ltmp1, $4  }
0x1f: {  	[hbm:s10], [sflag:s2] =	dma.local [spmem:s8], $0x2780  }
0x20: {  	_ =	swait.ge [sflag:s15], $0x2780  }
0x21: {  	[sflag:s15] =	ssyncset.done $0x0  }
0x22: {  	[sflag:s15] =	ssyncadd.s32 $0xFFFFD880  }
.LBB2_1:
0x23: {  	s2 =	rddreg [dreg:$0x4];
	s8 =	simm.s32 $0x7980  }
0x24: {  	[tilespmem:s8], [sflag:$0x7] =	stream.linear.gather [hbm4b:s2+s3], $0x3E80, $0x38;
	[tilespmem:$0x1F980] =	vst v63  }
0x25: {  	[tilespmem:$0xB980] =	vst v1  }
0x26: {  	[tilespmem:$0xB990] =	vst v1  }
0x27: {  	[tilespmem:$0xB9A0] =	vst v1  }
0x28: {  	[tilespmem:$0xB9B0] =	vst v1  }
0x29: {  	[tilespmem:$0xB9C0] =	vst v1  }
0x2a: {  	[tilespmem:$0xB9D0] =	vst v1  }
0x2b: {  	[tilespmem:$0xB9E0] =	vst v1  }
0x2c: {  	[tilespmem:$0xB9F0] =	vst v1  }
0x2d: {  	[tilespmem:$0xBA00] =	vst v1  }
0x2e: {  	[tilespmem:$0xBA10] =	vst v1  }
0x2f: {  	[tilespmem:$0xBA20] =	vst v1  }
0x30: {  	[tilespmem:$0xBA30] =	vst v1  }
0x31: {  	[tilespmem:$0xBA40] =	vst v1  }
0x32: {  	[tilespmem:$0xBA50] =	vst v1  }
0x33: {  	[tilespmem:$0xBA60] =	vst v1  }
0x34: {  	[tilespmem:$0xBA70] =	vst v1  }
0x35: {  	[tilespmem:$0xBA80] =	vst v1  }
0x36: {  	[tilespmem:$0xBA90] =	vst v1  }
0x37: {  	[tilespmem:$0xBAA0] =	vst v1  }
0x38: {  	[tilespmem:$0xBAB0] =	vst v1  }
0x39: {  	[tilespmem:$0xBAC0] =	vst v1  }
0x3a: {  	[tilespmem:$0xBAD0] =	vst v1  }
0x3b: {  	[tilespmem:$0xBAE0] =	vst v1  }
0x3c: {  	[tilespmem:$0xBAF0] =	vst v1  }
0x3d: {  	[tilespmem:$0xBB00] =	vst v1  }
0x3e: {  	[tilespmem:$0xBB10] =	vst v1  }
0x3f: {  	[tilespmem:$0xBB20] =	vst v1  }
0x40: {  	[tilespmem:$0xBB30] =	vst v1  }
0x41: {  	[tilespmem:$0xBB40] =	vst v1  }
0x42: {  	[tilespmem:$0xBB50] =	vst v1  }
0x43: {  	[tilespmem:$0xBB60] =	vst v1  }
0x44: {  	[tilespmem:$0xBB70] =	vst v1  }
0x45: {  	[tilespmem:$0xBB80] =	vst v1  }
0x46: {  	[tilespmem:$0xBB90] =	vst v1  }
0x47: {  	[tilespmem:$0xBBA0] =	vst v1  }
0x48: {  	[tilespmem:$0xBBB0] =	vst v1  }
0x49: {  	[tilespmem:$0xBBC0] =	vst v1  }
0x4a: {  	[tilespmem:$0xBBD0] =	vst v1  }
0x4b: {  	[tilespmem:$0xBBE0] =	vst v1  }
0x4c: {  	[tilespmem:$0xBBF0] =	vst v1  }
0x4d: {  	[tilespmem:$0xBC00] =	vst v1  }
0x4e: {  	[tilespmem:$0xBC10] =	vst v1  }
0x4f: {  	[tilespmem:$0xBC20] =	vst v1  }
0x50: {  	[tilespmem:$0xBC30] =	vst v1  }
0x51: {  	[tilespmem:$0xBC40] =	vst v1  }
0x52: {  	[tilespmem:$0xBC50] =	vst v1  }
0x53: {  	[tilespmem:$0xBC60] =	vst v1  }
0x54: {  	[tilespmem:$0xBC70] =	vst v1  }
0x55: {  	[tilespmem:$0xBC80] =	vst v1  }
0x56: {  	[tilespmem:$0xBC90] =	vst v1  }
0x57: {  	[tilespmem:$0xBCA0] =	vst v1  }
0x58: {  	[tilespmem:$0xBCB0] =	vst v1  }
0x59: {  	[tilespmem:$0xBCC0] =	vst v1  }
0x5a: {  	[tilespmem:$0xBCD0] =	vst v1  }
0x5b: {  	[tilespmem:$0xBCE0] =	vst v1  }
0x5c: {  	[tilespmem:$0xBCF0] =	vst v1  }
0x5d: {  	[tilespmem:$0xBD00] =	vst v1  }
0x5e: {  	[tilespmem:$0xBD10] =	vst v1  }
0x5f: {  	[tilespmem:$0xBD20] =	vst v1  }
0x60: {  	[tilespmem:$0xBD30] =	vst v1  }
0x61: {  	[tilespmem:$0xBD40] =	vst v1  }
0x62: {  	[tilespmem:$0xBD50] =	vst v1  }
0x63: {  	[tilespmem:$0xBD60] =	vst v1  }
0x64: {  	s13 =	sadd.s32 $0x0, s7;
	[tilespmem:$0xBD70] =	vst v1  }
0x65: {  	[spmem:s13] =	stream.linear.scatter [tilespmem:s14], [sflag:$0xA], $0x400, $0x38;
	[tilespmem:$0x1F980] =	vst v63  }
0x66: {  	s2 =	simm.s32 $0x1000;
	_ =	swait.ge [sflag:s15], $0x400  }
.LBB2_2:
0x67: {  	s8 =	sshra.s32 s2, $0x2;
	[sflag:s15] =	ssyncset.done $0x0;
	p0 =	sne.s32 s2, $0x4E000  }
.Ltmp2:
0x68: {  	s8 =	sadd.s32 s8, s7;
	[sflag:s15] =	ssyncadd.s32 $0xFFFFFC00;
	(pc) =	sbr.rel @p0 .LBB2_2-.Ltmp2, $3  }
0x69: {  	[spmem:s8] =	stream.linear.scatter [tilespmem:s14], [sflag:$0xA], $0x400, $0x38;
	[tilespmem:$0x1F980] =	vst v63  }
0x6a: {  	s2 =	sadd.s32 $0x1000, s2;
	_ =	sdelay $0x1  }
0x6b: {  	_ =	swait.ge [sflag:s15], $0x400  }
0x6c: {  	[sflag:s15] =	ssyncset.done $0x0  }
0x6d: {  	[sflag:s15] =	ssyncadd.s32 $0xFFFFFC00  }
0x6e: {  	_ =	swait.ge [sflag:s16], $0x3E80  }
0x6f: {  	[sflag:s16] =	ssyncset.done $0x0  }
0x70: {  	[sflag:s16] =	ssyncadd.s32 $0xFFFFC180  }
0x71: {  	s13 =	simm.s32 $0x0;
	[bflag:$0x0] =	sbarrier.arrive $0xFFFF  }
0x72: {  	[tilespmem:s17], [sflag:$0x7] =	stream.linear.gather [hbm4b:s5+s13], $0x50, $0x38;
	[tilespmem:$0x1F980] =	vst v63  }
0x73: {  	_ =	swait.ge [sflag:s16], $0x50  }
0x74: {  	[sflag:s16] =	ssyncset.done $0x0  }
0x75: {  	[sflag:s16] =	ssyncadd.s32 $0xFFFFFFB0  }
0x76: {  	v2 =	vld [tilespmem:$0x7800]  }
0x77: {  	v3 =	vld [tilespmem:$0x7810]  }
0x78: {  	v4 =	vld [tilespmem:$0x7820]  }
0x79: {  	v5 =	vld [tilespmem:$0x7830]  }
0x7a: {  	v6 =	vld [tilespmem:$0x7840]  }
0x7b: {  	v2 =	vadd.s32 v0, v2  }
0x7c: {  	[tilespmem:$0x7800] =	vst v2;
	v2 =	vadd.s32 v0, v3  }
0x7d: {  	[tilespmem:$0x7810] =	vst v2;
	v2 =	vadd.s32 v0, v4  }
0x7e: {  	[tilespmem:$0x7820] =	vst v2;
	v2 =	vadd.s32 v0, v5  }
0x7f: {  	[tilespmem:$0x7830] =	vst v2;
	v2 =	vadd.s32 v0, v6  }
0x80: {  	[tilespmem:$0x7840] =	vst v2  }
0x81: {  	[tilespmem:s13], [sflag:$0x1] =	stream.indirect.gather [hbm4b:s4+s18], $0x80, s17, s18, $0xb8;
	[tilespmem:$0x1F980] =	vst v63  }
0x82: {  	s2 =	rddreg [dreg:$0x5]  }
0x83: {  	[tilespmem:s19], [sflag:$0x8] =	stream.linear.gather [hbm4b:s2+s13], $0x50, $0x38;
	[tilespmem:$0x1F980] =	vst v63  }
0x84: {  	_ =	swait.ge [sflag:s20], $0x50  }
0x85: {  	[sflag:s20] =	ssyncset.done $0x0  }
0x86: {  	[sflag:s20] =	ssyncadd.s32 $0xFFFFFFB0  }
0x87: {  	v2 =	vld [tilespmem:$0x7880]  }
0x88: {  	v3 =	vld [tilespmem:$0x7890]  }
0x89: {  	v61 =	vld [tilespmem:$0x78A0]  }
0x8a: {  	v62 =	vld [tilespmem:$0x78B0]  }
0x8b: {  	v63 =	vld [tilespmem:$0x78C0]  }
0x8c: {  	v2 =	vadd.s32 v0, v2  }
0x8d: {  	[tilespmem:$0x7880] =	vst v2;
	v2 =	vadd.s32 v0, v3  }
0x8e: {  	[tilespmem:$0x7890] =	vst v2;
	v2 =	vadd.s32 v0, v61  }
0x8f: {  	[tilespmem:$0x78A0] =	vst v2;
	v2 =	vadd.s32 v0, v62  }
.Ltmp3:
0x90: {  	[tilespmem:$0x78B0] =	vst v2;
	v2 =	vadd.s32 v0, v63;
	(pc) =	sbr.rel .LBB2_4-.Ltmp3, $4  }
0x91: {  	[tilespmem:$0x78C0] =	vst v2  }
0x92: {  	[tilespmem:s21], [sflag:$0x2] =	stream.indirect.gather [hbm4b:s4+s18], $0x80, s19, s18, $0xb8;
	[tilespmem:$0x1F980] =	vst v63  }
0x93: {  	s12 =	smov.u32 s6;
	s2 =	simm.s32 $0x7980  }
0x94: {  	[tilespmem:s22], [sflag:$0x9] =	stream.linear.gather [hbm4b:s9+s13], $0x50, $0x38;
	[tilespmem:$0x1F980] =	vst v63  }
.LBB2_11:
0x95: {  	[tilespmem:s19], [sflag:$0x8] =	stream.linear.gather [hbm4b:s12+s3], $0x50, $0x38;
	[tilespmem:$0x1F980] =	vst v63  }
.LBB2_13:
0x96: {  	_ =	swait.ge [sflag:s16], $0x50  }
0x97: {  	[sflag:s16] =	ssyncset.done $0x0  }
0x98: {  	[sflag:s16] =	ssyncadd.s32 $0xFFFFFFB0  }
0x99: {  	v2 =	vld [tilespmem:$0x7800]  }
0x9a: {  	v3 =	vld [tilespmem:$0x7810]  }
0x9b: {  	v4 =	vld [tilespmem:$0x7820]  }
0x9c: {  	v5 =	vld [tilespmem:$0x7830]  }
0x9d: {  	v6 =	vld [tilespmem:$0x7840]  }
0x9e: {  	v2 =	vadd.s32 v0, v2  }
0x9f: {  	[tilespmem:$0x7800] =	vst v2;
	v2 =	vadd.s32 v0, v3  }
0xa0: {  	[tilespmem:$0x7810] =	vst v2;
	v2 =	vadd.s32 v0, v4  }
0xa1: {  	[tilespmem:$0x7820] =	vst v2;
	v2 =	vadd.s32 v0, v5  }
0xa2: {  	[tilespmem:$0x7830] =	vst v2;
	v2 =	vadd.s32 v0, v6  }
0xa3: {  	[tilespmem:$0x7840] =	vst v2  }
0xa4: {  	_ =	swait.ge [sflag:s25], $0x2800  }
0xa5: {  	[sflag:s25] =	ssyncset.done $0x0  }
0xa6: {  	[sflag:s25] =	ssyncadd.s32 $0xFFFFD800  }
0xa7: {  	[tilespmem:s3], [sflag:$0x1] =	stream.indirect.gather [hbm4b:s4+s18], $0x80, s17, s18, $0xb8;
	[tilespmem:$0x1F980] =	vst v63  }
.LBB2_18:
0xa8: {  	s13 =	sadd.s32 $0x1, s13  }
0xa9: {  	p0 =	sne.s32 s13, $0x7D  }
.Ltmp4:
0xaa: {  	_ = 	snop;
	(pc) =	sbr.rel @!p0 .LBB2_19-.Ltmp4, $2  }
0xab: {  	_ =	sdelay $0x2  }
0xac: {  	s12 =	sadd.s32 $0xA, s12;
	s2 =	sadd.s32 $0x80, s2  }
.LBB2_4:
0xad: {  	s8 =	smul.u32 $0xAB, s13;
	_ =	sdelay $0x1  }
0xae: {  	s8 =	sshrl.u32 s8, $0x9  }
0xaf: {  	s8 =	sand.u32 $0x7F, s8  }
0xb0: {  	s8 =	smul.u32 $0x3, s8;
	_ =	sdelay $0x1  }
0xb1: {  	s8 =	ssub.s32 s13, s8  }
0xb2: {  	s8 =	sand.u32 $0xFF, s8  }
0xb3: {  	p0 =	seq.s32 s8, $0x2  }
.Ltmp5:
0xb4: {  	_ = 	snop;
	(pc) =	sbr.rel @p0 .LBB2_14-.Ltmp5, $1  }
0xb5: {  	_ =	sdelay $0x3  }
0xb6: {  	p0 =	seq.s32 s8, $0x1  }
.Ltmp6:
0xb7: {  	_ = 	snop;
	(pc) =	sbr.rel @!p0 .LBB2_6-.Ltmp6, $1  }
0xb8: {  	_ =	sdelay $0x3  }
0xb9: {  	p0 =	sgt.u32 s13, $0x79  }
.Ltmp7:
0xba: {  	_ = 	snop;
	(pc) =	sbr.rel @!p0 .LBB2_11-.Ltmp7, $4  }
0xbb: {  	_ =	swait.ge [sflag:s29], $0x2800  }
0xbc: {  	[sflag:s29] =	ssyncset.done $0x0  }
0xbd: {  	[sflag:s29] =	ssyncadd.s32 $0xFFFFD800  }
0xbe: {  	[spmem:s1] =	stream.indirect.scatter.add.f32 [tilespmem:s21], [sflag:$0x5], $0x80, s2, s18, $0xb8;
	[tilespmem:$0x1F980] =	vst v63  }
0xbf: {  	p0 =	sne.s32 s13, $0x7A  }
.Ltmp8:
0xc0: {  	_ = 	snop;
	(pc) =	sbr.rel @p0 .LBB2_18-.Ltmp8, $4  }
.Ltmp9:
0xc1: {  	_ = 	snop;
	(pc) =	sbr.rel @!p0 .LBB2_13-.Ltmp9, $4  }
0xc2: {  	_ = 	snop  }
0xc3: {  	_ = 	snop  }
0xc4: {  	_ = 	snop  }
0xc5: {  	_ = 	snop  }
.LBB2_14:
0xc6: {  	p0 =	sgt.u32 s13, $0x79  }
.Ltmp10:
0xc7: {  	_ = 	snop;
	(pc) =	sbr.rel @p0 .LBB2_16-.Ltmp10, $4  }
0xc8: {  	_ =	swait.ge [sflag:s23], $0x2800  }
0xc9: {  	[sflag:s23] =	ssyncset.done $0x0  }
0xca: {  	[sflag:s23] =	ssyncadd.s32 $0xFFFFD800  }
0xcb: {  	[spmem:s1] =	stream.indirect.scatter.add.f32 [tilespmem:s24], [sflag:$0x6], $0x80, s2, s18, $0xb8;
	[tilespmem:$0x1F980] =	vst v63  }
.Ltmp11:
0xcc: {  	(pc) =	sbr.rel .LBB2_17-.Ltmp11, $2  }
0xcd: {  	_ =	sdelay $0x2  }
0xce: {  	[tilespmem:s22], [sflag:$0x9] =	stream.linear.gather [hbm4b:s12+s3], $0x50, $0x38;
	[tilespmem:$0x1F980] =	vst v63  }
.LBB2_6:
0xcf: {  	p0 =	sgt.u32 s13, $0x79  }
.Ltmp12:
0xd0: {  	_ = 	snop;
	(pc) =	sbr.rel @p0 .LBB2_8-.Ltmp12, $4  }
0xd1: {  	_ =	swait.ge [sflag:s30], $0x2800  }
0xd2: {  	[sflag:s30] =	ssyncset.done $0x0  }
0xd3: {  	[sflag:s30] =	ssyncadd.s32 $0xFFFFD800  }
0xd4: {  	[spmem:s1] =	stream.indirect.scatter.add.f32 [tilespmem:s3], [sflag:$0x4], $0x80, s2, s18, $0xb8;
	[tilespmem:$0x1F980] =	vst v63  }
.Ltmp13:
0xd5: {  	(pc) =	sbr.rel .LBB2_9-.Ltmp13, $2  }
0xd6: {  	_ =	sdelay $0x2  }
0xd7: {  	[tilespmem:s17], [sflag:$0x7] =	stream.linear.gather [hbm4b:s12+s3], $0x50, $0x38;
	[tilespmem:$0x1F980] =	vst v63  }
.LBB2_16:
0xd8: {  	p0 =	sne.s32 s13, $0x7A  }
.Ltmp14:
0xd9: {  	_ = 	snop;
	(pc) =	sbr.rel @p0 .LBB2_18-.Ltmp14, $1  }
0xda: {  	_ =	sdelay $0x3  }
.LBB2_17:
0xdb: {  	_ =	swait.ge [sflag:s20], $0x50  }
0xdc: {  	[sflag:s20] =	ssyncset.done $0x0  }
0xdd: {  	[sflag:s20] =	ssyncadd.s32 $0xFFFFFFB0  }
0xde: {  	v2 =	vld [tilespmem:$0x7880]  }
0xdf: {  	v3 =	vld [tilespmem:$0x7890]  }
0xe0: {  	v4 =	vld [tilespmem:$0x78A0]  }
0xe1: {  	v5 =	vld [tilespmem:$0x78B0]  }
0xe2: {  	v6 =	vld [tilespmem:$0x78C0]  }
0xe3: {  	v2 =	vadd.s32 v0, v2  }
0xe4: {  	[tilespmem:$0x7880] =	vst v2;
	v2 =	vadd.s32 v0, v3  }
0xe5: {  	[tilespmem:$0x7890] =	vst v2;
	v2 =	vadd.s32 v0, v4  }
0xe6: {  	[tilespmem:$0x78A0] =	vst v2;
	v2 =	vadd.s32 v0, v5  }
0xe7: {  	p0 =	seq.s32 s13, $0x0;
	[tilespmem:$0x78B0] =	vst v2;
	v2 =	vadd.s32 v0, v6  }
.Ltmp15:
0xe8: {  	s8 =	simm.s32 @!p0 $0x5;
	[tilespmem:$0x78C0] =	vst v2;
	(pc) =	sbr.rel .LBB2_18-.Ltmp15, $4  }
0xe9: {  	_ =	swait.ge @!p0 [sflag:s8], $0x2800  }
0xea: {  	[sflag:s8] =	ssyncset.done @!p0 $0x0  }
0xeb: {  	[sflag:s8] =	ssyncadd.s32 @!p0 $0xFFFFD800  }
0xec: {  	[tilespmem:s21], [sflag:$0x2] =	stream.indirect.gather [hbm4b:s4+s18], $0x80, s19, s18, $0xb8;
	[tilespmem:$0x1F980] =	vst v63  }
.LBB2_8:
0xed: {  	p0 =	sne.s32 s13, $0x7A  }
.Ltmp16:
0xee: {  	_ = 	snop;
	(pc) =	sbr.rel @p0 .LBB2_18-.Ltmp16, $1  }
0xef: {  	_ =	sdelay $0x3  }
.LBB2_9:
0xf0: {  	_ =	swait.ge [sflag:s31], $0x50  }
0xf1: {  	[sflag:s31] =	ssyncset.done $0x0  }
0xf2: {  	[sflag:s31] =	ssyncadd.s32 $0xFFFFFFB0  }
0xf3: {  	v2 =	vld [tilespmem:$0x7900]  }
0xf4: {  	v3 =	vld [tilespmem:$0x7910]  }
0xf5: {  	v4 =	vld [tilespmem:$0x7920]  }
0xf6: {  	v5 =	vld [tilespmem:$0x7930]  }
0xf7: {  	v6 =	vld [tilespmem:$0x7940]  }
0xf8: {  	v2 =	vadd.s32 v0, v2  }
0xf9: {  	[tilespmem:$0x7900] =	vst v2;
	v2 =	vadd.s32 v0, v3  }
0xfa: {  	[tilespmem:$0x7910] =	vst v2;
	v2 =	vadd.s32 v0, v4  }
0xfb: {  	[tilespmem:$0x7920] =	vst v2;
	v2 =	vadd.s32 v0, v5  }
0xfc: {  	p0 =	seq.s32 s13, $0x0;
	[tilespmem:$0x7930] =	vst v2;
	v2 =	vadd.s32 v0, v6  }
.Ltmp17:
0xfd: {  	s8 =	simm.s32 @!p0 $0x6;
	[tilespmem:$0x7940] =	vst v2;
	(pc) =	sbr.rel .LBB2_18-.Ltmp17, $4  }
0xfe: {  	_ =	swait.ge @!p0 [sflag:s8], $0x2800  }
0xff: {  	[sflag:s8] =	ssyncset.done @!p0 $0x0  }
0x100: {  	[sflag:s8] =	ssyncadd.s32 @!p0 $0xFFFFD800  }
0x101: {  	[tilespmem:s24], [sflag:$0x3] =	stream.indirect.gather [hbm4b:s4+s18], $0x80, s22, s18, $0xb8;
	[tilespmem:$0x1F980] =	vst v63  }
.LBB2_20:
0x102: {  	_ =	sfence.sel $0x180000  }
0x103: {  	[bflag:$0x0] =	sbarrier.arrive $0xFFFF  }
0x104: {  	_ =	strace $0x9000004D  }
0x105: {  	s0 =	stileid.u32;
	[bflag:$0x2] =	sbarrier.arrive $0xFFFF  }
0x106: {  	p0 =	sne.s32 s0, $0x0;
	s0 =	rddreg [dreg:$0x3]  }
0x107: {  	s0 =	sadd.s32 @!p0 $0x100000, s0  }
0x108: {  	[sflag:s0] =	ssyncadd.tile.s32 @!p0 $0x1;
	_ =	shalt  }
.Lfunc_end2:
_tile_overlayer_lowered:
.L_overlay_start_2:
0x109: {  	(tag) =	ssettag $0x2  }
0x10a: {  	s0 =	rddreg [dreg:$0x0];
	s2 =	stileid.u32  }
0x10b: {  	s1 =	rddreg [dreg:$0x1];
	p0 =	sne.s32 s2, $0x0  }
0x10c: {  	s3 =	rddreg [dreg:$0x2];
	[bflag:$0x3] =	sbarrier.arrive $0xFFFF;
	s2 =	simm.s32 @!p0 $0x1C0A  }
0x10d: {  	[timem:s3], [sflag:s2] =	dma.local @!p0 [hbm:s0], s1  }
0x10e: {  	s0 =	simm.s32 @!p0 $0xA  }
0x10f: {  	_ =	swait.ge @!p0 [sflag:s0], s1  }
0x110: {  	s1 =	ssub.s32 @!p0 $0x0, s1;
	[sflag:s0] =	ssyncset.done @!p0 $0x0  }
0x111: {  	[sflag:s0] =	ssyncadd.s32 @!p0 s1  }
0x112: {  	[bflag:$0x3] =	sbarrier.arrive $0xFFFF  }
0x113: {  	_ =	shalt  }

// kernel: kernel.8.cloned.1.call-start
scs
__scs_entry_jumppad:
0x0: {  	(pc) =	sbr.rel $0x88, $3  }
0x1: {  	(tag) =	ssettag $0x0;
	lr =	simm.s32 $0x1  }
0x2: {  	[smem:$0x3F9B] =	sst lr;
	_ =	strace $0xD0000000  }
0x3: {  	_ = 	snop  }
0x4: {  	_ = 	snop  }
0x5: {  	_ = 	snop  }
0x6: {  	_ = 	snop  }
0x7: {  	_ = 	snop  }
__scs_overlays_trampoline_lowered:
0x8: {  	[smem:$0x3FAA] =	sst s0  }
0x9: {  	[smem:$0x3FAB] =	sst s1  }
0xa: {  	[smem:$0x3FAC] =	sst s2  }
0xb: {  	[smem:$0x3FAD] =	sst s3  }
0xc: {  	[smem:$0x3FAE] =	sst s4  }
0xd: {  	[smem:$0x3FAF] =	sst s5  }
0xe: {  	[smem:$0x3FB0] =	sst s6  }
0xf: {  	[smem:$0x3FB1] =	sst s7  }
0x10: {  	[smem:$0x3FB2] =	sst s8  }
0x11: {  	[smem:$0x3FB3] =	sst s9;
	s0 =	simm.s32 @!p0 $0x0  }
0x12: {  	s1 =	sld [smem:$0x3F99];
	s0 =	simm.s32 @p0 $0x1  }
0x13: {  	[smem:$0x3FB4] =	sst s0;
	s0 =	simm.s32 @!p1 $0x0  }
0x14: {  	s2 =	sld [smem:$0x3F98];
	s0 =	simm.s32 @p1 $0x1  }
0x15: {  	[smem:$0x3FB5] =	sst s0;
	s0 =	simm.s32 @!p2 $0x0  }
0x16: {  	s3 =	sld [smem:$0x3FDB];
	s0 =	simm.s32 @p2 $0x1  }
0x17: {  	s4 =	simm.s32 $0x1BF5;
	[smem:$0x3FB7] =	sst s0  }
0x18: {  	s0 =	sld [smem:$0x3F9A];
	_ =	swait.ge [sflag:s4], $0x0  }
0x19: {  	s7 =	sld [smem:$0x3F9B]  }
0x1a: {  	s8 =	sadd.s32 $0xFFFFE003, lr  }
0x1b: {  	s9 =	sadd.s32 $0xFFFFFEF7, lr;
	s5 =	simm.s32 $0xFFFFFFFF;
	p2 =	slt.u32 s8, $0xFFFFF086  }
0x1c: {  	p1 =	slt.u32 s9, $0xF7A;
	s5 =	simm.s32 @!p2 $0x0  }
0x1d: {  	s5 =	simm.s32 @p1 $0x1;
	p0 =	seq.s32 s7, s2  }
0x1e: {  	s7 =	smul.u32 @!p0 $0xF7A, s2;
	p2 =	seq.s32 @!p0 s5, $0x0  }
0x1f: {  	s9 =	smul.u32 $0xF7A, s1;
	s8 =	simm.s32 @!p0 $0x1BF5;
	p2 =	por !p2, p0  }
0x20: {  	[sflag:s8] =	ssyncset.s32 @!p0 $0xFFFFF086;
	s6 =	sadd.s32 @!p0 s3, s7;
	s7 =	simm.s32 @!p0 $0x108  }
0x21: {  	s3 =	sadd.s32 s3, s9;
	s6 =	sadd.s32 @!p0 $0x88, s6;
	s7 =	simm.s32 @p2 $0x1082  }
0x22: {  	[simem:s7], [sflag:s8] =	dma.local @!p0 [hbm:s6], $0xF7A  }
0x23: {  	s9 =	sor.u32 $0xD0000000, s2;
	s6 =	simm.s32 $0x108;
	_ =	swait.ge @!p0 [sflag:s8], $0x0  }
0x24: {  	s3 =	sadd.s32 $0x88, s3;
	s6 =	simm.s32 @!p1 $0x1082;
	[sflag:s4] =	ssyncset.s32 $0xFFFFF086  }
0x25: {  	[simem:s6], [sflag:s4] =	dma.local [hbm:s3], $0xF7A  }
0x26: {  	[smem:$0x3F9B] =	sst s1;
	(tag) =	ssettag s2;
	_ =	strace s9  }
0x27: {  	s1 =	sld [smem:$0x3FAB]  }
0x28: {  	s2 =	sld [smem:$0x3FAC]  }
0x29: {  	s4 =	sld [smem:$0x3FAE]  }
0x2a: {  	p0 =	seq.s32 s5, $0x0;
	s5 =	sld [smem:$0x3FAF]  }
0x2b: {  	s6 =	sld [smem:$0x3FB0]  }
0x2c: {  	s7 =	sld [smem:$0x3FB1]  }
0x2d: {  	s3 =	simm.s32 $0x108;
	s8 =	sld [smem:$0x3FB2]  }
0x2e: {  	s3 =	simm.s32 @!p0 $0x1082;
	s9 =	sld [smem:$0x3FB3]  }
0x2f: {  	lr =	sadd.s32 s0, s3;
	s0 =	sld [smem:$0x3FAA]  }
0x30: {  	s3 =	sld [smem:$0x3FAD]  }
0x31: {  	[smem:$0x3FB6] =	sst s10  }
0x32: {  	s10 =	sld [smem:$0x3FB4];
	_ =	sdelay $0x3  }
0x33: {  	p0 =	seq.s32 s10, $0x1;
	s10 =	sld [smem:$0x3FB6];
	_ =	sdelay $0x3  }
0x34: {  	[smem:$0x3FB6] =	sst s10  }
0x35: {  	s10 =	sld [smem:$0x3FB5];
	_ =	sdelay $0x3  }
0x36: {  	p1 =	seq.s32 s10, $0x1;
	s10 =	sld [smem:$0x3FB6];
	_ =	sdelay $0x3  }
0x37: {  	[smem:$0x3FB6] =	sst s10  }
0x38: {  	s10 =	sld [smem:$0x3FB7]  }
0x39: {  	_ = 	snop;
	(pc) =	sbr.ind lr, $3  }
0x3a: {  	_ = 	snop  }
0x3b: {  	_ = 	snop  }
0x3c: {  	p2 =	seq.s32 s10, $0x1;
	s10 =	sld [smem:$0x3FB6]  }
0x3d: {  	_ =	shalt  }
0x3e: {  	_ =	shalt  }
0x3f: {  	_ =	shalt  }
0x40: {  	_ =	shalt  }
0x41: {  	_ =	shalt  }
0x42: {  	_ =	shalt  }
0x43: {  	_ =	shalt  }
0x44: {  	_ =	shalt  }
0x45: {  	_ =	shalt  }
0x46: {  	_ =	shalt  }
0x47: {  	_ =	shalt  }
0x48: {  	_ =	shalt  }
0x49: {  	_ =	shalt  }
0x4a: {  	_ =	shalt  }
0x4b: {  	_ =	shalt  }
0x4c: {  	_ =	shalt  }
0x4d: {  	_ =	shalt  }
0x4e: {  	_ =	shalt  }
0x4f: {  	_ =	shalt  }
0x50: {  	_ =	shalt  }
0x51: {  	_ =	shalt  }
0x52: {  	_ =	shalt  }
0x53: {  	_ =	shalt  }
0x54: {  	_ =	shalt  }
0x55: {  	_ =	shalt  }
0x56: {  	_ =	shalt  }
0x57: {  	_ =	shalt  }
0x58: {  	_ =	shalt  }
0x59: {  	_ =	shalt  }
0x5a: {  	_ =	shalt  }
0x5b: {  	_ =	shalt  }
0x5c: {  	_ =	shalt  }
0x5d: {  	_ =	shalt  }
0x5e: {  	_ =	shalt  }
0x5f: {  	_ =	shalt  }
0x60: {  	_ =	shalt  }
0x61: {  	_ =	shalt  }
0x62: {  	_ =	shalt  }
0x63: {  	_ =	shalt  }
0x64: {  	_ =	shalt  }
0x65: {  	_ =	shalt  }
0x66: {  	_ =	shalt  }
0x67: {  	_ =	shalt  }
0x68: {  	_ =	shalt  }
0x69: {  	_ =	shalt  }
0x6a: {  	_ =	shalt  }
0x6b: {  	_ =	shalt  }
0x6c: {  	_ =	shalt  }
0x6d: {  	_ =	shalt  }
0x6e: {  	_ =	shalt  }
0x6f: {  	_ =	shalt  }
0x70: {  	_ =	shalt  }
0x71: {  	_ =	shalt  }
0x72: {  	_ =	shalt  }
0x73: {  	_ =	shalt  }
0x74: {  	_ =	shalt  }
0x75: {  	_ =	shalt  }
0x76: {  	_ =	shalt  }
0x77: {  	_ =	shalt  }
0x78: {  	_ =	shalt  }
0x79: {  	_ =	shalt  }
0x7a: {  	_ =	shalt  }
0x7b: {  	_ =	shalt  }
0x7c: {  	_ =	shalt  }
0x7d: {  	_ =	shalt  }
0x7e: {  	_ =	shalt  }
0x7f: {  	_ =	shalt  }
0x80: {  	_ =	shalt  }
0x81: {  	_ =	shalt  }
0x82: {  	_ =	shalt  }
0x83: {  	_ =	shalt  }
0x84: {  	_ =	shalt  }
0x85: {  	_ =	shalt  }
0x86: {  	_ =	shalt  }
0x87: {  	_ =	shalt  }
.Lfunc_end0:
.L_simem_size_0:
called_computation_lowered:
.L_overlay_start_0:
0x88: {  	s2 =	sld [smem:$0x3FD9]  }
0x89: {  	s3 =	sld [smem:$0x3FFE];
	_ =	sdelay $0x1  }
0x8a: {  	s1 =	srdreg.scid  }
0x8b: {  	s0 =	sand.u32 $0x1, s1  }
0x8c: {  	s16 =	sshll.u32 s0, $0xA;
	s2 =	sadd.s32 s3, s2  }
0x8d: {  	s2 =	sadd.s32 s2, s16  }
0x8e: {  	[smem:$0x3FC2] =	sst s2  }
0x8f: {  	_ = 	snop  }
0x90: {  	(tm) =	ssettm $0x1  }
0x91: {  	s17 =	sld [smem:$0x3FFB];
	_ =	sdelay $0x3  }
0x92: {  	_ =	strace s17  }
0x93: {  	s2 =	sld [smem:$0x3FFC];
	_ =	sdelay $0x3  }
0x94: {  	_ =	strace s2  }
0x95: {  	s2 =	sld [smem:$0x3FFD];
	_ =	sdelay $0x3  }
0x96: {  	_ =	strace s2  }
0x97: {  	_ =	strace $0x8FFFFFFF  }
0x98: {  	s18 =	sld [smem:$0x3FDB];
	_ =	sdelay $0x1  }
0x99: {  	s19 =	simm.s32 $_scs_section_size  }
0x9a: {  	s4 =	simm.s32 $_size__tile_overlayer_lowered;
	s5 =	simm.s32 $_tile_overlayer_lowered  }
0x9b: {  	s22 =	simm.s32 $0x1BFF;
	s21 =	sshll.u32 s5, $0x1;
	s2 =	sadd.s32 s19, s18  }
0x9c: {  	s6 =	simm.s32 $0x0;
	s20 =	sshll.u32 s4, $0x1;
	s4 =	sadd.s32 s21, s2  }
0x9d: {  	[timem:s6], [sflag:s22] =	dma.local [hbm:s4], s20  }
0x9e: {  	_ =	swait.ge [sflag:s22], s20  }
0x9f: {  	s3 =	ssub.s32 $0x0, s20;
	[sflag:s22] =	ssyncset.done $0x0  }
0xa0: {  	[sflag:s22] =	ssyncadd.s32 s3;
	_ =	sdelay $0x1  }
0xa1: {  	s23 =	simm.s32 $0x1B8B  }
0xa2: {  	_ =	swait.ge [sflag:s23], $0x1  }
0xa3: {  	[sflag:s23] =	ssyncset.done $0x0  }
0xa4: {  	s25 =	simm.s32 $0x1B8E;
	s24 =	sld [smem:$0x3FFE];
	[sflag:s23] =	ssyncadd.s32 $0xFFFFFFFF  }
0xa5: {  	s26 =	simm.s32 $execute0_lowered;
	[smem:$0x3FD2] =	sst s25  }
0xa6: {  	s4 =	sshll.u32 s26, $0x1;
	_ =	strace $0x80000046;
	[dreg:$0x1] =	wrdreg $0xFFFFFFFF  }
0xa7: {  	s28 =	simm.s32 $_size_execute0_lowered;
	s2 =	sadd.s32 s2, s4;
	[dreg:$0x0] =	wrdreg $0x0  }
0xa8: {  	s4 =	sshll.u32 s28, $0x1;
	[dreg:$0x2] =	wrdreg s2  }
0xa9: {  	[dreg:$0x3] =	wrdreg s4  }
0xaa: {  	[dreg:$0x4] =	wrdreg $0xC0  }
0xab: {  	_ =	task [dreg:s6], $0x5FFFF  }
0xac: {  	[dreg:$0x1] =	wrdreg $0xFFFFFFFF  }
0xad: {  	[dreg:$0x0] =	wrdreg $0x60  }
0xae: {  	[dreg:$0x2] =	wrdreg s24  }
0xaf: {  	[dreg:$0x3] =	wrdreg $0x5C000  }
0xb0: {  	[dreg:$0x4] =	wrdreg $0x9  }
0xb1: {  	_ =	task.clear_ibuf [dreg:s6], $0x5FFFF;
	_ =	strace $0x90000046  }
0xb2: {  	s29 =	simm.s32 $0x9;
	_ =	strace $0x80000048  }
0xb3: {  	_ =	swait.ge [sflag:s29], $0x1  }
0xb4: {  	[sflag:s29] =	ssyncadd.s32 $0xFFFFFFFF  }
0xb5: {  	_ =	strace $0x90000048  }
0xb6: {  	_ =	sfence  }
0xb7: {  	s30 =	sld [smem:$0x0];
	_ =	sdelay $0x2  }
0xb8: {  	s31 =	sshll.u32 s1, $0xD;
	s1 =	sshrl.u32 s1, $0x2  }
0xb9: {  	s3 =	sand.u32 $0x4000, s31;
	s1 =	sadd.s32 s1, s30  }
0xba: {  	s0 =	sor.u32 s3, s0;
	s1 =	sshll.u32 s1, $0x11  }
0xbb: {  	s0 =	sor.u32 s1, s0  }
0xbc: {  	s0 =	sadd.s32 $0x8F2B, s0  }
0xbd: {  	[sflag:s0] =	ssyncadd.remote.s32 $0x1  }
0xbe: {  	_ =	sfence.sel $0xFFFF  }
0xbf: {  	[dreg:$0x0] =	wrdreg $0xFFFFFFFF;
	(pc) =	sbr.abs _section_cstart, $3  }
0xc0: {  	[dreg:$0x1] =	wrdreg $0xFFFFFFFF  }
0xc1: {  	_ =	task.clear_ibuf [dreg:s6], $0x2FFFF;
	_ =	strace $0x9FFFFFFF  }
0xc2: {  	(tm) =	ssettm $0x7FFFFFFF  }
0xc3: {  	_ =	shalt  }
tec
execute0_lowered:
.L_overlay_start_1:
0x0: {  	(tag) =	ssettag $0x1  }
0x1: {  	s4 =	rddreg [dreg:$0x0]  }
0x2: {  	s2 =	rddreg [dreg:$0x1];
	s1 =	srdreg.scid  }
0x3: {  	s0 =	rddreg [dreg:$0x2];
	s3 =	simm.s32 $0x0;
	s10 =	simm.s32 $0x1  }
0x4: {  	s11 =	simm.s32 $0x7D;
	s12 =	simm.s32 $0x1400;
	s5 =	sand.u32 $0x1, s1  }
0x5: {  	s15 =	simm.s32 $0x0;
	s1 =	stileid.u32;
	s6 =	smul.u32 $0x140000, s5  }
0x6: {  	[smem:$0x7FF] =	sst s3;
	s7 =	sshll.u32 s5, $0x4;
	s8 =	smul.u32 $0x14000, s1  }
0x7: {  	_ =	strace $0x80000047;
	s5 =	ssub.s32 $0x2, s5;
	s29 =	smul.u32 $0x50000, s1  }
0x8: {  	s13 =	sshll.u32 s1, $0x6;
	s7 =	sor.u32 s1, s7;
	s30 =	sshrl.u32 s5, $0x1  }
0x9: {  	s13 =	sor.u32 $0x1C02, s13;
	s7 =	smul.u32 $0x280, s7;
	s6 =	sadd.s32 s8, s6  }
0xa: {  	s9 =	ssub.s32 s5, s30;
	s31 =	sshrl.u32 s29, $0x2;
	s8 =	simm.s32 $0x5400  }
0xb: {  	s6 =	sshrl.u32 s6, $0x3;
	s5 =	sadd.s32 s31, s2;
	s7 =	sadd.s32 s7, s4  }
0xc: {  	s6 =	sadd.s32 s6, s4;
	s14 =	sshrl.u32 s5, $0x3;
	s4 =	sadd.s32 $0x6C00, s7  }
0xd: {  	v0 =	vimm.f32 $1.000000000e+00;
	v1 =	vimm.f32 $0.0e+00;
	s6 =	sadd.s32 $0xBC00, s6;
	s7 =	smax.u32 s9, $0x1;
	s9 =	simm.s32 $0x2  }
.LBB2_1:
0xe: {  	[tilespmem:s3], [sflag:$0x1] =	stream.linear.gather [hbm4b:s4+s3], $0x1400, $0x38;
	[tilespmem:$0x8400] =	vst v63  }
0xf: {  	s16 =	simm.s32 $0x200;
	s17 =	simm.s32 $0x0  }
.LBB2_2:
0x10: {  	p0 =	sne.s32 s16, $0xF800;
	[tilespmem:s17+$0x1400] =	vst v0;
	s17 =	smov.u32 s16;
	s16 =	sadd.s32 $0x200, s16  }
.Ltmp0:
0x11: {  	(pc) =	sbr.rel @p0 .LBB2_2-.Ltmp0, $2  }
0x12: {  	_ =	sdelay $0x2  }
0x13: {  	s17 =	sshra.s32 s17, $0x2  }
0x14: {  	[tilespmem:s17+$0x1400] =	vst v0  }
0x15: {  	[tilespmem:$0x5400] =	vst v1  }
0x16: {  	[tilespmem:$0x5480] =	vst v1  }
0x17: {  	[tilespmem:$0x5500] =	vst v1  }
0x18: {  	[tilespmem:$0x5580] =	vst v1  }
0x19: {  	[tilespmem:$0x5600] =	vst v1  }
0x1a: {  	[tilespmem:$0x5680] =	vst v1  }
0x1b: {  	[tilespmem:$0x5700] =	vst v1  }
0x1c: {  	[tilespmem:$0x5780] =	vst v1  }
0x1d: {  	[tilespmem:$0x5800] =	vst v1  }
0x1e: {  	[tilespmem:$0x5880] =	vst v1  }
0x1f: {  	[tilespmem:$0x5900] =	vst v1  }
0x20: {  	[tilespmem:$0x5980] =	vst v1  }
0x21: {  	[tilespmem:$0x5A00] =	vst v1  }
0x22: {  	[tilespmem:$0x5A80] =	vst v1  }
0x23: {  	[tilespmem:$0x5B00] =	vst v1  }
0x24: {  	s16 =	sadd.s32 $0x0, s5;
	[tilespmem:$0x5B80] =	vst v1  }
0x25: {  	[spmem:s16] =	stream.linear.scatter [tilespmem:s8], [sflag:$0x2], $0x800, $0x38;
	[tilespmem:$0x8400] =	vst v63  }
0x26: {  	s16 =	simm.s32 $0x2000;
	_ =	swait.ge [sflag:s9], $0x800  }
.LBB2_4:
0x27: {  	s17 =	sshra.s32 s16, $0x2;
	[sflag:s9] =	ssyncset.done $0x0;
	p0 =	sne.s32 s16, $0x4E000  }
.Ltmp1:
0x28: {  	s17 =	sadd.s32 s17, s5;
	[sflag:s9] =	ssyncadd.s32 $0xFFFFF800;
	(pc) =	sbr.rel @p0 .LBB2_4-.Ltmp1, $3  }
0x29: {  	[spmem:s17] =	stream.linear.scatter [tilespmem:s8], [sflag:$0x2], $0x800, $0x38;
	[tilespmem:$0x8400] =	vst v63  }
0x2a: {  	s16 =	sadd.s32 $0x2000, s16;
	_ =	sdelay $0x1  }
0x2b: {  	_ =	swait.ge [sflag:s9], $0x800  }
0x2c: {  	[sflag:s9] =	ssyncset.done $0x0  }
0x2d: {  	[sflag:s9] =	ssyncadd.s32 $0xFFFFF800  }
0x2e: {  	_ =	swait.ge [sflag:s10], $0x1400  }
0x2f: {  	[sflag:s10] =	ssyncset.done $0x0  }
0x30: {  	[sflag:s10] =	ssyncadd.s32 $0xFFFFEC00  }
0x31: {  	s16 =	simm.s32 $0x0;
	[bflag:$0x0] =	sbarrier.arrive $0xFFFF  }
0x32: {  	[spmem:s2] =	stream.indirect.scatter.add.f32 [tilespmem:s12], [sflag:$0x2], $0x10, s16, s11, $0xb8;
	[tilespmem:$0x8400] =	vst v63  }
0x33: {  	_ =	swait.ge [sflag:s9], $0x7D0  }
0x34: {  	s16 =	simm.s32 $0x200;
	[sflag:s9] =	ssyncset.done $0x0  }
.LBB2_6:
0x35: {  	s17 =	sshra.s32 s16, $0x2;
	[sflag:s9] =	ssyncadd.s32 $0xFFFFF830;
	p0 =	sne.s32 s16, $0x4E00  }
0x36: {  	[spmem:s2] =	stream.indirect.scatter.add.f32 [tilespmem:s12], [sflag:$0x2], $0x10, s17, s11, $0xb8;
	[tilespmem:$0x8400] =	vst v63  }
.Ltmp2:
0x37: {  	_ = 	snop;
	(pc) =	sbr.rel @p0 .LBB2_6-.Ltmp2, $4  }
0x38: {  	_ = 	snop  }
0x39: {  	s16 =	sadd.s32 $0x200, s16  }
0x3a: {  	_ =	swait.ge [sflag:s9], $0x7D0  }
0x3b: {  	[sflag:s9] =	ssyncset.done $0x0  }
0x3c: {  	s15 =	sadd.s32 $0x1, s15  }
0x3d: {  	[sflag:s9] =	ssyncadd.s32 $0xFFFFF830;
	p0 =	sne.s32 s15, s7  }
.Ltmp3:
0x3e: {  	[bflag:$0x0] =	sbarrier.arrive $0xFFFF;
	(pc) =	sbr.rel @p0 .LBB2_1-.Ltmp3, $4  }
0x3f: {  	[hbm:s6], [sflag:s13] =	dma.local [spmem:s14], $0x2800  }
0x40: {  	_ =	swait.ge [sflag:s9], $0x2800  }
0x41: {  	[sflag:s9] =	ssyncset.done $0x0  }
0x42: {  	[sflag:s9] =	ssyncadd.s32 $0xFFFFD800  }
0x43: {  	_ =	sfence.sel $0x180000  }
0x44: {  	[bflag:$0x0] =	sbarrier.arrive $0xFFFF  }
0x45: {  	p0 =	sne.s32 s1, $0x0;
	_ =	strace $0x90000047  }
0x46: {  	s0 =	sadd.s32 @!p0 $0x100000, s0;
	[bflag:$0x2] =	sbarrier.arrive $0xFFFF  }
0x47: {  	[sflag:s0] =	ssyncadd.tile.s32 @!p0 $0x1;
	_ =	shalt  }
.Lfunc_end2:
_tile_overlayer_lowered:
.L_overlay_start_2:
0x48: {  	(tag) =	ssettag $0x2  }
0x49: {  	s0 =	rddreg [dreg:$0x0];
	s2 =	stileid.u32  }
0x4a: {  	s1 =	rddreg [dreg:$0x1];
	p0 =	sne.s32 s2, $0x0  }
0x4b: {  	s3 =	rddreg [dreg:$0x2];
	[bflag:$0x3] =	sbarrier.arrive $0xFFFF;
	s2 =	simm.s32 @!p0 $0x1C02  }
0x4c: {  	[timem:s3], [sflag:s2] =	dma.local @!p0 [hbm:s0], s1  }
0x4d: {  	s0 =	simm.s32 @!p0 $0x2  }
0x4e: {  	_ =	swait.ge @!p0 [sflag:s0], s1  }
0x4f: {  	s1 =	ssub.s32 @!p0 $0x0, s1;
	[sflag:s0] =	ssyncset.done @!p0 $0x0  }
0x50: {  	[sflag:s0] =	ssyncadd.s32 @!p0 s1  }
0x51: {  	[bflag:$0x3] =	sbarrier.arrive $0xFFFF  }
0x52: {  	_ =	shalt  }

</sc_bundles>
